<compile_context>
chip_gen: v7x
topology: tpu7x:2x2x1
jax: 0.10.2.dev20260603
libtpu: 0.0.44.dev20260713+nightly
codegen_flags: <defaults>
</compile_context>

<pallas_src>
import functools

import jax
import jax.numpy as jnp
from jax import lax
from jax.experimental import pallas as pl
from jax.experimental.pallas import tpu as pltpu
from jax.experimental.pallas import tpu_sc as plsc

N = 10000
E = 320000
D = 128
G = 64
EPS = 1e-5

NC, NS = 2, 16
NW = NC * NS
C = 128
NCHUNK = E // C
NCH_PER, NCH_REM = NCHUNK // NW, NCHUNK % NW
CS = 128
NCHUNK_S = E // CS
NCHS_PER, NCHS_REM = NCHUNK_S // NW, NCHUNK_S % NW
KB = 3
RB = 200
NRB = N // RB
NRB_PER, NRB_REM = NRB // NS, NRB % NS

_MESH = dict(core_axis_name="c", subcore_axis_name="s")


def _deg_kernel(dst_hbm, ones_hbm, z_hbm, out_hbm, idx_d, ones_v, acc):
    c = lax.axis_index("c")
    s = lax.axis_index("s")
    wid = s * NC + c
    pltpu.sync_copy(ones_hbm, ones_v)

    nblk = jnp.where(s < NRB_REM, NRB_PER + 1, NRB_PER)

    def zbody(k, _):
        b = s + NS * k
        pltpu.sync_copy(z_hbm.at[pl.ds(b * RB, RB)], acc.at[pl.ds(b * RB, RB)])
        return 0

    lax.fori_loop(0, nblk, zbody, 0)
    plsc.subcore_barrier()

    nch = jnp.where(wid < NCH_REM, NCH_PER + 1, NCH_PER)

    def ebody(j, _):
        base = (wid + NW * j) * C
        pltpu.sync_copy(dst_hbm.at[pl.ds(base, C)], idx_d)
        pltpu.sync_copy(ones_v, acc.at[idx_d], add=True)
        return 0

    lax.fori_loop(0, nch, ebody, 0)
    plsc.subcore_barrier()

    def obody(k, _):
        b = s + NS * k
        pltpu.sync_copy(acc.at[pl.ds(b * RB, RB)],
                        out_hbm.at[pl.ds(c * N + b * RB, RB)])
        return 0

    lax.fori_loop(0, nblk, obody, 0)


def _sc_degree(dst, ones_c, zeros_nd):
    k = pl.kernel(
        _deg_kernel,
        out_type=jax.ShapeDtypeStruct((NC * N, D), jnp.float32),
        mesh=plsc.VectorSubcoreMesh(**_MESH),
        scratch_types=[
            pltpu.VMEM((C,), jnp.int32),
            pltpu.VMEM((C, D), jnp.float32),
            pltpu.VMEM_SHARED((N, D), jnp.float32),
        ],
    )
    return k(dst, ones_c, zeros_nd)


def _spmm_kernel(xs_hbm, src_hbm, dst_hbm, z_hbm, out_hbm, *scr):
    idx_s = scr[0:KB]
    idx_d = scr[KB:2 * KB]
    rows = scr[2 * KB:3 * KB]
    gsem = scr[3 * KB:4 * KB]
    acc = scr[4 * KB]

    c = lax.axis_index("c")
    s = lax.axis_index("s")
    wid = s * NC + c

    nblk = jnp.where(s < NRB_REM, NRB_PER + 1, NRB_PER)

    def zbody(k, _):
        b = s + NS * k
        pltpu.sync_copy(z_hbm.at[pl.ds(b * RB, RB)], acc.at[pl.ds(b * RB, RB)])
        return 0

    lax.fori_loop(0, nblk, zbody, 0)
    plsc.subcore_barrier()

    nch = jnp.where(wid < NCHS_REM, NCHS_PER + 1, NCHS_PER)
    ngrp = nch // KB

    def load_and_gather(k, j):
        base = (wid + NW * j) * CS
        pltpu.sync_copy(src_hbm.at[pl.ds(base, CS)], idx_s[k])
        pltpu.sync_copy(dst_hbm.at[pl.ds(base, CS)], idx_d[k])
        pltpu.async_copy(xs_hbm.at[idx_s[k]], rows[k], gsem[k])

    for k in range(KB):
        load_and_gather(k, k)

    def group(g, _):
        for k in range(KB):
            pltpu.make_async_copy(xs_hbm.at[idx_s[k]], rows[k], gsem[k]).wait()
            pltpu.sync_copy(rows[k], acc.at[idx_d[k]], add=True)
            load_and_gather(k, (g + 1) * KB + k)
        return 0

    lax.fori_loop(0, ngrp - 1, group, 0)
    for k in range(KB):
        pltpu.make_async_copy(xs_hbm.at[idx_s[k]], rows[k], gsem[k]).wait()
        pltpu.sync_copy(rows[k], acc.at[idx_d[k]], add=True)

    def tail(j, _):
        base = (wid + NW * j) * CS
        pltpu.sync_copy(src_hbm.at[pl.ds(base, CS)], idx_s[0])
        pltpu.sync_copy(dst_hbm.at[pl.ds(base, CS)], idx_d[0])
        pltpu.async_copy(xs_hbm.at[idx_s[0]], rows[0], gsem[0]).wait()
        pltpu.sync_copy(rows[0], acc.at[idx_d[0]], add=True)
        return 0

    lax.fori_loop(ngrp * KB, nch, tail, 0)
    plsc.subcore_barrier()

    def obody(k, _):
        b = s + NS * k
        pltpu.sync_copy(acc.at[pl.ds(b * RB, RB)],
                        out_hbm.at[pl.ds(c * N + b * RB, RB)])
        return 0

    lax.fori_loop(0, nblk, obody, 0)


def _sc_spmm(xs, src, dst, zeros_nd):
    k = pl.kernel(
        _spmm_kernel,
        out_type=jax.ShapeDtypeStruct((NC * N, D), jnp.float32),
        mesh=plsc.VectorSubcoreMesh(**_MESH),
        scratch_types=(
            [pltpu.VMEM((CS,), jnp.int32)] * KB
            + [pltpu.VMEM((CS,), jnp.int32)] * KB
            + [pltpu.VMEM((CS, D), jnp.float32)] * KB
            + [pltpu.SemaphoreType.DMA] * KB
            + [pltpu.VMEM_SHARED((N, D), jnp.float32)]
        ),
    )
    return k(xs, src, dst, zeros_nd)


NB = 1000
NBLKS = N // NB


def _tc_a_body(x_ref, w_ref, degp_ref, xs_ref, dv_ref):
    p = degp_ref[...]
    deg = p[0, :, 0:1] + p[1, :, 0:1] + 1.0
    dinv = lax.rsqrt(deg)
    xw = jnp.dot(x_ref[...], w_ref[...], preferred_element_type=jnp.float32)
    xs_ref[...] = xw * dinv
    dv_ref[...] = jnp.broadcast_to(dinv, (NB, 16))


def _tc_a(x, Wc0, degp):
    return pl.pallas_call(
        _tc_a_body,
        grid=(NBLKS,),
        in_specs=[
            pl.BlockSpec((NB, D), lambda i: (i, 0)),
            pl.BlockSpec((D, D), lambda i: (0, 0)),
            pl.BlockSpec((NC, NB, D), lambda i: (0, i, 0)),
        ],
        out_specs=[
            pl.BlockSpec((NB, D), lambda i: (i, 0)),
            pl.BlockSpec((NB, 16), lambda i: (i, 0)),
        ],
        out_shape=[
            jax.ShapeDtypeStruct((N, D), jnp.float32),
            jax.ShapeDtypeStruct((N, 16), jnp.float32),
        ],
    )(x, Wc0, degp)


def _tc_b1_body(qp_ref, xs_ref, dv_ref, b_ref, t_ref, st_ref):
    i = pl.program_id(0)
    dinv = dv_ref[...][:, 0:1]
    pre = qp_ref[0] + qp_ref[1] + xs_ref[...]
    t = jnp.maximum(pre * dinv + b_ref[...], 0.0)
    t_ref[...] = t

    @pl.when(i == 0)
    def _():
        st_ref[...] = jnp.zeros_like(st_ref)

    st_ref[0:1, :] += jnp.sum(t, axis=0, keepdims=True)
    st_ref[1:2, :] += jnp.sum(t * t, axis=0, keepdims=True)


def _tc_b1(qp, xs0, dinvb, bc0):
    return pl.pallas_call(
        _tc_b1_body,
        grid=(NBLKS,),
        in_specs=[
            pl.BlockSpec((NC, NB, D), lambda i: (0, i, 0)),
            pl.BlockSpec((NB, D), lambda i: (i, 0)),
            pl.BlockSpec((NB, 16), lambda i: (i, 0)),
            pl.BlockSpec((1, D), lambda i: (0, 0)),
        ],
        out_specs=[
            pl.BlockSpec((NB, D), lambda i: (i, 0)),
            pl.BlockSpec((8, D), lambda i: (0, 0)),
        ],
        out_shape=[
            jax.ShapeDtypeStruct((N, D), jnp.float32),
            jax.ShapeDtypeStruct((8, D), jnp.float32),
        ],
    )(qp, xs0, dinvb, bc0)


def _tc_b2_body(t_ref, st_ref, w_ref, dv_ref, g_ref, be_ref, xs_ref):
    dinv = dv_ref[...][:, 0:1]
    m = st_ref[0:1, :] / N
    v = st_ref[1:2, :] / N - m * m
    sc = g_ref[...] * lax.rsqrt(v + EPS)
    h = (t_ref[...] - m) * sc + be_ref[...]
    xw = jnp.dot(h, w_ref[...], preferred_element_type=jnp.float32)
    xs_ref[...] = xw * dinv


def _tc_b2(t1, stats1, Wc1, dinvb, g0, be0):
    return pl.pallas_call(
        _tc_b2_body,
        grid=(NBLKS,),
        in_specs=[
            pl.BlockSpec((NB, D), lambda i: (i, 0)),
            pl.BlockSpec((8, D), lambda i: (0, 0)),
            pl.BlockSpec((D, D), lambda i: (0, 0)),
            pl.BlockSpec((NB, 16), lambda i: (i, 0)),
            pl.BlockSpec((1, D), lambda i: (0, 0)),
            pl.BlockSpec((1, D), lambda i: (0, 0)),
        ],
        out_specs=pl.BlockSpec((NB, D), lambda i: (i, 0)),
        out_shape=jax.ShapeDtypeStruct((N, D), jnp.float32),
    )(t1, stats1, Wc1, dinvb, g0, be0)


def _tc_c1_body(rp_ref, xs_ref, dv_ref, b_ref, batch_ref,
                st_ref, pool_ref, cnt_ref):
    i = pl.program_id(0)
    dinv = dv_ref[...][:, 0:1]
    pre = rp_ref[0] + rp_ref[1] + xs_ref[...]
    t = jnp.maximum(pre * dinv + b_ref[...], 0.0)

    @pl.when(i == 0)
    def _():
        st_ref[...] = jnp.zeros_like(st_ref)
        pool_ref[...] = jnp.zeros_like(pool_ref)
        cnt_ref[...] = jnp.zeros_like(cnt_ref)

    st_ref[0:1, :] += jnp.sum(t, axis=0, keepdims=True)
    st_ref[1:2, :] += jnp.sum(t * t, axis=0, keepdims=True)

    gid = lax.broadcasted_iota(jnp.int32, (1, G), 1)
    oh = (batch_ref[...] == gid).astype(jnp.float32)
    dn = (((0,), (0,)), ((), ()))
    pool_ref[...] += lax.dot_general(oh, t, dn,
                                     precision=lax.Precision.HIGHEST,
                                     preferred_element_type=jnp.float32)
    cnt_ref[...] += lax.dot_general(oh, jnp.ones_like(t), dn,
                                    precision=lax.Precision.HIGHEST,
                                    preferred_element_type=jnp.float32)


def _tc_c1(rp, xs1, dinvb, bc1, batch2d):
    return pl.pallas_call(
        _tc_c1_body,
        grid=(NBLKS,),
        in_specs=[
            pl.BlockSpec((NC, NB, D), lambda i: (0, i, 0)),
            pl.BlockSpec((NB, D), lambda i: (i, 0)),
            pl.BlockSpec((NB, 16), lambda i: (i, 0)),
            pl.BlockSpec((1, D), lambda i: (0, 0)),
            pl.BlockSpec((NB, 1), lambda i: (i, 0)),
        ],
        out_specs=[
            pl.BlockSpec((8, D), lambda i: (0, 0)),
            pl.BlockSpec((G, D), lambda i: (0, 0)),
            pl.BlockSpec((G, D), lambda i: (0, 0)),
        ],
        out_shape=[
            jax.ShapeDtypeStruct((8, D), jnp.float32),
            jax.ShapeDtypeStruct((G, D), jnp.float32),
            jax.ShapeDtypeStruct((G, D), jnp.float32),
        ],
    )(rp, xs1, dinvb, bc1, batch2d)


def _bn_rows(y, g, be):
    m = jnp.mean(y, axis=0, keepdims=True)
    v = jnp.mean(y * y, axis=0, keepdims=True) - m * m
    return (y - m) * lax.rsqrt(v + EPS) * g + be


def _tc_c2_body(st_ref, pool_ref, cnt_ref, g1_ref, be1_ref,
                wh0_ref, bh0_ref, gh0_ref, beh0_ref,
                wh1_ref, bh1_ref, gh1_ref, beh1_ref,
                wo_ref, bo_ref, out_ref):
    m2 = st_ref[0:1, :] / N
    v2 = st_ref[1:2, :] / N - m2 * m2
    s2 = g1_ref[...] * lax.rsqrt(v2 + EPS)
    cnt = cnt_ref[...]
    ph = (pool_ref[...] - cnt * m2) * s2 + cnt * be1_ref[...]
    y = jnp.maximum(jnp.dot(ph, wh0_ref[...],
                            preferred_element_type=jnp.float32)
                    + bh0_ref[...], 0.0)
    y = _bn_rows(y, gh0_ref[...], beh0_ref[...])
    y = jnp.maximum(jnp.dot(y, wh1_ref[...],
                            preferred_element_type=jnp.float32)
                    + bh1_ref[...], 0.0)
    y = _bn_rows(y, gh1_ref[...], beh1_ref[...])
    out_ref[...] = jnp.dot(y, wo_ref[...],
                           preferred_element_type=jnp.float32) + bo_ref[...]


def _tc_c2(stats2, pool, cnt, g1, be1, Wh0, bh0, gh0, beh0,
           Wh1, bh1, gh1, beh1, Wo, bo):
    row = pl.BlockSpec((1, D), lambda: (0, 0))
    return pl.pallas_call(
        _tc_c2_body,
        in_specs=[
            pl.BlockSpec((8, D), lambda: (0, 0)),
            pl.BlockSpec((G, D), lambda: (0, 0)),
            pl.BlockSpec((G, D), lambda: (0, 0)),
            row, row,
            pl.BlockSpec((D, D), lambda: (0, 0)), row, row, row,
            pl.BlockSpec((D, D), lambda: (0, 0)), row, row, row,
            pl.BlockSpec((D, 1), lambda: (0, 0)),
            pl.BlockSpec((1, 1), lambda: (0, 0)),
        ],
        out_specs=pl.BlockSpec((G, 1), lambda: (0, 0)),
        out_shape=jax.ShapeDtypeStruct((G, 1), jnp.float32),
    )(stats2, pool, cnt, g1, be1, Wh0, bh0, gh0, beh0,
      Wh1, bh1, gh1, beh1, Wo, bo)


def kernel(x, edge_index, batch, Wc0, bc0, g0, be0, Wc1, bc1, g1, be1,
           Wh0, bh0, gh0, beh0, Wh1, bh1, gh1, beh1, Wo, bo):
    src = edge_index[0]
    dst = edge_index[1]
    batch2d = batch.reshape(N, 1)
    bc0r = bc0.reshape(1, D)
    bc1r = bc1.reshape(1, D)
    g0r, be0r = g0.reshape(1, D), be0.reshape(1, D)
    g1r, be1r = g1.reshape(1, D), be1.reshape(1, D)
    bh0r, gh0r, beh0r = bh0.reshape(1, D), gh0.reshape(1, D), beh0.reshape(1, D)
    bh1r, gh1r, beh1r = bh1.reshape(1, D), gh1.reshape(1, D), beh1.reshape(1, D)
    bor = bo.reshape(1, 1)

    zeros_nd = jnp.zeros((N, D), jnp.float32)
    ones_c = jnp.ones((C, D), jnp.float32)

    degp = _sc_degree(dst, ones_c, zeros_nd).reshape(NC, N, D)
    xs0, dinvb = _tc_a(x, Wc0, degp)
    qp = _sc_spmm(xs0, src, dst, zeros_nd).reshape(NC, N, D)
    t1, stats1 = _tc_b1(qp, xs0, dinvb, bc0r)
    xs1 = _tc_b2(t1, stats1, Wc1, dinvb, g0r, be0r)
    rp = _sc_spmm(xs1, src, dst, zeros_nd).reshape(NC, N, D)
    stats2, pool, cnt = _tc_c1(rp, xs1, dinvb, bc1r, batch2d)
    return _tc_c2(stats2, pool, cnt, g1r, be1r, Wh0, bh0r, gh0r, beh0r,
                  Wh1, bh1r, gh1r, beh1r, Wo, bor)

# --- scband reference (transcript-rebuilt; emitter-appended) ---
"""Pipeline reference for scband-gcn-75660143886886 (READ-ONLY COPY).

The authoritative reference and input builder live on the scoring server;
editing this copy changes nothing except your own understanding.
"""

import jax, jax.numpy as jnp
import numpy as np

N = 10000
E = 320000
D = 128
H = 128
G = 64

def setup_inputs(seed: int = 0):
    key = jax.random.key(seed)
    ks = jax.random.split(key, 16)
    inp = {}
    inp["x"] = jax.random.normal(ks[0], (N, D), dtype=jnp.float32)
    inp["edge_index"] = jax.random.randint(ks[1], (2, E), 0, N, dtype=jnp.int32)
    inp["batch"] = jnp.sort(jax.random.randint(ks[2], (N,), 0, G, dtype=jnp.int32))
    inp["Wc0"] = jax.random.normal(ks[3], (D, H), dtype=jnp.float32) * 0.05
    inp["bc0"] = jnp.zeros((H,), dtype=jnp.float32)
    inp["g0"] = jnp.ones((H,), dtype=jnp.float32)
    inp["be0"] = jnp.zeros((H,), dtype=jnp.float32)
    inp["Wc1"] = jax.random.normal(ks[4], (H, H), dtype=jnp.float32) * 0.05
    inp["bc1"] = jnp.zeros((H,), dtype=jnp.float32)
    inp["g1"] = jnp.ones((H,), dtype=jnp.float32)
    inp["be1"] = jnp.zeros((H,), dtype=jnp.float32)
    inp["Wh0"] = jax.random.normal(ks[5], (H, H), dtype=jnp.float32) * 0.05
    inp["bh0"] = jnp.zeros((H,), dtype=jnp.float32)
    inp["gh0"] = jnp.ones((H,), dtype=jnp.float32)
    inp["beh0"] = jnp.zeros((H,), dtype=jnp.float32)
    inp["Wh1"] = jax.random.normal(ks[6], (H, H), dtype=jnp.float32) * 0.05
    inp["bh1"] = jnp.zeros((H,), dtype=jnp.float32)
    inp["gh1"] = jnp.ones((H,), dtype=jnp.float32)
    inp["beh1"] = jnp.zeros((H,), dtype=jnp.float32)
    inp["Wo"] = jax.random.normal(ks[7], (H, 1), dtype=jnp.float32) * 0.05
    inp["bo"] = jnp.zeros((1,), dtype=jnp.float32)
    return inp

def gcn_conv(x, src, dst, W, b):
    # PyG GCNConv: add self loops, symmetric normalization D^-1/2 (A+I) D^-1/2 X W + b
    n = x.shape[0]
    loop = jnp.arange(n, dtype=src.dtype)
    s = jnp.concatenate([src, loop])
    d = jnp.concatenate([dst, loop])
    xw = x @ W
    deg = jax.ops.segment_sum(jnp.ones_like(s, dtype=x.dtype), d, num_segments=n)
    dinv = jnp.where(deg > 0, 1.0 / jnp.sqrt(deg), 0.0)
    norm = dinv[s] * dinv[d]
    msg = xw[s] * norm[:, None]
    return jax.ops.segment_sum(msg, d, num_segments=n) + b

def batchnorm(x, g, b, eps=1e-5):
    m = jnp.mean(x, axis=0)
    v = jnp.var(x, axis=0)
    return (x - m) / jnp.sqrt(v + eps) * g + b

def reference(x, edge_index, batch, Wc0, bc0, g0, be0, Wc1, bc1, g1, be1, Wh0, bh0, gh0, beh0, Wh1, bh1, gh1, beh1, Wo, bo):
    src, dst = edge_index[0], edge_index[1]
    h = jax.nn.relu(gcn_conv(x, src, dst, Wc0, bc0))
    h = batchnorm(h, g0, be0)
    h = jax.nn.relu(gcn_conv(h, src, dst, Wc1, bc1))
    h = batchnorm(h, g1, be1)
    h = jax.ops.segment_sum(h, batch, num_segments=G)  # global_add_pool
    h = jax.nn.relu(h @ Wh0 + bh0)
    h = batchnorm(h, gh0, beh0)
    h = jax.nn.relu(h @ Wh1 + bh1)
    h = batchnorm(h, gh1, beh1)
    return h @ Wo + bo

if __name__ == "__main__":
    import jax
    _d = setup_inputs()
    print(jax.jit(kernel)(*tuple(_d.values())))

</pallas_src>

<mosaic_0001>
#map = affine_map<(d0, d1) -> (0, 0)>
#map1 = affine_map<(d0, d1) -> (0)>
module attributes {stable_mosaic.version = 14 : i64} {
  func.func @_spmm_kernel(%arg0: i32, %arg1: i32, %arg2: memref<10000x128xf32, #tpu.memory_space<hbm>>, %arg3: memref<320000xi32, #tpu.memory_space<hbm>>, %arg4: memref<320000xi32, #tpu.memory_space<hbm>>, %arg5: memref<10000x128xf32, #tpu.memory_space<hbm>>, %arg6: memref<20000x128xf32, #tpu.memory_space<hbm>>, %arg7: memref<128xi32, #tpu.memory_space<vmem>>, %arg8: memref<128xi32, #tpu.memory_space<vmem>>, %arg9: memref<128xi32, #tpu.memory_space<vmem>>, %arg10: memref<128xi32, #tpu.memory_space<vmem>>, %arg11: memref<128xi32, #tpu.memory_space<vmem>>, %arg12: memref<128xi32, #tpu.memory_space<vmem>>, %arg13: memref<128x128xf32, #tpu.memory_space<vmem>>, %arg14: memref<128x128xf32, #tpu.memory_space<vmem>>, %arg15: memref<128x128xf32, #tpu.memory_space<vmem>>, %arg16: memref<!tpu.dma_semaphore, #tpu.memory_space<semaphore_mem>>, %arg17: memref<!tpu.dma_semaphore, #tpu.memory_space<semaphore_mem>>, %arg18: memref<!tpu.dma_semaphore, #tpu.memory_space<semaphore_mem>>, %arg19: memref<10000x128xf32, #tpu.memory_space<vmem_shared>>) attributes {dimension_semantics = [#tpu.dimension_semantics<core_parallel>, #tpu.dimension_semantics<subcore_parallel>], iteration_bounds = array<i64: 2, 16>, scalar_prefetch = 0 : i64, scratch_operands = 13 : i64, tpu.core_type = #tpu.core_type<sc_vector_subcore>, window_params = [{transform_indices = #map}, {transform_indices = #map1}, {transform_indices = #map1}, {transform_indices = #map}, {transform_indices = #map}]} {
    %mul3A = arith.constant 2 : i32
    %mul3A_0 = arith.muli %arg1, %mul3A : i32
    %add3A = arith.addi %mul3A_0, %arg0 : i32
    %lt3A = arith.constant 2 : i32
    %lt3A_1 = arith.cmpi slt, %arg1, %lt3A : i32
    %jit3A = arith.constant 4 : i32
    %jit3A_2 = arith.constant 3 : i32
    %select_n3A = arith.select %lt3A_1, %jit3A, %jit3A_2 : i32
    %while3A = arith.constant 0 : i32
    %while3A_3 = arith.constant 0 : i32
    %while3A_4 = arith.subi %select_n3A, %while3A : i32
    %while3A_5 = arith.addi %while3A, %while3A_4 : i32
    %while3A_6 = arith.constant 1 : i32
    %while3A_7 = arith.divsi %while3A_4, %while3A_6 : i32
    %while3A_8 = arith.muli %while3A_7, %while3A_6 : i32
    %while3A_9 = arith.addi %while3A, %while3A_8 : i32
    %while3A_10 = arith.constant 1 : i32
    %while3A_11 = scf.for %while3A_105 = %while3A to %while3A_9 step %while3A_10 iter_args(%while3A_106 = %while3A_3) -> (i32)  : i32 {
      %mul3A_107 = arith.constant 16 : i32
      %mul3A_108 = arith.muli %mul3A_107, %while3A_105 : i32
      %add3A_109 = arith.addi %arg1, %mul3A_108 : i32
      %mul3A_110 = arith.constant 200 : i32
      %mul3A_111 = arith.muli %add3A_109, %mul3A_110 : i32
      %mul3A_112 = arith.constant 200 : i32
      %mul3A_113 = arith.muli %add3A_109, %mul3A_112 : i32
      "tpu.region"() ({
        %run_scoped3A = tpu.sem_alloc : memref<!tpu.dma_semaphore, #tpu.memory_space<semaphore_mem>>
        %dma_start3A_115 = arith.constant 0 : i32
        %dma_start3A_116 = tpu.memref_slice %arg19[%mul3A_113, %dma_start3A_115] : memref<10000x128xf32, #tpu.memory_space<vmem_shared>> -> memref<200x128xf32, #tpu.memory_space<vmem_shared>>
        %dma_start3A_117 = arith.constant 0 : i32
        %dma_start3A_118 = tpu.memref_slice %arg5[%mul3A_111, %dma_start3A_117] : memref<10000x128xf32, #tpu.memory_space<hbm>> -> memref<200x128xf32, #tpu.memory_space<hbm>>
        tpu.enqueue_dma source(%dma_start3A_118 : memref<200x128xf32, #tpu.memory_space<hbm>>) target(%dma_start3A_116 : memref<200x128xf32, #tpu.memory_space<vmem_shared>>) target_semaphore(%run_scoped3A : memref<!tpu.dma_semaphore, #tpu.memory_space<semaphore_mem>>)
        %dma_wait3A_119 = arith.constant 0 : i32
        %dma_wait3A_120 = tpu.memref_slice %arg19[%mul3A_113, %dma_wait3A_119] : memref<10000x128xf32, #tpu.memory_space<vmem_shared>> -> memref<200x128xf32, #tpu.memory_space<vmem_shared>>
        %dma_wait3A_121 = arith.constant 0 : i32
        %dma_wait3A_122 = tpu.memref_slice %arg5[%mul3A_111, %dma_wait3A_121] : memref<10000x128xf32, #tpu.memory_space<hbm>> -> memref<200x128xf32, #tpu.memory_space<hbm>>
        tpu.wait_dma2 semaphore(%run_scoped3A : memref<!tpu.dma_semaphore, #tpu.memory_space<semaphore_mem>>) src(%dma_wait3A_122 : memref<200x128xf32, #tpu.memory_space<hbm>>) dst(%dma_wait3A_120 : memref<200x128xf32, #tpu.memory_space<vmem_shared>>)
        tpu.yield
      }) : () -> ()
      %while3A_114 = arith.constant 0 : i32
      scf.yield %while3A_114 : i32
    }
    %while3A_12 = arith.constant 1 : i32
    %while3A_13 = scf.for %while3A_105 = %while3A_9 to %while3A_5 step %while3A_12 iter_args(%while3A_106 = %while3A_11) -> (i32)  : i32 {
      %mul3A_107 = arith.constant 16 : i32
      %mul3A_108 = arith.muli %mul3A_107, %while3A_105 : i32
      %add3A_109 = arith.addi %arg1, %mul3A_108 : i32
      %mul3A_110 = arith.constant 200 : i32
      %mul3A_111 = arith.muli %add3A_109, %mul3A_110 : i32
      %mul3A_112 = arith.constant 200 : i32
      %mul3A_113 = arith.muli %add3A_109, %mul3A_112 : i32
      "tpu.region"() ({
        %run_scoped3A = tpu.sem_alloc : memref<!tpu.dma_semaphore, #tpu.memory_space<semaphore_mem>>
        %dma_start3A_115 = arith.constant 0 : i32
        %dma_start3A_116 = tpu.memref_slice %arg19[%mul3A_113, %dma_start3A_115] : memref<10000x128xf32, #tpu.memory_space<vmem_shared>> -> memref<200x128xf32, #tpu.memory_space<vmem_shared>>
        %dma_start3A_117 = arith.constant 0 : i32
        %dma_start3A_118 = tpu.memref_slice %arg5[%mul3A_111, %dma_start3A_117] : memref<10000x128xf32, #tpu.memory_space<hbm>> -> memref<200x128xf32, #tpu.memory_space<hbm>>
        tpu.enqueue_dma source(%dma_start3A_118 : memref<200x128xf32, #tpu.memory_space<hbm>>) target(%dma_start3A_116 : memref<200x128xf32, #tpu.memory_space<vmem_shared>>) target_semaphore(%run_scoped3A : memref<!tpu.dma_semaphore, #tpu.memory_space<semaphore_mem>>)
        %dma_wait3A_119 = arith.constant 0 : i32
        %dma_wait3A_120 = tpu.memref_slice %arg19[%mul3A_113, %dma_wait3A_119] : memref<10000x128xf32, #tpu.memory_space<vmem_shared>> -> memref<200x128xf32, #tpu.memory_space<vmem_shared>>
        %dma_wait3A_121 = arith.constant 0 : i32
        %dma_wait3A_122 = tpu.memref_slice %arg5[%mul3A_111, %dma_wait3A_121] : memref<10000x128xf32, #tpu.memory_space<hbm>> -> memref<200x128xf32, #tpu.memory_space<hbm>>
        tpu.wait_dma2 semaphore(%run_scoped3A : memref<!tpu.dma_semaphore, #tpu.memory_space<semaphore_mem>>) src(%dma_wait3A_122 : memref<200x128xf32, #tpu.memory_space<hbm>>) dst(%dma_wait3A_120 : memref<200x128xf32, #tpu.memory_space<vmem_shared>>)
        tpu.yield
      }) : () -> ()
      %while3A_114 = arith.constant 0 : i32
      scf.yield %while3A_114 : i32
    }
    %barrier3A = arith.constant 0 : index
    tpu.barrier barrier_id(%barrier3A)
    %lt3A_14 = arith.constant 4 : i32
    %lt3A_15 = arith.cmpi slt, %add3A, %lt3A_14 : i32
    %jit3A_16 = arith.constant 79 : i32
    %jit3A_17 = arith.constant 78 : i32
    %select_n3A_18 = arith.select %lt3A_15, %jit3A_16, %jit3A_17 : i32
    %jit3A_19 = arith.constant 3 : i32
    %div3A = arith.divsi %select_n3A_18, %jit3A_19 : i32
    %sign3A = arith.constant 0 : i32
    %sign3A_20 = arith.cmpi sgt, %select_n3A_18, %sign3A : i32
    %sign3A_21 = arith.extui %sign3A_20 : i1 to i32
    %sign3A_22 = arith.constant 0 : i32
    %sign3A_23 = arith.cmpi slt, %select_n3A_18, %sign3A_22 : i32
    %sign3A_24 = arith.extui %sign3A_23 : i1 to i32
    %sign3A_25 = arith.subi %sign3A_21, %sign3A_24 : i32
    %sign3A_26 = arith.constant 0 : i32
    %sign3A_27 = arith.cmpi sgt, %jit3A_19, %sign3A_26 : i32
    %sign3A_28 = arith.extui %sign3A_27 : i1 to i32
    %sign3A_29 = arith.constant 0 : i32
    %sign3A_30 = arith.cmpi slt, %jit3A_19, %sign3A_29 : i32
    %sign3A_31 = arith.extui %sign3A_30 : i1 to i32
    %sign3A_32 = arith.subi %sign3A_28, %sign3A_31 : i32
    %ne3A = arith.cmpi ne, %sign3A_25, %sign3A_32 : i32
    %rem3A = arith.remsi %select_n3A_18, %jit3A_19 : i32
    %ne3A_33 = arith.constant 0 : i32
    %ne3A_34 = arith.cmpi ne, %rem3A, %ne3A_33 : i32
    %and3A = arith.andi %ne3A, %ne3A_34 : i1
    %sub3A = arith.constant 1 : i32
    %sub3A_35 = arith.subi %div3A, %sub3A : i32
    %select_n3A_36 = arith.select %and3A, %sub3A_35, %div3A : i32
    %add3A_37 = arith.constant 0 : i32
    %add3A_38 = arith.addi %add3A, %add3A_37 : i32
    %mul3A_39 = arith.constant 128 : i32
    %mul3A_40 = arith.muli %add3A_38, %mul3A_39 : i32
    "tpu.region"() ({
      %run_scoped3A = tpu.sem_alloc : memref<!tpu.dma_semaphore, #tpu.memory_space<semaphore_mem>>
      %dma_start3A_105 = tpu.memref_slice %arg3[%mul3A_40] : memref<320000xi32, #tpu.memory_space<hbm>> -> memref<128xi32, #tpu.memory_space<hbm>>
      %dma_start3A_106 = tpu.memref_slice %arg3[%mul3A_40] : memref<320000xi32, #tpu.memory_space<hbm>> -> memref<128xi32, #tpu.memory_space<hbm>>
      tpu.enqueue_dma source(%dma_start3A_106 : memref<128xi32, #tpu.memory_space<hbm>>) target(%arg7 : memref<128xi32, #tpu.memory_space<vmem>>) target_semaphore(%run_scoped3A : memref<!tpu.dma_semaphore, #tpu.memory_space<semaphore_mem>>)
      %dma_wait3A_107 = tpu.memref_slice %arg3[%mul3A_40] : memref<320000xi32, #tpu.memory_space<hbm>> -> memref<128xi32, #tpu.memory_space<hbm>>
      %dma_wait3A_108 = tpu.memref_slice %arg3[%mul3A_40] : memref<320000xi32, #tpu.memory_space<hbm>> -> memref<128xi32, #tpu.memory_space<hbm>>
      tpu.wait_dma2 semaphore(%run_scoped3A : memref<!tpu.dma_semaphore, #tpu.memory_space<semaphore_mem>>) src(%dma_wait3A_108 : memref<128xi32, #tpu.memory_space<hbm>>) dst(%arg7 : memref<128xi32, #tpu.memory_space<vmem>>)
      tpu.yield
    }) : () -> ()
    "tpu.region"() ({
      %run_scoped3A = tpu.sem_alloc : memref<!tpu.dma_semaphore, #tpu.memory_space<semaphore_mem>>
      %dma_start3A_105 = tpu.memref_slice %arg4[%mul3A_40] : memref<320000xi32, #tpu.memory_space<hbm>> -> memref<128xi32, #tpu.memory_space<hbm>>
      %dma_start3A_106 = tpu.memref_slice %arg4[%mul3A_40] : memref<320000xi32, #tpu.memory_space<hbm>> -> memref<128xi32, #tpu.memory_space<hbm>>
      tpu.enqueue_dma source(%dma_start3A_106 : memref<128xi32, #tpu.memory_space<hbm>>) target(%arg10 : memref<128xi32, #tpu.memory_space<vmem>>) target_semaphore(%run_scoped3A : memref<!tpu.dma_semaphore, #tpu.memory_space<semaphore_mem>>)
      %dma_wait3A_107 = tpu.memref_slice %arg4[%mul3A_40] : memref<320000xi32, #tpu.memory_space<hbm>> -> memref<128xi32, #tpu.memory_space<hbm>>
      %dma_wait3A_108 = tpu.memref_slice %arg4[%mul3A_40] : memref<320000xi32, #tpu.memory_space<hbm>> -> memref<128xi32, #tpu.memory_space<hbm>>
      tpu.wait_dma2 semaphore(%run_scoped3A : memref<!tpu.dma_semaphore, #tpu.memory_space<semaphore_mem>>) src(%dma_wait3A_108 : memref<128xi32, #tpu.memory_space<hbm>>) dst(%arg10 : memref<128xi32, #tpu.memory_space<vmem>>)
      tpu.yield
    }) : () -> ()
    %dma_start3A = arith.constant 0 : i32
    %dma_start3A_41 = arith.constant 0 : i32
    %dma_start3A_42 = tpu.memref_slice %arg2[%dma_start3A, %dma_start3A_41] : memref<10000x128xf32, #tpu.memory_space<hbm>> -> memref<10000x128xf32, #tpu.memory_space<hbm>>
    tpu.enqueue_indirect_dma source(%dma_start3A_42 : memref<10000x128xf32, #tpu.memory_space<hbm>>) target(%arg13 : memref<128x128xf32, #tpu.memory_space<vmem>>) offsets(%arg7 : memref<128xi32, #tpu.memory_space<vmem>>) semaphore(%arg16 : memref<!tpu.dma_semaphore, #tpu.memory_space<semaphore_mem>>)
    %add3A_43 = arith.constant 32 : i32
    %add3A_44 = arith.addi %add3A, %add3A_43 : i32
    %mul3A_45 = arith.constant 128 : i32
    %mul3A_46 = arith.muli %add3A_44, %mul3A_45 : i32
    "tpu.region"() ({
      %run_scoped3A = tpu.sem_alloc : memref<!tpu.dma_semaphore, #tpu.memory_space<semaphore_mem>>
      %dma_start3A_105 = tpu.memref_slice %arg3[%mul3A_46] : memref<320000xi32, #tpu.memory_space<hbm>> -> memref<128xi32, #tpu.memory_space<hbm>>
      %dma_start3A_106 = tpu.memref_slice %arg3[%mul3A_46] : memref<320000xi32, #tpu.memory_space<hbm>> -> memref<128xi32, #tpu.memory_space<hbm>>
      tpu.enqueue_dma source(%dma_start3A_106 : memref<128xi32, #tpu.memory_space<hbm>>) target(%arg8 : memref<128xi32, #tpu.memory_space<vmem>>) target_semaphore(%run_scoped3A : memref<!tpu.dma_semaphore, #tpu.memory_space<semaphore_mem>>)
      %dma_wait3A_107 = tpu.memref_slice %arg3[%mul3A_46] : memref<320000xi32, #tpu.memory_space<hbm>> -> memref<128xi32, #tpu.memory_space<hbm>>
      %dma_wait3A_108 = tpu.memref_slice %arg3[%mul3A_46] : memref<320000xi32, #tpu.memory_space<hbm>> -> memref<128xi32, #tpu.memory_space<hbm>>
      tpu.wait_dma2 semaphore(%run_scoped3A : memref<!tpu.dma_semaphore, #tpu.memory_space<semaphore_mem>>) src(%dma_wait3A_108 : memref<128xi32, #tpu.memory_space<hbm>>) dst(%arg8 : memref<128xi32, #tpu.memory_space<vmem>>)
      tpu.yield
    }) : () -> ()
    "tpu.region"() ({
      %run_scoped3A = tpu.sem_alloc : memref<!tpu.dma_semaphore, #tpu.memory_space<semaphore_mem>>
      %dma_start3A_105 = tpu.memref_slice %arg4[%mul3A_46] : memref<320000xi32, #tpu.memory_space<hbm>> -> memref<128xi32, #tpu.memory_space<hbm>>
      %dma_start3A_106 = tpu.memref_slice %arg4[%mul3A_46] : memref<320000xi32, #tpu.memory_space<hbm>> -> memref<128xi32, #tpu.memory_space<hbm>>
      tpu.enqueue_dma source(%dma_start3A_106 : memref<128xi32, #tpu.memory_space<hbm>>) target(%arg11 : memref<128xi32, #tpu.memory_space<vmem>>) target_semaphore(%run_scoped3A : memref<!tpu.dma_semaphore, #tpu.memory_space<semaphore_mem>>)
      %dma_wait3A_107 = tpu.memref_slice %arg4[%mul3A_46] : memref<320000xi32, #tpu.memory_space<hbm>> -> memref<128xi32, #tpu.memory_space<hbm>>
      %dma_wait3A_108 = tpu.memref_slice %arg4[%mul3A_46] : memref<320000xi32, #tpu.memory_space<hbm>> -> memref<128xi32, #tpu.memory_space<hbm>>
      tpu.wait_dma2 semaphore(%run_scoped3A : memref<!tpu.dma_semaphore, #tpu.memory_space<semaphore_mem>>) src(%dma_wait3A_108 : memref<128xi32, #tpu.memory_space<hbm>>) dst(%arg11 : memref<128xi32, #tpu.memory_space<vmem>>)
      tpu.yield
    }) : () -> ()
    %dma_start3A_47 = arith.constant 0 : i32
    %dma_start3A_48 = arith.constant 0 : i32
    %dma_start3A_49 = tpu.memref_slice %arg2[%dma_start3A_47, %dma_start3A_48] : memref<10000x128xf32, #tpu.memory_space<hbm>> -> memref<10000x128xf32, #tpu.memory_space<hbm>>
    tpu.enqueue_indirect_dma source(%dma_start3A_49 : memref<10000x128xf32, #tpu.memory_space<hbm>>) target(%arg14 : memref<128x128xf32, #tpu.memory_space<vmem>>) offsets(%arg8 : memref<128xi32, #tpu.memory_space<vmem>>) semaphore(%arg17 : memref<!tpu.dma_semaphore, #tpu.memory_space<semaphore_mem>>)
    %add3A_50 = arith.constant 64 : i32
    %add3A_51 = arith.addi %add3A, %add3A_50 : i32
    %mul3A_52 = arith.constant 128 : i32
    %mul3A_53 = arith.muli %add3A_51, %mul3A_52 : i32
    "tpu.region"() ({
      %run_scoped3A = tpu.sem_alloc : memref<!tpu.dma_semaphore, #tpu.memory_space<semaphore_mem>>
      %dma_start3A_105 = tpu.memref_slice %arg3[%mul3A_53] : memref<320000xi32, #tpu.memory_space<hbm>> -> memref<128xi32, #tpu.memory_space<hbm>>
      %dma_start3A_106 = tpu.memref_slice %arg3[%mul3A_53] : memref<320000xi32, #tpu.memory_space<hbm>> -> memref<128xi32, #tpu.memory_space<hbm>>
      tpu.enqueue_dma source(%dma_start3A_106 : memref<128xi32, #tpu.memory_space<hbm>>) target(%arg9 : memref<128xi32, #tpu.memory_space<vmem>>) target_semaphore(%run_scoped3A : memref<!tpu.dma_semaphore, #tpu.memory_space<semaphore_mem>>)
      %dma_wait3A_107 = tpu.memref_slice %arg3[%mul3A_53] : memref<320000xi32, #tpu.memory_space<hbm>> -> memref<128xi32, #tpu.memory_space<hbm>>
      %dma_wait3A_108 = tpu.memref_slice %arg3[%mul3A_53] : memref<320000xi32, #tpu.memory_space<hbm>> -> memref<128xi32, #tpu.memory_space<hbm>>
      tpu.wait_dma2 semaphore(%run_scoped3A : memref<!tpu.dma_semaphore, #tpu.memory_space<semaphore_mem>>) src(%dma_wait3A_108 : memref<128xi32, #tpu.memory_space<hbm>>) dst(%arg9 : memref<128xi32, #tpu.memory_space<vmem>>)
      tpu.yield
    }) : () -> ()
    "tpu.region"() ({
      %run_scoped3A = tpu.sem_alloc : memref<!tpu.dma_semaphore, #tpu.memory_space<semaphore_mem>>
      %dma_start3A_105 = tpu.memref_slice %arg4[%mul3A_53] : memref<320000xi32, #tpu.memory_space<hbm>> -> memref<128xi32, #tpu.memory_space<hbm>>
      %dma_start3A_106 = tpu.memref_slice %arg4[%mul3A_53] : memref<320000xi32, #tpu.memory_space<hbm>> -> memref<128xi32, #tpu.memory_space<hbm>>
      tpu.enqueue_dma source(%dma_start3A_106 : memref<128xi32, #tpu.memory_space<hbm>>) target(%arg12 : memref<128xi32, #tpu.memory_space<vmem>>) target_semaphore(%run_scoped3A : memref<!tpu.dma_semaphore, #tpu.memory_space<semaphore_mem>>)
      %dma_wait3A_107 = tpu.memref_slice %arg4[%mul3A_53] : memref<320000xi32, #tpu.memory_space<hbm>> -> memref<128xi32, #tpu.memory_space<hbm>>
      %dma_wait3A_108 = tpu.memref_slice %arg4[%mul3A_53] : memref<320000xi32, #tpu.memory_space<hbm>> -> memref<128xi32, #tpu.memory_space<hbm>>
      tpu.wait_dma2 semaphore(%run_scoped3A : memref<!tpu.dma_semaphore, #tpu.memory_space<semaphore_mem>>) src(%dma_wait3A_108 : memref<128xi32, #tpu.memory_space<hbm>>) dst(%arg12 : memref<128xi32, #tpu.memory_space<vmem>>)
      tpu.yield
    }) : () -> ()
    %dma_start3A_54 = arith.constant 0 : i32
    %dma_start3A_55 = arith.constant 0 : i32
    %dma_start3A_56 = tpu.memref_slice %arg2[%dma_start3A_54, %dma_start3A_55] : memref<10000x128xf32, #tpu.memory_space<hbm>> -> memref<10000x128xf32, #tpu.memory_space<hbm>>
    tpu.enqueue_indirect_dma source(%dma_start3A_56 : memref<10000x128xf32, #tpu.memory_space<hbm>>) target(%arg15 : memref<128x128xf32, #tpu.memory_space<vmem>>) offsets(%arg9 : memref<128xi32, #tpu.memory_space<vmem>>) semaphore(%arg18 : memref<!tpu.dma_semaphore, #tpu.memory_space<semaphore_mem>>)
    %sub3A_57 = arith.constant 1 : i32
    %sub3A_58 = arith.subi %select_n3A_36, %sub3A_57 : i32
    %while3A_59 = arith.constant 0 : i32
    %while3A_60 = arith.constant 0 : i32
    %while3A_61 = arith.subi %sub3A_58, %while3A_59 : i32
    %while3A_62 = arith.addi %while3A_59, %while3A_61 : i32
    %while3A_63 = arith.constant 1 : i32
    %while3A_64 = arith.divsi %while3A_61, %while3A_63 : i32
    %while3A_65 = arith.muli %while3A_64, %while3A_63 : i32
    %while3A_66 = arith.addi %while3A_59, %while3A_65 : i32
    %while3A_67 = arith.constant 1 : i32
    %while3A_68 = scf.for %while3A_105 = %while3A_59 to %while3A_66 step %while3A_67 iter_args(%while3A_106 = %while3A_60) -> (i32)  : i32 {
      %dma_wait3A_107 = arith.constant 0 : i32
      %dma_wait3A_108 = arith.constant 0 : i32
      %dma_wait3A_109 = tpu.memref_slice %arg2[%dma_wait3A_107, %dma_wait3A_108] : memref<10000x128xf32, #tpu.memory_space<hbm>> -> memref<10000x128xf32, #tpu.memory_space<hbm>>
      tpu.wait_indirect_dma semaphore(%arg16 : memref<!tpu.dma_semaphore, #tpu.memory_space<semaphore_mem>>) src(%dma_wait3A_109 : memref<10000x128xf32, #tpu.memory_space<hbm>>) dst(%arg13 : memref<128x128xf32, #tpu.memory_space<vmem>>)
      "tpu.region"() ({
        %run_scoped3A = tpu.sem_alloc : memref<!tpu.dma_semaphore, #tpu.memory_space<semaphore_mem>>
        %dma_start3A_159 = arith.constant 0 : i32
        %dma_start3A_160 = arith.constant 0 : i32
        %dma_start3A_161 = tpu.memref_slice %arg19[%dma_start3A_159, %dma_start3A_160] : memref<10000x128xf32, #tpu.memory_space<vmem_shared>> -> memref<10000x128xf32, #tpu.memory_space<vmem_shared>>
        tpu.enqueue_indirect_dma source(%arg13 : memref<128x128xf32, #tpu.memory_space<vmem>>) target(%dma_start3A_161 : memref<10000x128xf32, #tpu.memory_space<vmem_shared>>) offsets(%arg10 : memref<128xi32, #tpu.memory_space<vmem>>) semaphore(%run_scoped3A : memref<!tpu.dma_semaphore, #tpu.memory_space<semaphore_mem>>) {add = true}
        %dma_wait3A_162 = arith.constant 0 : i32
        %dma_wait3A_163 = arith.constant 0 : i32
        %dma_wait3A_164 = tpu.memref_slice %arg19[%dma_wait3A_162, %dma_wait3A_163] : memref<10000x128xf32, #tpu.memory_space<vmem_shared>> -> memref<10000x128xf32, #tpu.memory_space<vmem_shared>>
        tpu.wait_indirect_dma semaphore(%run_scoped3A : memref<!tpu.dma_semaphore, #tpu.memory_space<semaphore_mem>>) src(%arg13 : memref<128x128xf32, #tpu.memory_space<vmem>>) dst(%dma_wait3A_164 : memref<10000x128xf32, #tpu.memory_space<vmem_shared>>)
        tpu.yield
      }) : () -> ()
      %add3A_110 = arith.constant 1 : i32
      %add3A_111 = arith.addi %while3A_105, %add3A_110 : i32
      %mul3A_112 = arith.constant 3 : i32
      %mul3A_113 = arith.muli %add3A_111, %mul3A_112 : i32
      %add3A_114 = arith.constant 0 : i32
      %add3A_115 = arith.addi %mul3A_113, %add3A_114 : i32
      %mul3A_116 = arith.constant 32 : i32
      %mul3A_117 = arith.muli %mul3A_116, %add3A_115 : i32
      %add3A_118 = arith.addi %add3A, %mul3A_117 : i32
      %mul3A_119 = arith.constant 128 : i32
      %mul3A_120 = arith.muli %add3A_118, %mul3A_119 : i32
      "tpu.region"() ({
        %run_scoped3A = tpu.sem_alloc : memref<!tpu.dma_semaphore, #tpu.memory_space<semaphore_mem>>
        %dma_start3A_159 = tpu.memref_slice %arg3[%mul3A_120] : memref<320000xi32, #tpu.memory_space<hbm>> -> memref<128xi32, #tpu.memory_space<hbm>>
        %dma_start3A_160 = tpu.memref_slice %arg3[%mul3A_120] : memref<320000xi32, #tpu.memory_space<hbm>> -> memref<128xi32, #tpu.memory_space<hbm>>
        tpu.enqueue_dma source(%dma_start3A_160 : memref<128xi32, #tpu.memory_space<hbm>>) target(%arg7 : memref<128xi32, #tpu.memory_space<vmem>>) target_semaphore(%run_scoped3A : memref<!tpu.dma_semaphore, #tpu.memory_space<semaphore_mem>>)
        %dma_wait3A_161 = tpu.memref_slice %arg3[%mul3A_120] : memref<320000xi32, #tpu.memory_space<hbm>> -> memref<128xi32, #tpu.memory_space<hbm>>
        %dma_wait3A_162 = tpu.memref_slice %arg3[%mul3A_120] : memref<320000xi32, #tpu.memory_space<hbm>> -> memref<128xi32, #tpu.memory_space<hbm>>
        tpu.wait_dma2 semaphore(%run_scoped3A : memref<!tpu.dma_semaphore, #tpu.memory_space<semaphore_mem>>) src(%dma_wait3A_162 : memref<128xi32, #tpu.memory_space<hbm>>) dst(%arg7 : memref<128xi32, #tpu.memory_space<vmem>>)
        tpu.yield
      }) : () -> ()
      "tpu.region"() ({
        %run_scoped3A = tpu.sem_alloc : memref<!tpu.dma_semaphore, #tpu.memory_space<semaphore_mem>>
        %dma_start3A_159 = tpu.memref_slice %arg4[%mul3A_120] : memref<320000xi32, #tpu.memory_space<hbm>> -> memref<128xi32, #tpu.memory_space<hbm>>
        %dma_start3A_160 = tpu.memref_slice %arg4[%mul3A_120] : memref<320000xi32, #tpu.memory_space<hbm>> -> memref<128xi32, #tpu.memory_space<hbm>>
        tpu.enqueue_dma source(%dma_start3A_160 : memref<128xi32, #tpu.memory_space<hbm>>) target(%arg10 : memref<128xi32, #tpu.memory_space<vmem>>) target_semaphore(%run_scoped3A : memref<!tpu.dma_semaphore, #tpu.memory_space<semaphore_mem>>)
        %dma_wait3A_161 = tpu.memref_slice %arg4[%mul3A_120] : memref<320000xi32, #tpu.memory_space<hbm>> -> memref<128xi32, #tpu.memory_space<hbm>>
        %dma_wait3A_162 = tpu.memref_slice %arg4[%mul3A_120] : memref<320000xi32, #tpu.memory_space<hbm>> -> memref<128xi32, #tpu.memory_space<hbm>>
        tpu.wait_dma2 semaphore(%run_scoped3A : memref<!tpu.dma_semaphore, #tpu.memory_space<semaphore_mem>>) src(%dma_wait3A_162 : memref<128xi32, #tpu.memory_space<hbm>>) dst(%arg10 : memref<128xi32, #tpu.memory_space<vmem>>)
        tpu.yield
      }) : () -> ()
      %dma_start3A_121 = arith.constant 0 : i32
      %dma_start3A_122 = arith.constant 0 : i32
      %dma_start3A_123 = tpu.memref_slice %arg2[%dma_start3A_121, %dma_start3A_122] : memref<10000x128xf32, #tpu.memory_space<hbm>> -> memref<10000x128xf32, #tpu.memory_space<hbm>>
      tpu.enqueue_indirect_dma source(%dma_start3A_123 : memref<10000x128xf32, #tpu.memory_space<hbm>>) target(%arg13 : memref<128x128xf32, #tpu.memory_space<vmem>>) offsets(%arg7 : memref<128xi32, #tpu.memory_space<vmem>>) semaphore(%arg16 : memref<!tpu.dma_semaphore, #tpu.memory_space<semaphore_mem>>)
      %dma_wait3A_124 = arith.constant 0 : i32
      %dma_wait3A_125 = arith.constant 0 : i32
      %dma_wait3A_126 = tpu.memref_slice %arg2[%dma_wait3A_124, %dma_wait3A_125] : memref<10000x128xf32, #tpu.memory_space<hbm>> -> memref<10000x128xf32, #tpu.memory_space<hbm>>
      tpu.wait_indirect_dma semaphore(%arg17 : memref<!tpu.dma_semaphore, #tpu.memory_space<semaphore_mem>>) src(%dma_wait3A_126 : memref<10000x128xf32, #tpu.memory_space<hbm>>) dst(%arg14 : memref<128x128xf32, #tpu.memory_space<vmem>>)
      "tpu.region"() ({
        %run_scoped3A = tpu.sem_alloc : memref<!tpu.dma_semaphore, #tpu.memory_space<semaphore_mem>>
        %dma_start3A_159 = arith.constant 0 : i32
        %dma_start3A_160 = arith.constant 0 : i32
        %dma_start3A_161 = tpu.memref_slice %arg19[%dma_start3A_159, %dma_start3A_160] : memref<10000x128xf32, #tpu.memory_space<vmem_shared>> -> memref<10000x128xf32, #tpu.memory_space<vmem_shared>>
        tpu.enqueue_indirect_dma source(%arg14 : memref<128x128xf32, #tpu.memory_space<vmem>>) target(%dma_start3A_161 : memref<10000x128xf32, #tpu.memory_space<vmem_shared>>) offsets(%arg11 : memref<128xi32, #tpu.memory_space<vmem>>) semaphore(%run_scoped3A : memref<!tpu.dma_semaphore, #tpu.memory_space<semaphore_mem>>) {add = true}
        %dma_wait3A_162 = arith.constant 0 : i32
        %dma_wait3A_163 = arith.constant 0 : i32
        %dma_wait3A_164 = tpu.memref_slice %arg19[%dma_wait3A_162, %dma_wait3A_163] : memref<10000x128xf32, #tpu.memory_space<vmem_shared>> -> memref<10000x128xf32, #tpu.memory_space<vmem_shared>>
        tpu.wait_indirect_dma semaphore(%run_scoped3A : memref<!tpu.dma_semaphore, #tpu.memory_space<semaphore_mem>>) src(%arg14 : memref<128x128xf32, #tpu.memory_space<vmem>>) dst(%dma_wait3A_164 : memref<10000x128xf32, #tpu.memory_space<vmem_shared>>)
        tpu.yield
      }) : () -> ()
      %add3A_127 = arith.constant 1 : i32
      %add3A_128 = arith.addi %while3A_105, %add3A_127 : i32
      %mul3A_129 = arith.constant 3 : i32
      %mul3A_130 = arith.muli %add3A_128, %mul3A_129 : i32
      %add3A_131 = arith.constant 1 : i32
      %add3A_132 = arith.addi %mul3A_130, %add3A_131 : i32
      %mul3A_133 = arith.constant 32 : i32
      %mul3A_134 = arith.muli %mul3A_133, %add3A_132 : i32
      %add3A_135 = arith.addi %add3A, %mul3A_134 : i32
      %mul3A_136 = arith.constant 128 : i32
      %mul3A_137 = arith.muli %add3A_135, %mul3A_136 : i32
      "tpu.region"() ({
        %run_scoped3A = tpu.sem_alloc : memref<!tpu.dma_semaphore, #tpu.memory_space<semaphore_mem>>
        %dma_start3A_159 = tpu.memref_slice %arg3[%mul3A_137] : memref<320000xi32, #tpu.memory_space<hbm>> -> memref<128xi32, #tpu.memory_space<hbm>>
        %dma_start3A_160 = tpu.memref_slice %arg3[%mul3A_137] : memref<320000xi32, #tpu.memory_space<hbm>> -> memref<128xi32, #tpu.memory_space<hbm>>
        tpu.enqueue_dma source(%dma_start3A_160 : memref<128xi32, #tpu.memory_space<hbm>>) target(%arg8 : memref<128xi32, #tpu.memory_space<vmem>>) target_semaphore(%run_scoped3A : memref<!tpu.dma_semaphore, #tpu.memory_space<semaphore_mem>>)
        %dma_wait3A_161 = tpu.memref_slice %arg3[%mul3A_137] : memref<320000xi32, #tpu.memory_space<hbm>> -> memref<128xi32, #tpu.memory_space<hbm>>
        %dma_wait3A_162 = tpu.memref_slice %arg3[%mul3A_137] : memref<320000xi32, #tpu.memory_space<hbm>> -> memref<128xi32, #tpu.memory_space<hbm>>
        tpu.wait_dma2 semaphore(%run_scoped3A : memref<!tpu.dma_semaphore, #tpu.memory_space<semaphore_mem>>) src(%dma_wait3A_162 : memref<128xi32, #tpu.memory_space<hbm>>) dst(%arg8 : memref<128xi32, #tpu.memory_space<vmem>>)
        tpu.yield
      }) : () -> ()
      "tpu.region"() ({
        %run_scoped3A = tpu.sem_alloc : memref<!tpu.dma_semaphore, #tpu.memory_space<semaphore_mem>>
        %dma_start3A_159 = tpu.memref_slice %arg4[%mul3A_137] : memref<320000xi32, #tpu.memory_space<hbm>> -> memref<128xi32, #tpu.memory_space<hbm>>
        %dma_start3A_160 = tpu.memref_slice %arg4[%mul3A_137] : memref<320000xi32, #tpu.memory_space<hbm>> -> memref<128xi32, #tpu.memory_space<hbm>>
        tpu.enqueue_dma source(%dma_start3A_160 : memref<128xi32, #tpu.memory_space<hbm>>) target(%arg11 : memref<128xi32, #tpu.memory_space<vmem>>) target_semaphore(%run_scoped3A : memref<!tpu.dma_semaphore, #tpu.memory_space<semaphore_mem>>)
        %dma_wait3A_161 = tpu.memref_slice %arg4[%mul3A_137] : memref<320000xi32, #tpu.memory_space<hbm>> -> memref<128xi32, #tpu.memory_space<hbm>>
        %dma_wait3A_162 = tpu.memref_slice %arg4[%mul3A_137] : memref<320000xi32, #tpu.memory_space<hbm>> -> memref<128xi32, #tpu.memory_space<hbm>>
        tpu.wait_dma2 semaphore(%run_scoped3A : memref<!tpu.dma_semaphore, #tpu.memory_space<semaphore_mem>>) src(%dma_wait3A_162 : memref<128xi32, #tpu.memory_space<hbm>>) dst(%arg11 : memref<128xi32, #tpu.memory_space<vmem>>)
        tpu.yield
      }) : () -> ()
      %dma_start3A_138 = arith.constant 0 : i32
      %dma_start3A_139 = arith.constant 0 : i32
      %dma_start3A_140 = tpu.memref_slice %arg2[%dma_start3A_138, %dma_start3A_139] : memref<10000x128xf32, #tpu.memory_space<hbm>> -> memref<10000x128xf32, #tpu.memory_space<hbm>>
      tpu.enqueue_indirect_dma source(%dma_start3A_140 : memref<10000x128xf32, #tpu.memory_space<hbm>>) target(%arg14 : memref<128x128xf32, #tpu.memory_space<vmem>>) offsets(%arg8 : memref<128xi32, #tpu.memory_space<vmem>>) semaphore(%arg17 : memref<!tpu.dma_semaphore, #tpu.memory_space<semaphore_mem>>)
      %dma_wait3A_141 = arith.constant 0 : i32
      %dma_wait3A_142 = arith.constant 0 : i32
      %dma_wait3A_143 = tpu.memref_slice %arg2[%dma_wait3A_141, %dma_wait3A_142] : memref<10000x128xf32, #tpu.memory_space<hbm>> -> memref<10000x128xf32, #tpu.memory_space<hbm>>
      tpu.wait_indirect_dma semaphore(%arg18 : memref<!tpu.dma_semaphore, #tpu.memory_space<semaphore_mem>>) src(%dma_wait3A_143 : memref<10000x128xf32, #tpu.memory_space<hbm>>) dst(%arg15 : memref<128x128xf32, #tpu.memory_space<vmem>>)
      "tpu.region"() ({
        %run_scoped3A = tpu.sem_alloc : memref<!tpu.dma_semaphore, #tpu.memory_space<semaphore_mem>>
        %dma_start3A_159 = arith.constant 0 : i32
        %dma_start3A_160 = arith.constant 0 : i32
        %dma_start3A_161 = tpu.memref_slice %arg19[%dma_start3A_159, %dma_start3A_160] : memref<10000x128xf32, #tpu.memory_space<vmem_shared>> -> memref<10000x128xf32, #tpu.memory_space<vmem_shared>>
        tpu.enqueue_indirect_dma source(%arg15 : memref<128x128xf32, #tpu.memory_space<vmem>>) target(%dma_start3A_161 : memref<10000x128xf32, #tpu.memory_space<vmem_shared>>) offsets(%arg12 : memref<128xi32, #tpu.memory_space<vmem>>) semaphore(%run_scoped3A : memref<!tpu.dma_semaphore, #tpu.memory_space<semaphore_mem>>) {add = true}
        %dma_wait3A_162 = arith.constant 0 : i32
        %dma_wait3A_163 = arith.constant 0 : i32
        %dma_wait3A_164 = tpu.memref_slice %arg19[%dma_wait3A_162, %dma_wait3A_163] : memref<10000x128xf32, #tpu.memory_space<vmem_shared>> -> memref<10000x128xf32, #tpu.memory_space<vmem_shared>>
        tpu.wait_indirect_dma semaphore(%run_scoped3A : memref<!tpu.dma_semaphore, #tpu.memory_space<semaphore_mem>>) src(%arg15 : memref<128x128xf32, #tpu.memory_space<vmem>>) dst(%dma_wait3A_164 : memref<10000x128xf32, #tpu.memory_space<vmem_shared>>)
        tpu.yield
      }) : () -> ()
      %add3A_144 = arith.constant 1 : i32
      %add3A_145 = arith.addi %while3A_105, %add3A_144 : i32
      %mul3A_146 = arith.constant 3 : i32
      %mul3A_147 = arith.muli %add3A_145, %mul3A_146 : i32
      %add3A_148 = arith.constant 2 : i32
      %add3A_149 = arith.addi %mul3A_147, %add3A_148 : i32
      %mul3A_150 = arith.constant 32 : i32
      %mul3A_151 = arith.muli %mul3A_150, %add3A_149 : i32
      %add3A_152 = arith.addi %add3A, %mul3A_151 : i32
      %mul3A_153 = arith.constant 128 : i32
      %mul3A_154 = arith.muli %add3A_152, %mul3A_153 : i32
      "tpu.region"() ({
        %run_scoped3A = tpu.sem_alloc : memref<!tpu.dma_semaphore, #tpu.memory_space<semaphore_mem>>
        %dma_start3A_159 = tpu.memref_slice %arg3[%mul3A_154] : memref<320000xi32, #tpu.memory_space<hbm>> -> memref<128xi32, #tpu.memory_space<hbm>>
        %dma_start3A_160 = tpu.memref_slice %arg3[%mul3A_154] : memref<320000xi32, #tpu.memory_space<hbm>> -> memref<128xi32, #tpu.memory_space<hbm>>
        tpu.enqueue_dma source(%dma_start3A_160 : memref<128xi32, #tpu.memory_space<hbm>>) target(%arg9 : memref<128xi32, #tpu.memory_space<vmem>>) target_semaphore(%run_scoped3A : memref<!tpu.dma_semaphore, #tpu.memory_space<semaphore_mem>>)
        %dma_wait3A_161 = tpu.memref_slice %arg3[%mul3A_154] : memref<320000xi32, #tpu.memory_space<hbm>> -> memref<128xi32, #tpu.memory_space<hbm>>
        %dma_wait3A_162 = tpu.memref_slice %arg3[%mul3A_154] : memref<320000xi32, #tpu.memory_space<hbm>> -> memref<128xi32, #tpu.memory_space<hbm>>
        tpu.wait_dma2 semaphore(%run_scoped3A : memref<!tpu.dma_semaphore, #tpu.memory_space<semaphore_mem>>) src(%dma_wait3A_162 : memref<128xi32, #tpu.memory_space<hbm>>) dst(%arg9 : memref<128xi32, #tpu.memory_space<vmem>>)
        tpu.yield
      }) : () -> ()
      "tpu.region"() ({
        %run_scoped3A = tpu.sem_alloc : memref<!tpu.dma_semaphore, #tpu.memory_space<semaphore_mem>>
        %dma_start3A_159 = tpu.memref_slice %arg4[%mul3A_154] : memref<320000xi32, #tpu.memory_space<hbm>> -> memref<128xi32, #tpu.memory_space<hbm>>
        %dma_start3A_160 = tpu.memref_slice %arg4[%mul3A_154] : memref<320000xi32, #tpu.memory_space<hbm>> -> memref<128xi32, #tpu.memory_space<hbm>>
        tpu.enqueue_dma source(%dma_start3A_160 : memref<128xi32, #tpu.memory_space<hbm>>) target(%arg12 : memref<128xi32, #tpu.memory_space<vmem>>) target_semaphore(%run_scoped3A : memref<!tpu.dma_semaphore, #tpu.memory_space<semaphore_mem>>)
        %dma_wait3A_161 = tpu.memref_slice %arg4[%mul3A_154] : memref<320000xi32, #tpu.memory_space<hbm>> -> memref<128xi32, #tpu.memory_space<hbm>>
        %dma_wait3A_162 = tpu.memref_slice %arg4[%mul3A_154] : memref<320000xi32, #tpu.memory_space<hbm>> -> memref<128xi32, #tpu.memory_space<hbm>>
        tpu.wait_dma2 semaphore(%run_scoped3A : memref<!tpu.dma_semaphore, #tpu.memory_space<semaphore_mem>>) src(%dma_wait3A_162 : memref<128xi32, #tpu.memory_space<hbm>>) dst(%arg12 : memref<128xi32, #tpu.memory_space<vmem>>)
        tpu.yield
      }) : () -> ()
      %dma_start3A_155 = arith.constant 0 : i32
      %dma_start3A_156 = arith.constant 0 : i32
      %dma_start3A_157 = tpu.memref_slice %arg2[%dma_start3A_155, %dma_start3A_156] : memref<10000x128xf32, #tpu.memory_space<hbm>> -> memref<10000x128xf32, #tpu.memory_space<hbm>>
      tpu.enqueue_indirect_dma source(%dma_start3A_157 : memref<10000x128xf32, #tpu.memory_space<hbm>>) target(%arg15 : memref<128x128xf32, #tpu.memory_space<vmem>>) offsets(%arg9 : memref<128xi32, #tpu.memory_space<vmem>>) semaphore(%arg18 : memref<!tpu.dma_semaphore, #tpu.memory_space<semaphore_mem>>)
      %while3A_158 = arith.constant 0 : i32
      scf.yield %while3A_158 : i32
    }
    %while3A_69 = arith.constant 1 : i32
    %while3A_70 = scf.for %while3A_105 = %while3A_66 to %while3A_62 step %while3A_69 iter_args(%while3A_106 = %while3A_68) -> (i32)  : i32 {
      %dma_wait3A_107 = arith.constant 0 : i32
      %dma_wait3A_108 = arith.constant 0 : i32
      %dma_wait3A_109 = tpu.memref_slice %arg2[%dma_wait3A_107, %dma_wait3A_108] : memref<10000x128xf32, #tpu.memory_space<hbm>> -> memref<10000x128xf32, #tpu.memory_space<hbm>>
      tpu.wait_indirect_dma semaphore(%arg16 : memref<!tpu.dma_semaphore, #tpu.memory_space<semaphore_mem>>) src(%dma_wait3A_109 : memref<10000x128xf32, #tpu.memory_space<hbm>>) dst(%arg13 : memref<128x128xf32, #tpu.memory_space<vmem>>)
      "tpu.region"() ({
        %run_scoped3A = tpu.sem_alloc : memref<!tpu.dma_semaphore, #tpu.memory_space<semaphore_mem>>
        %dma_start3A_159 = arith.constant 0 : i32
        %dma_start3A_160 = arith.constant 0 : i32
        %dma_start3A_161 = tpu.memref_slice %arg19[%dma_start3A_159, %dma_start3A_160] : memref<10000x128xf32, #tpu.memory_space<vmem_shared>> -> memref<10000x128xf32, #tpu.memory_space<vmem_shared>>
        tpu.enqueue_indirect_dma source(%arg13 : memref<128x128xf32, #tpu.memory_space<vmem>>) target(%dma_start3A_161 : memref<10000x128xf32, #tpu.memory_space<vmem_shared>>) offsets(%arg10 : memref<128xi32, #tpu.memory_space<vmem>>) semaphore(%run_scoped3A : memref<!tpu.dma_semaphore, #tpu.memory_space<semaphore_mem>>) {add = true}
        %dma_wait3A_162 = arith.constant 0 : i32
        %dma_wait3A_163 = arith.constant 0 : i32
        %dma_wait3A_164 = tpu.memref_slice %arg19[%dma_wait3A_162, %dma_wait3A_163] : memref<10000x128xf32, #tpu.memory_space<vmem_shared>> -> memref<10000x128xf32, #tpu.memory_space<vmem_shared>>
        tpu.wait_indirect_dma semaphore(%run_scoped3A : memref<!tpu.dma_semaphore, #tpu.memory_space<semaphore_mem>>) src(%arg13 : memref<128x128xf32, #tpu.memory_space<vmem>>) dst(%dma_wait3A_164 : memref<10000x128xf32, #tpu.memory_space<vmem_shared>>)
        tpu.yield
      }) : () -> ()
      %add3A_110 = arith.constant 1 : i32
      %add3A_111 = arith.addi %while3A_105, %add3A_110 : i32
      %mul3A_112 = arith.constant 3 : i32
      %mul3A_113 = arith.muli %add3A_111, %mul3A_112 : i32
      %add3A_114 = arith.constant 0 : i32
      %add3A_115 = arith.addi %mul3A_113, %add3A_114 : i32
      %mul3A_116 = arith.constant 32 : i32
      %mul3A_117 = arith.muli %mul3A_116, %add3A_115 : i32
      %add3A_118 = arith.addi %add3A, %mul3A_117 : i32
      %mul3A_119 = arith.constant 128 : i32
      %mul3A_120 = arith.muli %add3A_118, %mul3A_119 : i32
      "tpu.region"() ({
        %run_scoped3A = tpu.sem_alloc : memref<!tpu.dma_semaphore, #tpu.memory_space<semaphore_mem>>
        %dma_start3A_159 = tpu.memref_slice %arg3[%mul3A_120] : memref<320000xi32, #tpu.memory_space<hbm>> -> memref<128xi32, #tpu.memory_space<hbm>>
        %dma_start3A_160 = tpu.memref_slice %arg3[%mul3A_120] : memref<320000xi32, #tpu.memory_space<hbm>> -> memref<128xi32, #tpu.memory_space<hbm>>
        tpu.enqueue_dma source(%dma_start3A_160 : memref<128xi32, #tpu.memory_space<hbm>>) target(%arg7 : memref<128xi32, #tpu.memory_space<vmem>>) target_semaphore(%run_scoped3A : memref<!tpu.dma_semaphore, #tpu.memory_space<semaphore_mem>>)
        %dma_wait3A_161 = tpu.memref_slice %arg3[%mul3A_120] : memref<320000xi32, #tpu.memory_space<hbm>> -> memref<128xi32, #tpu.memory_space<hbm>>
        %dma_wait3A_162 = tpu.memref_slice %arg3[%mul3A_120] : memref<320000xi32, #tpu.memory_space<hbm>> -> memref<128xi32, #tpu.memory_space<hbm>>
        tpu.wait_dma2 semaphore(%run_scoped3A : memref<!tpu.dma_semaphore, #tpu.memory_space<semaphore_mem>>) src(%dma_wait3A_162 : memref<128xi32, #tpu.memory_space<hbm>>) dst(%arg7 : memref<128xi32, #tpu.memory_space<vmem>>)
        tpu.yield
      }) : () -> ()
      "tpu.region"() ({
        %run_scoped3A = tpu.sem_alloc : memref<!tpu.dma_semaphore, #tpu.memory_space<semaphore_mem>>
        %dma_start3A_159 = tpu.memref_slice %arg4[%mul3A_120] : memref<320000xi32, #tpu.memory_space<hbm>> -> memref<128xi32, #tpu.memory_space<hbm>>
        %dma_start3A_160 = tpu.memref_slice %arg4[%mul3A_120] : memref<320000xi32, #tpu.memory_space<hbm>> -> memref<128xi32, #tpu.memory_space<hbm>>
        tpu.enqueue_dma source(%dma_start3A_160 : memref<128xi32, #tpu.memory_space<hbm>>) target(%arg10 : memref<128xi32, #tpu.memory_space<vmem>>) target_semaphore(%run_scoped3A : memref<!tpu.dma_semaphore, #tpu.memory_space<semaphore_mem>>)
        %dma_wait3A_161 = tpu.memref_slice %arg4[%mul3A_120] : memref<320000xi32, #tpu.memory_space<hbm>> -> memref<128xi32, #tpu.memory_space<hbm>>
        %dma_wait3A_162 = tpu.memref_slice %arg4[%mul3A_120] : memref<320000xi32, #tpu.memory_space<hbm>> -> memref<128xi32, #tpu.memory_space<hbm>>
        tpu.wait_dma2 semaphore(%run_scoped3A : memref<!tpu.dma_semaphore, #tpu.memory_space<semaphore_mem>>) src(%dma_wait3A_162 : memref<128xi32, #tpu.memory_space<hbm>>) dst(%arg10 : memref<128xi32, #tpu.memory_space<vmem>>)
        tpu.yield
      }) : () -> ()
      %dma_start3A_121 = arith.constant 0 : i32
      %dma_start3A_122 = arith.constant 0 : i32
      %dma_start3A_123 = tpu.memref_slice %arg2[%dma_start3A_121, %dma_start3A_122] : memref<10000x128xf32, #tpu.memory_space<hbm>> -> memref<10000x128xf32, #tpu.memory_space<hbm>>
      tpu.enqueue_indirect_dma source(%dma_start3A_123 : memref<10000x128xf32, #tpu.memory_space<hbm>>) target(%arg13 : memref<128x128xf32, #tpu.memory_space<vmem>>) offsets(%arg7 : memref<128xi32, #tpu.memory_space<vmem>>) semaphore(%arg16 : memref<!tpu.dma_semaphore, #tpu.memory_space<semaphore_mem>>)
      %dma_wait3A_124 = arith.constant 0 : i32
      %dma_wait3A_125 = arith.constant 0 : i32
      %dma_wait3A_126 = tpu.memref_slice %arg2[%dma_wait3A_124, %dma_wait3A_125] : memref<10000x128xf32, #tpu.memory_space<hbm>> -> memref<10000x128xf32, #tpu.memory_space<hbm>>
      tpu.wait_indirect_dma semaphore(%arg17 : memref<!tpu.dma_semaphore, #tpu.memory_space<semaphore_mem>>) src(%dma_wait3A_126 : memref<10000x128xf32, #tpu.memory_space<hbm>>) dst(%arg14 : memref<128x128xf32, #tpu.memory_space<vmem>>)
      "tpu.region"() ({
        %run_scoped3A = tpu.sem_alloc : memref<!tpu.dma_semaphore, #tpu.memory_space<semaphore_mem>>
        %dma_start3A_159 = arith.constant 0 : i32
        %dma_start3A_160 = arith.constant 0 : i32
        %dma_start3A_161 = tpu.memref_slice %arg19[%dma_start3A_159, %dma_start3A_160] : memref<10000x128xf32, #tpu.memory_space<vmem_shared>> -> memref<10000x128xf32, #tpu.memory_space<vmem_shared>>
        tpu.enqueue_indirect_dma source(%arg14 : memref<128x128xf32, #tpu.memory_space<vmem>>) target(%dma_start3A_161 : memref<10000x128xf32, #tpu.memory_space<vmem_shared>>) offsets(%arg11 : memref<128xi32, #tpu.memory_space<vmem>>) semaphore(%run_scoped3A : memref<!tpu.dma_semaphore, #tpu.memory_space<semaphore_mem>>) {add = true}
        %dma_wait3A_162 = arith.constant 0 : i32
        %dma_wait3A_163 = arith.constant 0 : i32
        %dma_wait3A_164 = tpu.memref_slice %arg19[%dma_wait3A_162, %dma_wait3A_163] : memref<10000x128xf32, #tpu.memory_space<vmem_shared>> -> memref<10000x128xf32, #tpu.memory_space<vmem_shared>>
        tpu.wait_indirect_dma semaphore(%run_scoped3A : memref<!tpu.dma_semaphore, #tpu.memory_space<semaphore_mem>>) src(%arg14 : memref<128x128xf32, #tpu.memory_space<vmem>>) dst(%dma_wait3A_164 : memref<10000x128xf32, #tpu.memory_space<vmem_shared>>)
        tpu.yield
      }) : () -> ()
      %add3A_127 = arith.constant 1 : i32
      %add3A_128 = arith.addi %while3A_105, %add3A_127 : i32
      %mul3A_129 = arith.constant 3 : i32
      %mul3A_130 = arith.muli %add3A_128, %mul3A_129 : i32
      %add3A_131 = arith.constant 1 : i32
      %add3A_132 = arith.addi %mul3A_130, %add3A_131 : i32
      %mul3A_133 = arith.constant 32 : i32
      %mul3A_134 = arith.muli %mul3A_133, %add3A_132 : i32
      %add3A_135 = arith.addi %add3A, %mul3A_134 : i32
      %mul3A_136 = arith.constant 128 : i32
      %mul3A_137 = arith.muli %add3A_135, %mul3A_136 : i32
      "tpu.region"() ({
        %run_scoped3A = tpu.sem_alloc : memref<!tpu.dma_semaphore, #tpu.memory_space<semaphore_mem>>
        %dma_start3A_159 = tpu.memref_slice %arg3[%mul3A_137] : memref<320000xi32, #tpu.memory_space<hbm>> -> memref<128xi32, #tpu.memory_space<hbm>>
        %dma_start3A_160 = tpu.memref_slice %arg3[%mul3A_137] : memref<320000xi32, #tpu.memory_space<hbm>> -> memref<128xi32, #tpu.memory_space<hbm>>
        tpu.enqueue_dma source(%dma_start3A_160 : memref<128xi32, #tpu.memory_space<hbm>>) target(%arg8 : memref<128xi32, #tpu.memory_space<vmem>>) target_semaphore(%run_scoped3A : memref<!tpu.dma_semaphore, #tpu.memory_space<semaphore_mem>>)
        %dma_wait3A_161 = tpu.memref_slice %arg3[%mul3A_137] : memref<320000xi32, #tpu.memory_space<hbm>> -> memref<128xi32, #tpu.memory_space<hbm>>
        %dma_wait3A_162 = tpu.memref_slice %arg3[%mul3A_137] : memref<320000xi32, #tpu.memory_space<hbm>> -> memref<128xi32, #tpu.memory_space<hbm>>
        tpu.wait_dma2 semaphore(%run_scoped3A : memref<!tpu.dma_semaphore, #tpu.memory_space<semaphore_mem>>) src(%dma_wait3A_162 : memref<128xi32, #tpu.memory_space<hbm>>) dst(%arg8 : memref<128xi32, #tpu.memory_space<vmem>>)
        tpu.yield
      }) : () -> ()
      "tpu.region"() ({
        %run_scoped3A = tpu.sem_alloc : memref<!tpu.dma_semaphore, #tpu.memory_space<semaphore_mem>>
        %dma_start3A_159 = tpu.memref_slice %arg4[%mul3A_137] : memref<320000xi32, #tpu.memory_space<hbm>> -> memref<128xi32, #tpu.memory_space<hbm>>
        %dma_start3A_160 = tpu.memref_slice %arg4[%mul3A_137] : memref<320000xi32, #tpu.memory_space<hbm>> -> memref<128xi32, #tpu.memory_space<hbm>>
        tpu.enqueue_dma source(%dma_start3A_160 : memref<128xi32, #tpu.memory_space<hbm>>) target(%arg11 : memref<128xi32, #tpu.memory_space<vmem>>) target_semaphore(%run_scoped3A : memref<!tpu.dma_semaphore, #tpu.memory_space<semaphore_mem>>)
        %dma_wait3A_161 = tpu.memref_slice %arg4[%mul3A_137] : memref<320000xi32, #tpu.memory_space<hbm>> -> memref<128xi32, #tpu.memory_space<hbm>>
        %dma_wait3A_162 = tpu.memref_slice %arg4[%mul3A_137] : memref<320000xi32, #tpu.memory_space<hbm>> -> memref<128xi32, #tpu.memory_space<hbm>>
        tpu.wait_dma2 semaphore(%run_scoped3A : memref<!tpu.dma_semaphore, #tpu.memory_space<semaphore_mem>>) src(%dma_wait3A_162 : memref<128xi32, #tpu.memory_space<hbm>>) dst(%arg11 : memref<128xi32, #tpu.memory_space<vmem>>)
        tpu.yield
      }) : () -> ()
      %dma_start3A_138 = arith.constant 0 : i32
      %dma_start3A_139 = arith.constant 0 : i32
      %dma_start3A_140 = tpu.memref_slice %arg2[%dma_start3A_138, %dma_start3A_139] : memref<10000x128xf32, #tpu.memory_space<hbm>> -> memref<10000x128xf32, #tpu.memory_space<hbm>>
      tpu.enqueue_indirect_dma source(%dma_start3A_140 : memref<10000x128xf32, #tpu.memory_space<hbm>>) target(%arg14 : memref<128x128xf32, #tpu.memory_space<vmem>>) offsets(%arg8 : memref<128xi32, #tpu.memory_space<vmem>>) semaphore(%arg17 : memref<!tpu.dma_semaphore, #tpu.memory_space<semaphore_mem>>)
      %dma_wait3A_141 = arith.constant 0 : i32
      %dma_wait3A_142 = arith.constant 0 : i32
      %dma_wait3A_143 = tpu.memref_slice %arg2[%dma_wait3A_141, %dma_wait3A_142] : memref<10000x128xf32, #tpu.memory_space<hbm>> -> memref<10000x128xf32, #tpu.memory_space<hbm>>
      tpu.wait_indirect_dma semaphore(%arg18 : memref<!tpu.dma_semaphore, #tpu.memory_space<semaphore_mem>>) src(%dma_wait3A_143 : memref<10000x128xf32, #tpu.memory_space<hbm>>) dst(%arg15 : memref<128x128xf32, #tpu.memory_space<vmem>>)
      "tpu.region"() ({
        %run_scoped3A = tpu.sem_alloc : memref<!tpu.dma_semaphore, #tpu.memory_space<semaphore_mem>>
        %dma_start3A_159 = arith.constant 0 : i32
        %dma_start3A_160 = arith.constant 0 : i32
        %dma_start3A_161 = tpu.memref_slice %arg19[%dma_start3A_159, %dma_start3A_160] : memref<10000x128xf32, #tpu.memory_space<vmem_shared>> -> memref<10000x128xf32, #tpu.memory_space<vmem_shared>>
        tpu.enqueue_indirect_dma source(%arg15 : memref<128x128xf32, #tpu.memory_space<vmem>>) target(%dma_start3A_161 : memref<10000x128xf32, #tpu.memory_space<vmem_shared>>) offsets(%arg12 : memref<128xi32, #tpu.memory_space<vmem>>) semaphore(%run_scoped3A : memref<!tpu.dma_semaphore, #tpu.memory_space<semaphore_mem>>) {add = true}
        %dma_wait3A_162 = arith.constant 0 : i32
        %dma_wait3A_163 = arith.constant 0 : i32
        %dma_wait3A_164 = tpu.memref_slice %arg19[%dma_wait3A_162, %dma_wait3A_163] : memref<10000x128xf32, #tpu.memory_space<vmem_shared>> -> memref<10000x128xf32, #tpu.memory_space<vmem_shared>>
        tpu.wait_indirect_dma semaphore(%run_scoped3A : memref<!tpu.dma_semaphore, #tpu.memory_space<semaphore_mem>>) src(%arg15 : memref<128x128xf32, #tpu.memory_space<vmem>>) dst(%dma_wait3A_164 : memref<10000x128xf32, #tpu.memory_space<vmem_shared>>)
        tpu.yield
      }) : () -> ()
      %add3A_144 = arith.constant 1 : i32
      %add3A_145 = arith.addi %while3A_105, %add3A_144 : i32
      %mul3A_146 = arith.constant 3 : i32
      %mul3A_147 = arith.muli %add3A_145, %mul3A_146 : i32
      %add3A_148 = arith.constant 2 : i32
      %add3A_149 = arith.addi %mul3A_147, %add3A_148 : i32
      %mul3A_150 = arith.constant 32 : i32
      %mul3A_151 = arith.muli %mul3A_150, %add3A_149 : i32
      %add3A_152 = arith.addi %add3A, %mul3A_151 : i32
      %mul3A_153 = arith.constant 128 : i32
      %mul3A_154 = arith.muli %add3A_152, %mul3A_153 : i32
      "tpu.region"() ({
        %run_scoped3A = tpu.sem_alloc : memref<!tpu.dma_semaphore, #tpu.memory_space<semaphore_mem>>
        %dma_start3A_159 = tpu.memref_slice %arg3[%mul3A_154] : memref<320000xi32, #tpu.memory_space<hbm>> -> memref<128xi32, #tpu.memory_space<hbm>>
        %dma_start3A_160 = tpu.memref_slice %arg3[%mul3A_154] : memref<320000xi32, #tpu.memory_space<hbm>> -> memref<128xi32, #tpu.memory_space<hbm>>
        tpu.enqueue_dma source(%dma_start3A_160 : memref<128xi32, #tpu.memory_space<hbm>>) target(%arg9 : memref<128xi32, #tpu.memory_space<vmem>>) target_semaphore(%run_scoped3A : memref<!tpu.dma_semaphore, #tpu.memory_space<semaphore_mem>>)
        %dma_wait3A_161 = tpu.memref_slice %arg3[%mul3A_154] : memref<320000xi32, #tpu.memory_space<hbm>> -> memref<128xi32, #tpu.memory_space<hbm>>
        %dma_wait3A_162 = tpu.memref_slice %arg3[%mul3A_154] : memref<320000xi32, #tpu.memory_space<hbm>> -> memref<128xi32, #tpu.memory_space<hbm>>
        tpu.wait_dma2 semaphore(%run_scoped3A : memref<!tpu.dma_semaphore, #tpu.memory_space<semaphore_mem>>) src(%dma_wait3A_162 : memref<128xi32, #tpu.memory_space<hbm>>) dst(%arg9 : memref<128xi32, #tpu.memory_space<vmem>>)
        tpu.yield
      }) : () -> ()
      "tpu.region"() ({
        %run_scoped3A = tpu.sem_alloc : memref<!tpu.dma_semaphore, #tpu.memory_space<semaphore_mem>>
        %dma_start3A_159 = tpu.memref_slice %arg4[%mul3A_154] : memref<320000xi32, #tpu.memory_space<hbm>> -> memref<128xi32, #tpu.memory_space<hbm>>
        %dma_start3A_160 = tpu.memref_slice %arg4[%mul3A_154] : memref<320000xi32, #tpu.memory_space<hbm>> -> memref<128xi32, #tpu.memory_space<hbm>>
        tpu.enqueue_dma source(%dma_start3A_160 : memref<128xi32, #tpu.memory_space<hbm>>) target(%arg12 : memref<128xi32, #tpu.memory_space<vmem>>) target_semaphore(%run_scoped3A : memref<!tpu.dma_semaphore, #tpu.memory_space<semaphore_mem>>)
        %dma_wait3A_161 = tpu.memref_slice %arg4[%mul3A_154] : memref<320000xi32, #tpu.memory_space<hbm>> -> memref<128xi32, #tpu.memory_space<hbm>>
        %dma_wait3A_162 = tpu.memref_slice %arg4[%mul3A_154] : memref<320000xi32, #tpu.memory_space<hbm>> -> memref<128xi32, #tpu.memory_space<hbm>>
        tpu.wait_dma2 semaphore(%run_scoped3A : memref<!tpu.dma_semaphore, #tpu.memory_space<semaphore_mem>>) src(%dma_wait3A_162 : memref<128xi32, #tpu.memory_space<hbm>>) dst(%arg12 : memref<128xi32, #tpu.memory_space<vmem>>)
        tpu.yield
      }) : () -> ()
      %dma_start3A_155 = arith.constant 0 : i32
      %dma_start3A_156 = arith.constant 0 : i32
      %dma_start3A_157 = tpu.memref_slice %arg2[%dma_start3A_155, %dma_start3A_156] : memref<10000x128xf32, #tpu.memory_space<hbm>> -> memref<10000x128xf32, #tpu.memory_space<hbm>>
      tpu.enqueue_indirect_dma source(%dma_start3A_157 : memref<10000x128xf32, #tpu.memory_space<hbm>>) target(%arg15 : memref<128x128xf32, #tpu.memory_space<vmem>>) offsets(%arg9 : memref<128xi32, #tpu.memory_space<vmem>>) semaphore(%arg18 : memref<!tpu.dma_semaphore, #tpu.memory_space<semaphore_mem>>)
      %while3A_158 = arith.constant 0 : i32
      scf.yield %while3A_158 : i32
    }
    %dma_wait3A = arith.constant 0 : i32
    %dma_wait3A_71 = arith.constant 0 : i32
    %dma_wait3A_72 = tpu.memref_slice %arg2[%dma_wait3A, %dma_wait3A_71] : memref<10000x128xf32, #tpu.memory_space<hbm>> -> memref<10000x128xf32, #tpu.memory_space<hbm>>
    tpu.wait_indirect_dma semaphore(%arg16 : memref<!tpu.dma_semaphore, #tpu.memory_space<semaphore_mem>>) src(%dma_wait3A_72 : memref<10000x128xf32, #tpu.memory_space<hbm>>) dst(%arg13 : memref<128x128xf32, #tpu.memory_space<vmem>>)
    "tpu.region"() ({
      %run_scoped3A = tpu.sem_alloc : memref<!tpu.dma_semaphore, #tpu.memory_space<semaphore_mem>>
      %dma_start3A_105 = arith.constant 0 : i32
      %dma_start3A_106 = arith.constant 0 : i32
      %dma_start3A_107 = tpu.memref_slice %arg19[%dma_start3A_105, %dma_start3A_106] : memref<10000x128xf32, #tpu.memory_space<vmem_shared>> -> memref<10000x128xf32, #tpu.memory_space<vmem_shared>>
      tpu.enqueue_indirect_dma source(%arg13 : memref<128x128xf32, #tpu.memory_space<vmem>>) target(%dma_start3A_107 : memref<10000x128xf32, #tpu.memory_space<vmem_shared>>) offsets(%arg10 : memref<128xi32, #tpu.memory_space<vmem>>) semaphore(%run_scoped3A : memref<!tpu.dma_semaphore, #tpu.memory_space<semaphore_mem>>) {add = true}
      %dma_wait3A_108 = arith.constant 0 : i32
      %dma_wait3A_109 = arith.constant 0 : i32
      %dma_wait3A_110 = tpu.memref_slice %arg19[%dma_wait3A_108, %dma_wait3A_109] : memref<10000x128xf32, #tpu.memory_space<vmem_shared>> -> memref<10000x128xf32, #tpu.memory_space<vmem_shared>>
      tpu.wait_indirect_dma semaphore(%run_scoped3A : memref<!tpu.dma_semaphore, #tpu.memory_space<semaphore_mem>>) src(%arg13 : memref<128x128xf32, #tpu.memory_space<vmem>>) dst(%dma_wait3A_110 : memref<10000x128xf32, #tpu.memory_space<vmem_shared>>)
      tpu.yield
    }) : () -> ()
    %dma_wait3A_73 = arith.constant 0 : i32
    %dma_wait3A_74 = arith.constant 0 : i32
    %dma_wait3A_75 = tpu.memref_slice %arg2[%dma_wait3A_73, %dma_wait3A_74] : memref<10000x128xf32, #tpu.memory_space<hbm>> -> memref<10000x128xf32, #tpu.memory_space<hbm>>
    tpu.wait_indirect_dma semaphore(%arg17 : memref<!tpu.dma_semaphore, #tpu.memory_space<semaphore_mem>>) src(%dma_wait3A_75 : memref<10000x128xf32, #tpu.memory_space<hbm>>) dst(%arg14 : memref<128x128xf32, #tpu.memory_space<vmem>>)
    "tpu.region"() ({
      %run_scoped3A = tpu.sem_alloc : memref<!tpu.dma_semaphore, #tpu.memory_space<semaphore_mem>>
      %dma_start3A_105 = arith.constant 0 : i32
      %dma_start3A_106 = arith.constant 0 : i32
      %dma_start3A_107 = tpu.memref_slice %arg19[%dma_start3A_105, %dma_start3A_106] : memref<10000x128xf32, #tpu.memory_space<vmem_shared>> -> memref<10000x128xf32, #tpu.memory_space<vmem_shared>>
      tpu.enqueue_indirect_dma source(%arg14 : memref<128x128xf32, #tpu.memory_space<vmem>>) target(%dma_start3A_107 : memref<10000x128xf32, #tpu.memory_space<vmem_shared>>) offsets(%arg11 : memref<128xi32, #tpu.memory_space<vmem>>) semaphore(%run_scoped3A : memref<!tpu.dma_semaphore, #tpu.memory_space<semaphore_mem>>) {add = true}
      %dma_wait3A_108 = arith.constant 0 : i32
      %dma_wait3A_109 = arith.constant 0 : i32
      %dma_wait3A_110 = tpu.memref_slice %arg19[%dma_wait3A_108, %dma_wait3A_109] : memref<10000x128xf32, #tpu.memory_space<vmem_shared>> -> memref<10000x128xf32, #tpu.memory_space<vmem_shared>>
      tpu.wait_indirect_dma semaphore(%run_scoped3A : memref<!tpu.dma_semaphore, #tpu.memory_space<semaphore_mem>>) src(%arg14 : memref<128x128xf32, #tpu.memory_space<vmem>>) dst(%dma_wait3A_110 : memref<10000x128xf32, #tpu.memory_space<vmem_shared>>)
      tpu.yield
    }) : () -> ()
    %dma_wait3A_76 = arith.constant 0 : i32
    %dma_wait3A_77 = arith.constant 0 : i32
    %dma_wait3A_78 = tpu.memref_slice %arg2[%dma_wait3A_76, %dma_wait3A_77] : memref<10000x128xf32, #tpu.memory_space<hbm>> -> memref<10000x128xf32, #tpu.memory_space<hbm>>
    tpu.wait_indirect_dma semaphore(%arg18 : memref<!tpu.dma_semaphore, #tpu.memory_space<semaphore_mem>>) src(%dma_wait3A_78 : memref<10000x128xf32, #tpu.memory_space<hbm>>) dst(%arg15 : memref<128x128xf32, #tpu.memory_space<vmem>>)
    "tpu.region"() ({
      %run_scoped3A = tpu.sem_alloc : memref<!tpu.dma_semaphore, #tpu.memory_space<semaphore_mem>>
      %dma_start3A_105 = arith.constant 0 : i32
      %dma_start3A_106 = arith.constant 0 : i32
      %dma_start3A_107 = tpu.memref_slice %arg19[%dma_start3A_105, %dma_start3A_106] : memref<10000x128xf32, #tpu.memory_space<vmem_shared>> -> memref<10000x128xf32, #tpu.memory_space<vmem_shared>>
      tpu.enqueue_indirect_dma source(%arg15 : memref<128x128xf32, #tpu.memory_space<vmem>>) target(%dma_start3A_107 : memref<10000x128xf32, #tpu.memory_space<vmem_shared>>) offsets(%arg12 : memref<128xi32, #tpu.memory_space<vmem>>) semaphore(%run_scoped3A : memref<!tpu.dma_semaphore, #tpu.memory_space<semaphore_mem>>) {add = true}
      %dma_wait3A_108 = arith.constant 0 : i32
      %dma_wait3A_109 = arith.constant 0 : i32
      %dma_wait3A_110 = tpu.memref_slice %arg19[%dma_wait3A_108, %dma_wait3A_109] : memref<10000x128xf32, #tpu.memory_space<vmem_shared>> -> memref<10000x128xf32, #tpu.memory_space<vmem_shared>>
      tpu.wait_indirect_dma semaphore(%run_scoped3A : memref<!tpu.dma_semaphore, #tpu.memory_space<semaphore_mem>>) src(%arg15 : memref<128x128xf32, #tpu.memory_space<vmem>>) dst(%dma_wait3A_110 : memref<10000x128xf32, #tpu.memory_space<vmem_shared>>)
      tpu.yield
    }) : () -> ()
    %mul3A_79 = arith.constant 3 : i32
    %mul3A_80 = arith.muli %select_n3A_36, %mul3A_79 : i32
    %while3A_81 = arith.constant 0 : i32
    %while3A_82 = arith.subi %select_n3A_18, %mul3A_80 : i32
    %while3A_83 = arith.addi %mul3A_80, %while3A_82 : i32
    %while3A_84 = arith.constant 1 : i32
    %while3A_85 = arith.divsi %while3A_82, %while3A_84 : i32
    %while3A_86 = arith.muli %while3A_85, %while3A_84 : i32
    %while3A_87 = arith.addi %mul3A_80, %while3A_86 : i32
    %while3A_88 = arith.constant 1 : i32
    %while3A_89 = scf.for %while3A_105 = %mul3A_80 to %while3A_87 step %while3A_88 iter_args(%while3A_106 = %while3A_81) -> (i32)  : i32 {
      %mul3A_107 = arith.constant 32 : i32
      %mul3A_108 = arith.muli %mul3A_107, %while3A_105 : i32
      %add3A_109 = arith.addi %add3A, %mul3A_108 : i32
      %mul3A_110 = arith.constant 128 : i32
      %mul3A_111 = arith.muli %add3A_109, %mul3A_110 : i32
      "tpu.region"() ({
        %run_scoped3A = tpu.sem_alloc : memref<!tpu.dma_semaphore, #tpu.memory_space<semaphore_mem>>
        %dma_start3A_119 = tpu.memref_slice %arg3[%mul3A_111] : memref<320000xi32, #tpu.memory_space<hbm>> -> memref<128xi32, #tpu.memory_space<hbm>>
        %dma_start3A_120 = tpu.memref_slice %arg3[%mul3A_111] : memref<320000xi32, #tpu.memory_space<hbm>> -> memref<128xi32, #tpu.memory_space<hbm>>
        tpu.enqueue_dma source(%dma_start3A_120 : memref<128xi32, #tpu.memory_space<hbm>>) target(%arg7 : memref<128xi32, #tpu.memory_space<vmem>>) target_semaphore(%run_scoped3A : memref<!tpu.dma_semaphore, #tpu.memory_space<semaphore_mem>>)
        %dma_wait3A_121 = tpu.memref_slice %arg3[%mul3A_111] : memref<320000xi32, #tpu.memory_space<hbm>> -> memref<128xi32, #tpu.memory_space<hbm>>
        %dma_wait3A_122 = tpu.memref_slice %arg3[%mul3A_111] : memref<320000xi32, #tpu.memory_space<hbm>> -> memref<128xi32, #tpu.memory_space<hbm>>
        tpu.wait_dma2 semaphore(%run_scoped3A : memref<!tpu.dma_semaphore, #tpu.memory_space<semaphore_mem>>) src(%dma_wait3A_122 : memref<128xi32, #tpu.memory_space<hbm>>) dst(%arg7 : memref<128xi32, #tpu.memory_space<vmem>>)
        tpu.yield
      }) : () -> ()
      "tpu.region"() ({
        %run_scoped3A = tpu.sem_alloc : memref<!tpu.dma_semaphore, #tpu.memory_space<semaphore_mem>>
        %dma_start3A_119 = tpu.memref_slice %arg4[%mul3A_111] : memref<320000xi32, #tpu.memory_space<hbm>> -> memref<128xi32, #tpu.memory_space<hbm>>
        %dma_start3A_120 = tpu.memref_slice %arg4[%mul3A_111] : memref<320000xi32, #tpu.memory_space<hbm>> -> memref<128xi32, #tpu.memory_space<hbm>>
        tpu.enqueue_dma source(%dma_start3A_120 : memref<128xi32, #tpu.memory_space<hbm>>) target(%arg10 : memref<128xi32, #tpu.memory_space<vmem>>) target_semaphore(%run_scoped3A : memref<!tpu.dma_semaphore, #tpu.memory_space<semaphore_mem>>)
        %dma_wait3A_121 = tpu.memref_slice %arg4[%mul3A_111] : memref<320000xi32, #tpu.memory_space<hbm>> -> memref<128xi32, #tpu.memory_space<hbm>>
        %dma_wait3A_122 = tpu.memref_slice %arg4[%mul3A_111] : memref<320000xi32, #tpu.memory_space<hbm>> -> memref<128xi32, #tpu.memory_space<hbm>>
        tpu.wait_dma2 semaphore(%run_scoped3A : memref<!tpu.dma_semaphore, #tpu.memory_space<semaphore_mem>>) src(%dma_wait3A_122 : memref<128xi32, #tpu.memory_space<hbm>>) dst(%arg10 : memref<128xi32, #tpu.memory_space<vmem>>)
        tpu.yield
      }) : () -> ()
      %dma_start3A_112 = arith.constant 0 : i32
      %dma_start3A_113 = arith.constant 0 : i32
      %dma_start3A_114 = tpu.memref_slice %arg2[%dma_start3A_112, %dma_start3A_113] : memref<10000x128xf32, #tpu.memory_space<hbm>> -> memref<10000x128xf32, #tpu.memory_space<hbm>>
      tpu.enqueue_indirect_dma source(%dma_start3A_114 : memref<10000x128xf32, #tpu.memory_space<hbm>>) target(%arg13 : memref<128x128xf32, #tpu.memory_space<vmem>>) offsets(%arg7 : memref<128xi32, #tpu.memory_space<vmem>>) semaphore(%arg16 : memref<!tpu.dma_semaphore, #tpu.memory_space<semaphore_mem>>)
      %dma_wait3A_115 = arith.constant 0 : i32
      %dma_wait3A_116 = arith.constant 0 : i32
      %dma_wait3A_117 = tpu.memref_slice %arg2[%dma_wait3A_115, %dma_wait3A_116] : memref<10000x128xf32, #tpu.memory_space<hbm>> -> memref<10000x128xf32, #tpu.memory_space<hbm>>
      tpu.wait_indirect_dma semaphore(%arg16 : memref<!tpu.dma_semaphore, #tpu.memory_space<semaphore_mem>>) src(%dma_wait3A_117 : memref<10000x128xf32, #tpu.memory_space<hbm>>) dst(%arg13 : memref<128x128xf32, #tpu.memory_space<vmem>>)
      "tpu.region"() ({
        %run_scoped3A = tpu.sem_alloc : memref<!tpu.dma_semaphore, #tpu.memory_space<semaphore_mem>>
        %dma_start3A_119 = arith.constant 0 : i32
        %dma_start3A_120 = arith.constant 0 : i32
        %dma_start3A_121 = tpu.memref_slice %arg19[%dma_start3A_119, %dma_start3A_120] : memref<10000x128xf32, #tpu.memory_space<vmem_shared>> -> memref<10000x128xf32, #tpu.memory_space<vmem_shared>>
        tpu.enqueue_indirect_dma source(%arg13 : memref<128x128xf32, #tpu.memory_space<vmem>>) target(%dma_start3A_121 : memref<10000x128xf32, #tpu.memory_space<vmem_shared>>) offsets(%arg10 : memref<128xi32, #tpu.memory_space<vmem>>) semaphore(%run_scoped3A : memref<!tpu.dma_semaphore, #tpu.memory_space<semaphore_mem>>) {add = true}
        %dma_wait3A_122 = arith.constant 0 : i32
        %dma_wait3A_123 = arith.constant 0 : i32
        %dma_wait3A_124 = tpu.memref_slice %arg19[%dma_wait3A_122, %dma_wait3A_123] : memref<10000x128xf32, #tpu.memory_space<vmem_shared>> -> memref<10000x128xf32, #tpu.memory_space<vmem_shared>>
        tpu.wait_indirect_dma semaphore(%run_scoped3A : memref<!tpu.dma_semaphore, #tpu.memory_space<semaphore_mem>>) src(%arg13 : memref<128x128xf32, #tpu.memory_space<vmem>>) dst(%dma_wait3A_124 : memref<10000x128xf32, #tpu.memory_space<vmem_shared>>)
        tpu.yield
      }) : () -> ()
      %while3A_118 = arith.constant 0 : i32
      scf.yield %while3A_118 : i32
    }
    %while3A_90 = arith.constant 1 : i32
    %while3A_91 = scf.for %while3A_105 = %while3A_87 to %while3A_83 step %while3A_90 iter_args(%while3A_106 = %while3A_89) -> (i32)  : i32 {
      %mul3A_107 = arith.constant 32 : i32
      %mul3A_108 = arith.muli %mul3A_107, %while3A_105 : i32
      %add3A_109 = arith.addi %add3A, %mul3A_108 : i32
      %mul3A_110 = arith.constant 128 : i32
      %mul3A_111 = arith.muli %add3A_109, %mul3A_110 : i32
      "tpu.region"() ({
        %run_scoped3A = tpu.sem_alloc : memref<!tpu.dma_semaphore, #tpu.memory_space<semaphore_mem>>
        %dma_start3A_119 = tpu.memref_slice %arg3[%mul3A_111] : memref<320000xi32, #tpu.memory_space<hbm>> -> memref<128xi32, #tpu.memory_space<hbm>>
        %dma_start3A_120 = tpu.memref_slice %arg3[%mul3A_111] : memref<320000xi32, #tpu.memory_space<hbm>> -> memref<128xi32, #tpu.memory_space<hbm>>
        tpu.enqueue_dma source(%dma_start3A_120 : memref<128xi32, #tpu.memory_space<hbm>>) target(%arg7 : memref<128xi32, #tpu.memory_space<vmem>>) target_semaphore(%run_scoped3A : memref<!tpu.dma_semaphore, #tpu.memory_space<semaphore_mem>>)
        %dma_wait3A_121 = tpu.memref_slice %arg3[%mul3A_111] : memref<320000xi32, #tpu.memory_space<hbm>> -> memref<128xi32, #tpu.memory_space<hbm>>
        %dma_wait3A_122 = tpu.memref_slice %arg3[%mul3A_111] : memref<320000xi32, #tpu.memory_space<hbm>> -> memref<128xi32, #tpu.memory_space<hbm>>
        tpu.wait_dma2 semaphore(%run_scoped3A : memref<!tpu.dma_semaphore, #tpu.memory_space<semaphore_mem>>) src(%dma_wait3A_122 : memref<128xi32, #tpu.memory_space<hbm>>) dst(%arg7 : memref<128xi32, #tpu.memory_space<vmem>>)
        tpu.yield
      }) : () -> ()
      "tpu.region"() ({
        %run_scoped3A = tpu.sem_alloc : memref<!tpu.dma_semaphore, #tpu.memory_space<semaphore_mem>>
        %dma_start3A_119 = tpu.memref_slice %arg4[%mul3A_111] : memref<320000xi32, #tpu.memory_space<hbm>> -> memref<128xi32, #tpu.memory_space<hbm>>
        %dma_start3A_120 = tpu.memref_slice %arg4[%mul3A_111] : memref<320000xi32, #tpu.memory_space<hbm>> -> memref<128xi32, #tpu.memory_space<hbm>>
        tpu.enqueue_dma source(%dma_start3A_120 : memref<128xi32, #tpu.memory_space<hbm>>) target(%arg10 : memref<128xi32, #tpu.memory_space<vmem>>) target_semaphore(%run_scoped3A : memref<!tpu.dma_semaphore, #tpu.memory_space<semaphore_mem>>)
        %dma_wait3A_121 = tpu.memref_slice %arg4[%mul3A_111] : memref<320000xi32, #tpu.memory_space<hbm>> -> memref<128xi32, #tpu.memory_space<hbm>>
        %dma_wait3A_122 = tpu.memref_slice %arg4[%mul3A_111] : memref<320000xi32, #tpu.memory_space<hbm>> -> memref<128xi32, #tpu.memory_space<hbm>>
        tpu.wait_dma2 semaphore(%run_scoped3A : memref<!tpu.dma_semaphore, #tpu.memory_space<semaphore_mem>>) src(%dma_wait3A_122 : memref<128xi32, #tpu.memory_space<hbm>>) dst(%arg10 : memref<128xi32, #tpu.memory_space<vmem>>)
        tpu.yield
      }) : () -> ()
      %dma_start3A_112 = arith.constant 0 : i32
      %dma_start3A_113 = arith.constant 0 : i32
      %dma_start3A_114 = tpu.memref_slice %arg2[%dma_start3A_112, %dma_start3A_113] : memref<10000x128xf32, #tpu.memory_space<hbm>> -> memref<10000x128xf32, #tpu.memory_space<hbm>>
      tpu.enqueue_indirect_dma source(%dma_start3A_114 : memref<10000x128xf32, #tpu.memory_space<hbm>>) target(%arg13 : memref<128x128xf32, #tpu.memory_space<vmem>>) offsets(%arg7 : memref<128xi32, #tpu.memory_space<vmem>>) semaphore(%arg16 : memref<!tpu.dma_semaphore, #tpu.memory_space<semaphore_mem>>)
      %dma_wait3A_115 = arith.constant 0 : i32
      %dma_wait3A_116 = arith.constant 0 : i32
      %dma_wait3A_117 = tpu.memref_slice %arg2[%dma_wait3A_115, %dma_wait3A_116] : memref<10000x128xf32, #tpu.memory_space<hbm>> -> memref<10000x128xf32, #tpu.memory_space<hbm>>
      tpu.wait_indirect_dma semaphore(%arg16 : memref<!tpu.dma_semaphore, #tpu.memory_space<semaphore_mem>>) src(%dma_wait3A_117 : memref<10000x128xf32, #tpu.memory_space<hbm>>) dst(%arg13 : memref<128x128xf32, #tpu.memory_space<vmem>>)
      "tpu.region"() ({
        %run_scoped3A = tpu.sem_alloc : memref<!tpu.dma_semaphore, #tpu.memory_space<semaphore_mem>>
        %dma_start3A_119 = arith.constant 0 : i32
        %dma_start3A_120 = arith.constant 0 : i32
        %dma_start3A_121 = tpu.memref_slice %arg19[%dma_start3A_119, %dma_start3A_120] : memref<10000x128xf32, #tpu.memory_space<vmem_shared>> -> memref<10000x128xf32, #tpu.memory_space<vmem_shared>>
        tpu.enqueue_indirect_dma source(%arg13 : memref<128x128xf32, #tpu.memory_space<vmem>>) target(%dma_start3A_121 : memref<10000x128xf32, #tpu.memory_space<vmem_shared>>) offsets(%arg10 : memref<128xi32, #tpu.memory_space<vmem>>) semaphore(%run_scoped3A : memref<!tpu.dma_semaphore, #tpu.memory_space<semaphore_mem>>) {add = true}
        %dma_wait3A_122 = arith.constant 0 : i32
        %dma_wait3A_123 = arith.constant 0 : i32
        %dma_wait3A_124 = tpu.memref_slice %arg19[%dma_wait3A_122, %dma_wait3A_123] : memref<10000x128xf32, #tpu.memory_space<vmem_shared>> -> memref<10000x128xf32, #tpu.memory_space<vmem_shared>>
        tpu.wait_indirect_dma semaphore(%run_scoped3A : memref<!tpu.dma_semaphore, #tpu.memory_space<semaphore_mem>>) src(%arg13 : memref<128x128xf32, #tpu.memory_space<vmem>>) dst(%dma_wait3A_124 : memref<10000x128xf32, #tpu.memory_space<vmem_shared>>)
        tpu.yield
      }) : () -> ()
      %while3A_118 = arith.constant 0 : i32
      scf.yield %while3A_118 : i32
    }
    %barrier3A_92 = arith.constant 0 : index
    tpu.barrier barrier_id(%barrier3A_92)
    %while3A_93 = arith.constant 0 : i32
    %while3A_94 = arith.constant 0 : i32
    %while3A_95 = arith.subi %select_n3A, %while3A_93 : i32
    %while3A_96 = arith.addi %while3A_93, %while3A_95 : i32
    %while3A_97 = arith.constant 1 : i32
    %while3A_98 = arith.divsi %while3A_95, %while3A_97 : i32
    %while3A_99 = arith.muli %while3A_98, %while3A_97 : i32
    %while3A_100 = arith.addi %while3A_93, %while3A_99 : i32
    %while3A_101 = arith.constant 1 : i32
    %while3A_102 = scf.for %while3A_105 = %while3A_93 to %while3A_100 step %while3A_101 iter_args(%while3A_106 = %while3A_94) -> (i32)  : i32 {
      %mul3A_107 = arith.constant 16 : i32
      %mul3A_108 = arith.muli %mul3A_107, %while3A_105 : i32
      %add3A_109 = arith.addi %arg1, %mul3A_108 : i32
      %mul3A_110 = arith.constant 200 : i32
      %mul3A_111 = arith.muli %add3A_109, %mul3A_110 : i32
      %mul3A_112 = arith.constant 10000 : i32
      %mul3A_113 = arith.muli %arg0, %mul3A_112 : i32
      %mul3A_114 = arith.constant 200 : i32
      %mul3A_115 = arith.muli %add3A_109, %mul3A_114 : i32
      %add3A_116 = arith.addi %mul3A_113, %mul3A_115 : i32
      "tpu.region"() ({
        %run_scoped3A = tpu.sem_alloc : memref<!tpu.dma_semaphore, #tpu.memory_space<semaphore_mem>>
        %dma_start3A_118 = arith.constant 0 : i32
        %dma_start3A_119 = tpu.memref_slice %arg6[%add3A_116, %dma_start3A_118] : memref<20000x128xf32, #tpu.memory_space<hbm>> -> memref<200x128xf32, #tpu.memory_space<hbm>>
        %dma_start3A_120 = arith.constant 0 : i32
        %dma_start3A_121 = tpu.memref_slice %arg19[%mul3A_111, %dma_start3A_120] : memref<10000x128xf32, #tpu.memory_space<vmem_shared>> -> memref<200x128xf32, #tpu.memory_space<vmem_shared>>
        tpu.enqueue_dma source(%dma_start3A_121 : memref<200x128xf32, #tpu.memory_space<vmem_shared>>) target(%dma_start3A_119 : memref<200x128xf32, #tpu.memory_space<hbm>>) target_semaphore(%run_scoped3A : memref<!tpu.dma_semaphore, #tpu.memory_space<semaphore_mem>>)
        %dma_wait3A_122 = arith.constant 0 : i32
        %dma_wait3A_123 = tpu.memref_slice %arg6[%add3A_116, %dma_wait3A_122] : memref<20000x128xf32, #tpu.memory_space<hbm>> -> memref<200x128xf32, #tpu.memory_space<hbm>>
        %dma_wait3A_124 = arith.constant 0 : i32
        %dma_wait3A_125 = tpu.memref_slice %arg19[%mul3A_111, %dma_wait3A_124] : memref<10000x128xf32, #tpu.memory_space<vmem_shared>> -> memref<200x128xf32, #tpu.memory_space<vmem_shared>>
        tpu.wait_dma2 semaphore(%run_scoped3A : memref<!tpu.dma_semaphore, #tpu.memory_space<semaphore_mem>>) src(%dma_wait3A_125 : memref<200x128xf32, #tpu.memory_space<vmem_shared>>) dst(%dma_wait3A_123 : memref<200x128xf32, #tpu.memory_space<hbm>>)
        tpu.yield
      }) : () -> ()
      %while3A_117 = arith.constant 0 : i32
      scf.yield %while3A_117 : i32
    }
    %while3A_103 = arith.constant 1 : i32
    %while3A_104 = scf.for %while3A_105 = %while3A_100 to %while3A_96 step %while3A_103 iter_args(%while3A_106 = %while3A_102) -> (i32)  : i32 {
      %mul3A_107 = arith.constant 16 : i32
      %mul3A_108 = arith.muli %mul3A_107, %while3A_105 : i32
      %add3A_109 = arith.addi %arg1, %mul3A_108 : i32
      %mul3A_110 = arith.constant 200 : i32
      %mul3A_111 = arith.muli %add3A_109, %mul3A_110 : i32
      %mul3A_112 = arith.constant 10000 : i32
      %mul3A_113 = arith.muli %arg0, %mul3A_112 : i32
      %mul3A_114 = arith.constant 200 : i32
      %mul3A_115 = arith.muli %add3A_109, %mul3A_114 : i32
      %add3A_116 = arith.addi %mul3A_113, %mul3A_115 : i32
      "tpu.region"() ({
        %run_scoped3A = tpu.sem_alloc : memref<!tpu.dma_semaphore, #tpu.memory_space<semaphore_mem>>
        %dma_start3A_118 = arith.constant 0 : i32
        %dma_start3A_119 = tpu.memref_slice %arg6[%add3A_116, %dma_start3A_118] : memref<20000x128xf32, #tpu.memory_space<hbm>> -> memref<200x128xf32, #tpu.memory_space<hbm>>
        %dma_start3A_120 = arith.constant 0 : i32
        %dma_start3A_121 = tpu.memref_slice %arg19[%mul3A_111, %dma_start3A_120] : memref<10000x128xf32, #tpu.memory_space<vmem_shared>> -> memref<200x128xf32, #tpu.memory_space<vmem_shared>>
        tpu.enqueue_dma source(%dma_start3A_121 : memref<200x128xf32, #tpu.memory_space<vmem_shared>>) target(%dma_start3A_119 : memref<200x128xf32, #tpu.memory_space<hbm>>) target_semaphore(%run_scoped3A : memref<!tpu.dma_semaphore, #tpu.memory_space<semaphore_mem>>)
        %dma_wait3A_122 = arith.constant 0 : i32
        %dma_wait3A_123 = tpu.memref_slice %arg6[%add3A_116, %dma_wait3A_122] : memref<20000x128xf32, #tpu.memory_space<hbm>> -> memref<200x128xf32, #tpu.memory_space<hbm>>
        %dma_wait3A_124 = arith.constant 0 : i32
        %dma_wait3A_125 = tpu.memref_slice %arg19[%mul3A_111, %dma_wait3A_124] : memref<10000x128xf32, #tpu.memory_space<vmem_shared>> -> memref<200x128xf32, #tpu.memory_space<vmem_shared>>
        tpu.wait_dma2 semaphore(%run_scoped3A : memref<!tpu.dma_semaphore, #tpu.memory_space<semaphore_mem>>) src(%dma_wait3A_125 : memref<200x128xf32, #tpu.memory_space<vmem_shared>>) dst(%dma_wait3A_123 : memref<200x128xf32, #tpu.memory_space<hbm>>)
        tpu.yield
      }) : () -> ()
      %while3A_117 = arith.constant 0 : i32
      scf.yield %while3A_117 : i32
    }
    return
  }
}

#map = affine_map<(d0, d1) -> (0, 0)>
#map1 = affine_map<(d0, d1) -> (0)>
module attributes {stable_mosaic.version = 14 : i64} {
  func.func @_spmm_kernel(%arg0: i32, %arg1: i32, %arg2: memref<10000x128xf32, #tpu.memory_space<hbm>>, %arg3: memref<320000xi32, #tpu.memory_space<hbm>>, %arg4: memref<320000xi32, #tpu.memory_space<hbm>>, %arg5: memref<10000x128xf32, #tpu.memory_space<hbm>>, %arg6: memref<20000x128xf32, #tpu.memory_space<hbm>>, %arg7: memref<128xi32, #tpu.memory_space<vmem>>, %arg8: memref<128xi32, #tpu.memory_space<vmem>>, %arg9: memref<128xi32, #tpu.memory_space<vmem>>, %arg10: memref<128xi32, #tpu.memory_space<vmem>>, %arg11: memref<128xi32, #tpu.memory_space<vmem>>, %arg12: memref<128xi32, #tpu.memory_space<vmem>>, %arg13: memref<128x128xf32, #tpu.memory_space<vmem>>, %arg14: memref<128x128xf32, #tpu.memory_space<vmem>>, %arg15: memref<128x128xf32, #tpu.memory_space<vmem>>, %arg16: memref<!tpu.dma_semaphore, #tpu.memory_space<semaphore_mem>>, %arg17: memref<!tpu.dma_semaphore, #tpu.memory_space<semaphore_mem>>, %arg18: memref<!tpu.dma_semaphore, #tpu.memory_space<semaphore_mem>>, %arg19: memref<10000x128xf32, #tpu.memory_space<vmem_shared>>) attributes {dimension_semantics = [#tpu.dimension_semantics<core_parallel>, #tpu.dimension_semantics<subcore_parallel>], iteration_bounds = array<i64: 2, 16>, scalar_prefetch = 0 : i64, scratch_operands = 13 : i64, tpu.core_type = #tpu.core_type<sc_vector_subcore>, window_params = [{transform_indices = #map}, {transform_indices = #map1}, {transform_indices = #map1}, {transform_indices = #map}, {transform_indices = #map}]} {
    %mul3A = arith.constant 2 : i32
    %mul3A_0 = arith.muli %arg1, %mul3A : i32
    %add3A = arith.addi %mul3A_0, %arg0 : i32
    %lt3A = arith.constant 2 : i32
    %lt3A_1 = arith.cmpi slt, %arg1, %lt3A : i32
    %jit3A = arith.constant 4 : i32
    %jit3A_2 = arith.constant 3 : i32
    %select_n3A = arith.select %lt3A_1, %jit3A, %jit3A_2 : i32
    %while3A = arith.constant 0 : i32
    %while3A_3 = arith.constant 0 : i32
    %while3A_4 = arith.subi %select_n3A, %while3A : i32
    %while3A_5 = arith.addi %while3A, %while3A_4 : i32
    %while3A_6 = arith.constant 1 : i32
    %while3A_7 = arith.divsi %while3A_4, %while3A_6 : i32
    %while3A_8 = arith.muli %while3A_7, %while3A_6 : i32
    %while3A_9 = arith.addi %while3A, %while3A_8 : i32
    %while3A_10 = arith.constant 1 : i32
    %while3A_11 = scf.for %while3A_105 = %while3A to %while3A_9 step %while3A_10 iter_args(%while3A_106 = %while3A_3) -> (i32)  : i32 {
      %mul3A_107 = arith.constant 16 : i32
      %mul3A_108 = arith.muli %mul3A_107, %while3A_105 : i32
      %add3A_109 = arith.addi %arg1, %mul3A_108 : i32
      %mul3A_110 = arith.constant 200 : i32
      %mul3A_111 = arith.muli %add3A_109, %mul3A_110 : i32
      %mul3A_112 = arith.constant 200 : i32
      %mul3A_113 = arith.muli %add3A_109, %mul3A_112 : i32
      "tpu.region"() ({
        %run_scoped3A = tpu.sem_alloc : memref<!tpu.dma_semaphore, #tpu.memory_space<semaphore_mem>>
        %dma_start3A_115 = arith.constant 0 : i32
        %dma_start3A_116 = tpu.memref_slice %arg19[%mul3A_113, %dma_start3A_115] : memref<10000x128xf32, #tpu.memory_space<vmem_shared>> -> memref<200x128xf32, #tpu.memory_space<vmem_shared>>
        %dma_start3A_117 = arith.constant 0 : i32
        %dma_start3A_118 = tpu.memref_slice %arg5[%mul3A_111, %dma_start3A_117] : memref<10000x128xf32, #tpu.memory_space<hbm>> -> memref<200x128xf32, #tpu.memory_space<hbm>>
        tpu.enqueue_dma source(%dma_start3A_118 : memref<200x128xf32, #tpu.memory_space<hbm>>) target(%dma_start3A_116 : memref<200x128xf32, #tpu.memory_space<vmem_shared>>) target_semaphore(%run_scoped3A : memref<!tpu.dma_semaphore, #tpu.memory_space<semaphore_mem>>)
        %dma_wait3A_119 = arith.constant 0 : i32
        %dma_wait3A_120 = tpu.memref_slice %arg19[%mul3A_113, %dma_wait3A_119] : memref<10000x128xf32, #tpu.memory_space<vmem_shared>> -> memref<200x128xf32, #tpu.memory_space<vmem_shared>>
        %dma_wait3A_121 = arith.constant 0 : i32
        %dma_wait3A_122 = tpu.memref_slice %arg5[%mul3A_111, %dma_wait3A_121] : memref<10000x128xf32, #tpu.memory_space<hbm>> -> memref<200x128xf32, #tpu.memory_space<hbm>>
        tpu.wait_dma2 semaphore(%run_scoped3A : memref<!tpu.dma_semaphore, #tpu.memory_space<semaphore_mem>>) src(%dma_wait3A_122 : memref<200x128xf32, #tpu.memory_space<hbm>>) dst(%dma_wait3A_120 : memref<200x128xf32, #tpu.memory_space<vmem_shared>>)
        tpu.yield
      }) : () -> ()
      %while3A_114 = arith.constant 0 : i32
      scf.yield %while3A_114 : i32
    }
    %while3A_12 = arith.constant 1 : i32
    %while3A_13 = scf.for %while3A_105 = %while3A_9 to %while3A_5 step %while3A_12 iter_args(%while3A_106 = %while3A_11) -> (i32)  : i32 {
      %mul3A_107 = arith.constant 16 : i32
      %mul3A_108 = arith.muli %mul3A_107, %while3A_105 : i32
      %add3A_109 = arith.addi %arg1, %mul3A_108 : i32
      %mul3A_110 = arith.constant 200 : i32
      %mul3A_111 = arith.muli %add3A_109, %mul3A_110 : i32
      %mul3A_112 = arith.constant 200 : i32
      %mul3A_113 = arith.muli %add3A_109, %mul3A_112 : i32
      "tpu.region"() ({
        %run_scoped3A = tpu.sem_alloc : memref<!tpu.dma_semaphore, #tpu.memory_space<semaphore_mem>>
        %dma_start3A_115 = arith.constant 0 : i32
        %dma_start3A_116 = tpu.memref_slice %arg19[%mul3A_113, %dma_start3A_115] : memref<10000x128xf32, #tpu.memory_space<vmem_shared>> -> memref<200x128xf32, #tpu.memory_space<vmem_shared>>
        %dma_start3A_117 = arith.constant 0 : i32
        %dma_start3A_118 = tpu.memref_slice %arg5[%mul3A_111, %dma_start3A_117] : memref<10000x128xf32, #tpu.memory_space<hbm>> -> memref<200x128xf32, #tpu.memory_space<hbm>>
        tpu.enqueue_dma source(%dma_start3A_118 : memref<200x128xf32, #tpu.memory_space<hbm>>) target(%dma_start3A_116 : memref<200x128xf32, #tpu.memory_space<vmem_shared>>) target_semaphore(%run_scoped3A : memref<!tpu.dma_semaphore, #tpu.memory_space<semaphore_mem>>)
        %dma_wait3A_119 = arith.constant 0 : i32
        %dma_wait3A_120 = tpu.memref_slice %arg19[%mul3A_113, %dma_wait3A_119] : memref<10000x128xf32, #tpu.memory_space<vmem_shared>> -> memref<200x128xf32, #tpu.memory_space<vmem_shared>>
        %dma_wait3A_121 = arith.constant 0 : i32
        %dma_wait3A_122 = tpu.memref_slice %arg5[%mul3A_111, %dma_wait3A_121] : memref<10000x128xf32, #tpu.memory_space<hbm>> -> memref<200x128xf32, #tpu.memory_space<hbm>>
        tpu.wait_dma2 semaphore(%run_scoped3A : memref<!tpu.dma_semaphore, #tpu.memory_space<semaphore_mem>>) src(%dma_wait3A_122 : memref<200x128xf32, #tpu.memory_space<hbm>>) dst(%dma_wait3A_120 : memref<200x128xf32, #tpu.memory_space<vmem_shared>>)
        tpu.yield
      }) : () -> ()
      %while3A_114 = arith.constant 0 : i32
      scf.yield %while3A_114 : i32
    }
    %barrier3A = arith.constant 0 : index
    tpu.barrier barrier_id(%barrier3A)
    %lt3A_14 = arith.constant 4 : i32
    %lt3A_15 = arith.cmpi slt, %add3A, %lt3A_14 : i32
    %jit3A_16 = arith.constant 79 : i32
    %jit3A_17 = arith.constant 78 : i32
    %select_n3A_18 = arith.select %lt3A_15, %jit3A_16, %jit3A_17 : i32
    %jit3A_19 = arith.constant 3 : i32
    %div3A = arith.divsi %select_n3A_18, %jit3A_19 : i32
    %sign3A = arith.constant 0 : i32
    %sign3A_20 = arith.cmpi sgt, %select_n3A_18, %sign3A : i32
    %sign3A_21 = arith.extui %sign3A_20 : i1 to i32
    %sign3A_22 = arith.constant 0 : i32
    %sign3A_23 = arith.cmpi slt, %select_n3A_18, %sign3A_22 : i32
    %sign3A_24 = arith.extui %sign3A_23 : i1 to i32
    %sign3A_25 = arith.subi %sign3A_21, %sign3A_24 : i32
    %sign3A_26 = arith.constant 0 : i32
    %sign3A_27 = arith.cmpi sgt, %jit3A_19, %sign3A_26 : i32
    %sign3A_28 = arith.extui %sign3A_27 : i1 to i32
    %sign3A_29 = arith.constant 0 : i32
    %sign3A_30 = arith.cmpi slt, %jit3A_19, %sign3A_29 : i32
    %sign3A_31 = arith.extui %sign3A_30 : i1 to i32
    %sign3A_32 = arith.subi %sign3A_28, %sign3A_31 : i32
    %ne3A = arith.cmpi ne, %sign3A_25, %sign3A_32 : i32
    %rem3A = arith.remsi %select_n3A_18, %jit3A_19 : i32
    %ne3A_33 = arith.constant 0 : i32
    %ne3A_34 = arith.cmpi ne, %rem3A, %ne3A_33 : i32
    %and3A = arith.andi %ne3A, %ne3A_34 : i1
    %sub3A = arith.constant 1 : i32
    %sub3A_35 = arith.subi %div3A, %sub3A : i32
    %select_n3A_36 = arith.select %and3A, %sub3A_35, %div3A : i32
    %add3A_37 = arith.constant 0 : i32
    %add3A_38 = arith.addi %add3A, %add3A_37 : i32
    %mul3A_39 = arith.constant 128 : i32
    %mul3A_40 = arith.muli %add3A_38, %mul3A_39 : i32
    "tpu.region"() ({
      %run_scoped3A = tpu.sem_alloc : memref<!tpu.dma_semaphore, #tpu.memory_space<semaphore_mem>>
      %dma_start3A_105 = tpu.memref_slice %arg3[%mul3A_40] : memref<320000xi32, #tpu.memory_space<hbm>> -> memref<128xi32, #tpu.memory_space<hbm>>
      %dma_start3A_106 = tpu.memref_slice %arg3[%mul3A_40] : memref<320000xi32, #tpu.memory_space<hbm>> -> memref<128xi32, #tpu.memory_space<hbm>>
      tpu.enqueue_dma source(%dma_start3A_106 : memref<128xi32, #tpu.memory_space<hbm>>) target(%arg7 : memref<128xi32, #tpu.memory_space<vmem>>) target_semaphore(%run_scoped3A : memref<!tpu.dma_semaphore, #tpu.memory_space<semaphore_mem>>)
      %dma_wait3A_107 = tpu.memref_slice %arg3[%mul3A_40] : memref<320000xi32, #tpu.memory_space<hbm>> -> memref<128xi32, #tpu.memory_space<hbm>>
      %dma_wait3A_108 = tpu.memref_slice %arg3[%mul3A_40] : memref<320000xi32, #tpu.memory_space<hbm>> -> memref<128xi32, #tpu.memory_space<hbm>>
      tpu.wait_dma2 semaphore(%run_scoped3A : memref<!tpu.dma_semaphore, #tpu.memory_space<semaphore_mem>>) src(%dma_wait3A_108 : memref<128xi32, #tpu.memory_space<hbm>>) dst(%arg7 : memref<128xi32, #tpu.memory_space<vmem>>)
      tpu.yield
    }) : () -> ()
    "tpu.region"() ({
      %run_scoped3A = tpu.sem_alloc : memref<!tpu.dma_semaphore, #tpu.memory_space<semaphore_mem>>
      %dma_start3A_105 = tpu.memref_slice %arg4[%mul3A_40] : memref<320000xi32, #tpu.memory_space<hbm>> -> memref<128xi32, #tpu.memory_space<hbm>>
      %dma_start3A_106 = tpu.memref_slice %arg4[%mul3A_40] : memref<320000xi32, #tpu.memory_space<hbm>> -> memref<128xi32, #tpu.memory_space<hbm>>
      tpu.enqueue_dma source(%dma_start3A_106 : memref<128xi32, #tpu.memory_space<hbm>>) target(%arg10 : memref<128xi32, #tpu.memory_space<vmem>>) target_semaphore(%run_scoped3A : memref<!tpu.dma_semaphore, #tpu.memory_space<semaphore_mem>>)
      %dma_wait3A_107 = tpu.memref_slice %arg4[%mul3A_40] : memref<320000xi32, #tpu.memory_space<hbm>> -> memref<128xi32, #tpu.memory_space<hbm>>
      %dma_wait3A_108 = tpu.memref_slice %arg4[%mul3A_40] : memref<320000xi32, #tpu.memory_space<hbm>> -> memref<128xi32, #tpu.memory_space<hbm>>
      tpu.wait_dma2 semaphore(%run_scoped3A : memref<!tpu.dma_semaphore, #tpu.memory_space<semaphore_mem>>) src(%dma_wait3A_108 : memref<128xi32, #tpu.memory_space<hbm>>) dst(%arg10 : memref<128xi32, #tpu.memory_space<vmem>>)
      tpu.yield
    }) : () -> ()
    %dma_start3A = arith.constant 0 : i32
    %dma_start3A_41 = arith.constant 0 : i32
    %dma_start3A_42 = tpu.memref_slice %arg2[%dma_start3A, %dma_start3A_41] : memref<10000x128xf32, #tpu.memory_space<hbm>> -> memref<10000x128xf32, #tpu.memory_space<hbm>>
    tpu.enqueue_indirect_dma source(%dma_start3A_42 : memref<10000x128xf32, #tpu.memory_space<hbm>>) target(%arg13 : memref<128x128xf32, #tpu.memory_space<vmem>>) offsets(%arg7 : memref<128xi32, #tpu.memory_space<vmem>>) semaphore(%arg16 : memref<!tpu.dma_semaphore, #tpu.memory_space<semaphore_mem>>)
    %add3A_43 = arith.constant 32 : i32
    %add3A_44 = arith.addi %add3A, %add3A_43 : i32
    %mul3A_45 = arith.constant 128 : i32
    %mul3A_46 = arith.muli %add3A_44, %mul3A_45 : i32
    "tpu.region"() ({
      %run_scoped3A = tpu.sem_alloc : memref<!tpu.dma_semaphore, #tpu.memory_space<semaphore_mem>>
      %dma_start3A_105 = tpu.memref_slice %arg3[%mul3A_46] : memref<320000xi32, #tpu.memory_space<hbm>> -> memref<128xi32, #tpu.memory_space<hbm>>
      %dma_start3A_106 = tpu.memref_slice %arg3[%mul3A_46] : memref<320000xi32, #tpu.memory_space<hbm>> -> memref<128xi32, #tpu.memory_space<hbm>>
      tpu.enqueue_dma source(%dma_start3A_106 : memref<128xi32, #tpu.memory_space<hbm>>) target(%arg8 : memref<128xi32, #tpu.memory_space<vmem>>) target_semaphore(%run_scoped3A : memref<!tpu.dma_semaphore, #tpu.memory_space<semaphore_mem>>)
      %dma_wait3A_107 = tpu.memref_slice %arg3[%mul3A_46] : memref<320000xi32, #tpu.memory_space<hbm>> -> memref<128xi32, #tpu.memory_space<hbm>>
      %dma_wait3A_108 = tpu.memref_slice %arg3[%mul3A_46] : memref<320000xi32, #tpu.memory_space<hbm>> -> memref<128xi32, #tpu.memory_space<hbm>>
      tpu.wait_dma2 semaphore(%run_scoped3A : memref<!tpu.dma_semaphore, #tpu.memory_space<semaphore_mem>>) src(%dma_wait3A_108 : memref<128xi32, #tpu.memory_space<hbm>>) dst(%arg8 : memref<128xi32, #tpu.memory_space<vmem>>)
      tpu.yield
    }) : () -> ()
    "tpu.region"() ({
      %run_scoped3A = tpu.sem_alloc : memref<!tpu.dma_semaphore, #tpu.memory_space<semaphore_mem>>
      %dma_start3A_105 = tpu.memref_slice %arg4[%mul3A_46] : memref<320000xi32, #tpu.memory_space<hbm>> -> memref<128xi32, #tpu.memory_space<hbm>>
      %dma_start3A_106 = tpu.memref_slice %arg4[%mul3A_46] : memref<320000xi32, #tpu.memory_space<hbm>> -> memref<128xi32, #tpu.memory_space<hbm>>
      tpu.enqueue_dma source(%dma_start3A_106 : memref<128xi32, #tpu.memory_space<hbm>>) target(%arg11 : memref<128xi32, #tpu.memory_space<vmem>>) target_semaphore(%run_scoped3A : memref<!tpu.dma_semaphore, #tpu.memory_space<semaphore_mem>>)
      %dma_wait3A_107 = tpu.memref_slice %arg4[%mul3A_46] : memref<320000xi32, #tpu.memory_space<hbm>> -> memref<128xi32, #tpu.memory_space<hbm>>
      %dma_wait3A_108 = tpu.memref_slice %arg4[%mul3A_46] : memref<320000xi32, #tpu.memory_space<hbm>> -> memref<128xi32, #tpu.memory_space<hbm>>
      tpu.wait_dma2 semaphore(%run_scoped3A : memref<!tpu.dma_semaphore, #tpu.memory_space<semaphore_mem>>) src(%dma_wait3A_108 : memref<128xi32, #tpu.memory_space<hbm>>) dst(%arg11 : memref<128xi32, #tpu.memory_space<vmem>>)
      tpu.yield
    }) : () -> ()
    %dma_start3A_47 = arith.constant 0 : i32
    %dma_start3A_48 = arith.constant 0 : i32
    %dma_start3A_49 = tpu.memref_slice %arg2[%dma_start3A_47, %dma_start3A_48] : memref<10000x128xf32, #tpu.memory_space<hbm>> -> memref<10000x128xf32, #tpu.memory_space<hbm>>
    tpu.enqueue_indirect_dma source(%dma_start3A_49 : memref<10000x128xf32, #tpu.memory_space<hbm>>) target(%arg14 : memref<128x128xf32, #tpu.memory_space<vmem>>) offsets(%arg8 : memref<128xi32, #tpu.memory_space<vmem>>) semaphore(%arg17 : memref<!tpu.dma_semaphore, #tpu.memory_space<semaphore_mem>>)
    %add3A_50 = arith.constant 64 : i32
    %add3A_51 = arith.addi %add3A, %add3A_50 : i32
    %mul3A_52 = arith.constant 128 : i32
    %mul3A_53 = arith.muli %add3A_51, %mul3A_52 : i32
    "tpu.region"() ({
      %run_scoped3A = tpu.sem_alloc : memref<!tpu.dma_semaphore, #tpu.memory_space<semaphore_mem>>
      %dma_start3A_105 = tpu.memref_slice %arg3[%mul3A_53] : memref<320000xi32, #tpu.memory_space<hbm>> -> memref<128xi32, #tpu.memory_space<hbm>>
      %dma_start3A_106 = tpu.memref_slice %arg3[%mul3A_53] : memref<320000xi32, #tpu.memory_space<hbm>> -> memref<128xi32, #tpu.memory_space<hbm>>
      tpu.enqueue_dma source(%dma_start3A_106 : memref<128xi32, #tpu.memory_space<hbm>>) target(%arg9 : memref<128xi32, #tpu.memory_space<vmem>>) target_semaphore(%run_scoped3A : memref<!tpu.dma_semaphore, #tpu.memory_space<semaphore_mem>>)
      %dma_wait3A_107 = tpu.memref_slice %arg3[%mul3A_53] : memref<320000xi32, #tpu.memory_space<hbm>> -> memref<128xi32, #tpu.memory_space<hbm>>
      %dma_wait3A_108 = tpu.memref_slice %arg3[%mul3A_53] : memref<320000xi32, #tpu.memory_space<hbm>> -> memref<128xi32, #tpu.memory_space<hbm>>
      tpu.wait_dma2 semaphore(%run_scoped3A : memref<!tpu.dma_semaphore, #tpu.memory_space<semaphore_mem>>) src(%dma_wait3A_108 : memref<128xi32, #tpu.memory_space<hbm>>) dst(%arg9 : memref<128xi32, #tpu.memory_space<vmem>>)
      tpu.yield
    }) : () -> ()
    "tpu.region"() ({
      %run_scoped3A = tpu.sem_alloc : memref<!tpu.dma_semaphore, #tpu.memory_space<semaphore_mem>>
      %dma_start3A_105 = tpu.memref_slice %arg4[%mul3A_53] : memref<320000xi32, #tpu.memory_space<hbm>> -> memref<128xi32, #tpu.memory_space<hbm>>
      %dma_start3A_106 = tpu.memref_slice %arg4[%mul3A_53] : memref<320000xi32, #tpu.memory_space<hbm>> -> memref<128xi32, #tpu.memory_space<hbm>>
      tpu.enqueue_dma source(%dma_start3A_106 : memref<128xi32, #tpu.memory_space<hbm>>) target(%arg12 : memref<128xi32, #tpu.memory_space<vmem>>) target_semaphore(%run_scoped3A : memref<!tpu.dma_semaphore, #tpu.memory_space<semaphore_mem>>)
      %dma_wait3A_107 = tpu.memref_slice %arg4[%mul3A_53] : memref<320000xi32, #tpu.memory_space<hbm>> -> memref<128xi32, #tpu.memory_space<hbm>>
      %dma_wait3A_108 = tpu.memref_slice %arg4[%mul3A_53] : memref<320000xi32, #tpu.memory_space<hbm>> -> memref<128xi32, #tpu.memory_space<hbm>>
      tpu.wait_dma2 semaphore(%run_scoped3A : memref<!tpu.dma_semaphore, #tpu.memory_space<semaphore_mem>>) src(%dma_wait3A_108 : memref<128xi32, #tpu.memory_space<hbm>>) dst(%arg12 : memref<128xi32, #tpu.memory_space<vmem>>)
      tpu.yield
    }) : () -> ()
    %dma_start3A_54 = arith.constant 0 : i32
    %dma_start3A_55 = arith.constant 0 : i32
    %dma_start3A_56 = tpu.memref_slice %arg2[%dma_start3A_54, %dma_start3A_55] : memref<10000x128xf32, #tpu.memory_space<hbm>> -> memref<10000x128xf32, #tpu.memory_space<hbm>>
    tpu.enqueue_indirect_dma source(%dma_start3A_56 : memref<10000x128xf32, #tpu.memory_space<hbm>>) target(%arg15 : memref<128x128xf32, #tpu.memory_space<vmem>>) offsets(%arg9 : memref<128xi32, #tpu.memory_space<vmem>>) semaphore(%arg18 : memref<!tpu.dma_semaphore, #tpu.memory_space<semaphore_mem>>)
    %sub3A_57 = arith.constant 1 : i32
    %sub3A_58 = arith.subi %select_n3A_36, %sub3A_57 : i32
    %while3A_59 = arith.constant 0 : i32
    %while3A_60 = arith.constant 0 : i32
    %while3A_61 = arith.subi %sub3A_58, %while3A_59 : i32
    %while3A_62 = arith.addi %while3A_59, %while3A_61 : i32
    %while3A_63 = arith.constant 1 : i32
    %while3A_64 = arith.divsi %while3A_61, %while3A_63 : i32
    %while3A_65 = arith.muli %while3A_64, %while3A_63 : i32
    %while3A_66 = arith.addi %while3A_59, %while3A_65 : i32
    %while3A_67 = arith.constant 1 : i32
    %while3A_68 = scf.for %while3A_105 = %while3A_59 to %while3A_66 step %while3A_67 iter_args(%while3A_106 = %while3A_60) -> (i32)  : i32 {
      %dma_wait3A_107 = arith.constant 0 : i32
      %dma_wait3A_108 = arith.constant 0 : i32
      %dma_wait3A_109 = tpu.memref_slice %arg2[%dma_wait3A_107, %dma_wait3A_108] : memref<10000x128xf32, #tpu.memory_space<hbm>> -> memref<10000x128xf32, #tpu.memory_space<hbm>>
      tpu.wait_indirect_dma semaphore(%arg16 : memref<!tpu.dma_semaphore, #tpu.memory_space<semaphore_mem>>) src(%dma_wait3A_109 : memref<10000x128xf32, #tpu.memory_space<hbm>>) dst(%arg13 : memref<128x128xf32, #tpu.memory_space<vmem>>)
      "tpu.region"() ({
        %run_scoped3A = tpu.sem_alloc : memref<!tpu.dma_semaphore, #tpu.memory_space<semaphore_mem>>
        %dma_start3A_159 = arith.constant 0 : i32
        %dma_start3A_160 = arith.constant 0 : i32
        %dma_start3A_161 = tpu.memref_slice %arg19[%dma_start3A_159, %dma_start3A_160] : memref<10000x128xf32, #tpu.memory_space<vmem_shared>> -> memref<10000x128xf32, #tpu.memory_space<vmem_shared>>
        tpu.enqueue_indirect_dma source(%arg13 : memref<128x128xf32, #tpu.memory_space<vmem>>) target(%dma_start3A_161 : memref<10000x128xf32, #tpu.memory_space<vmem_shared>>) offsets(%arg10 : memref<128xi32, #tpu.memory_space<vmem>>) semaphore(%run_scoped3A : memref<!tpu.dma_semaphore, #tpu.memory_space<semaphore_mem>>) {add = true}
        %dma_wait3A_162 = arith.constant 0 : i32
        %dma_wait3A_163 = arith.constant 0 : i32
        %dma_wait3A_164 = tpu.memref_slice %arg19[%dma_wait3A_162, %dma_wait3A_163] : memref<10000x128xf32, #tpu.memory_space<vmem_shared>> -> memref<10000x128xf32, #tpu.memory_space<vmem_shared>>
        tpu.wait_indirect_dma semaphore(%run_scoped3A : memref<!tpu.dma_semaphore, #tpu.memory_space<semaphore_mem>>) src(%arg13 : memref<128x128xf32, #tpu.memory_space<vmem>>) dst(%dma_wait3A_164 : memref<10000x128xf32, #tpu.memory_space<vmem_shared>>)
        tpu.yield
      }) : () -> ()
      %add3A_110 = arith.constant 1 : i32
      %add3A_111 = arith.addi %while3A_105, %add3A_110 : i32
      %mul3A_112 = arith.constant 3 : i32
      %mul3A_113 = arith.muli %add3A_111, %mul3A_112 : i32
      %add3A_114 = arith.constant 0 : i32
      %add3A_115 = arith.addi %mul3A_113, %add3A_114 : i32
      %mul3A_116 = arith.constant 32 : i32
      %mul3A_117 = arith.muli %mul3A_116, %add3A_115 : i32
      %add3A_118 = arith.addi %add3A, %mul3A_117 : i32
      %mul3A_119 = arith.constant 128 : i32
      %mul3A_120 = arith.muli %add3A_118, %mul3A_119 : i32
      "tpu.region"() ({
        %run_scoped3A = tpu.sem_alloc : memref<!tpu.dma_semaphore, #tpu.memory_space<semaphore_mem>>
        %dma_start3A_159 = tpu.memref_slice %arg3[%mul3A_120] : memref<320000xi32, #tpu.memory_space<hbm>> -> memref<128xi32, #tpu.memory_space<hbm>>
        %dma_start3A_160 = tpu.memref_slice %arg3[%mul3A_120] : memref<320000xi32, #tpu.memory_space<hbm>> -> memref<128xi32, #tpu.memory_space<hbm>>
        tpu.enqueue_dma source(%dma_start3A_160 : memref<128xi32, #tpu.memory_space<hbm>>) target(%arg7 : memref<128xi32, #tpu.memory_space<vmem>>) target_semaphore(%run_scoped3A : memref<!tpu.dma_semaphore, #tpu.memory_space<semaphore_mem>>)
        %dma_wait3A_161 = tpu.memref_slice %arg3[%mul3A_120] : memref<320000xi32, #tpu.memory_space<hbm>> -> memref<128xi32, #tpu.memory_space<hbm>>
        %dma_wait3A_162 = tpu.memref_slice %arg3[%mul3A_120] : memref<320000xi32, #tpu.memory_space<hbm>> -> memref<128xi32, #tpu.memory_space<hbm>>
        tpu.wait_dma2 semaphore(%run_scoped3A : memref<!tpu.dma_semaphore, #tpu.memory_space<semaphore_mem>>) src(%dma_wait3A_162 : memref<128xi32, #tpu.memory_space<hbm>>) dst(%arg7 : memref<128xi32, #tpu.memory_space<vmem>>)
        tpu.yield
      }) : () -> ()
      "tpu.region"() ({
        %run_scoped3A = tpu.sem_alloc : memref<!tpu.dma_semaphore, #tpu.memory_space<semaphore_mem>>
        %dma_start3A_159 = tpu.memref_slice %arg4[%mul3A_120] : memref<320000xi32, #tpu.memory_space<hbm>> -> memref<128xi32, #tpu.memory_space<hbm>>
        %dma_start3A_160 = tpu.memref_slice %arg4[%mul3A_120] : memref<320000xi32, #tpu.memory_space<hbm>> -> memref<128xi32, #tpu.memory_space<hbm>>
        tpu.enqueue_dma source(%dma_start3A_160 : memref<128xi32, #tpu.memory_space<hbm>>) target(%arg10 : memref<128xi32, #tpu.memory_space<vmem>>) target_semaphore(%run_scoped3A : memref<!tpu.dma_semaphore, #tpu.memory_space<semaphore_mem>>)
        %dma_wait3A_161 = tpu.memref_slice %arg4[%mul3A_120] : memref<320000xi32, #tpu.memory_space<hbm>> -> memref<128xi32, #tpu.memory_space<hbm>>
        %dma_wait3A_162 = tpu.memref_slice %arg4[%mul3A_120] : memref<320000xi32, #tpu.memory_space<hbm>> -> memref<128xi32, #tpu.memory_space<hbm>>
        tpu.wait_dma2 semaphore(%run_scoped3A : memref<!tpu.dma_semaphore, #tpu.memory_space<semaphore_mem>>) src(%dma_wait3A_162 : memref<128xi32, #tpu.memory_space<hbm>>) dst(%arg10 : memref<128xi32, #tpu.memory_space<vmem>>)
        tpu.yield
      }) : () -> ()
      %dma_start3A_121 = arith.constant 0 : i32
      %dma_start3A_122 = arith.constant 0 : i32
      %dma_start3A_123 = tpu.memref_slice %arg2[%dma_start3A_121, %dma_start3A_122] : memref<10000x128xf32, #tpu.memory_space<hbm>> -> memref<10000x128xf32, #tpu.memory_space<hbm>>
      tpu.enqueue_indirect_dma source(%dma_start3A_123 : memref<10000x128xf32, #tpu.memory_space<hbm>>) target(%arg13 : memref<128x128xf32, #tpu.memory_space<vmem>>) offsets(%arg7 : memref<128xi32, #tpu.memory_space<vmem>>) semaphore(%arg16 : memref<!tpu.dma_semaphore, #tpu.memory_space<semaphore_mem>>)
      %dma_wait3A_124 = arith.constant 0 : i32
      %dma_wait3A_125 = arith.constant 0 : i32
      %dma_wait3A_126 = tpu.memref_slice %arg2[%dma_wait3A_124, %dma_wait3A_125] : memref<10000x128xf32, #tpu.memory_space<hbm>> -> memref<10000x128xf32, #tpu.memory_space<hbm>>
      tpu.wait_indirect_dma semaphore(%arg17 : memref<!tpu.dma_semaphore, #tpu.memory_space<semaphore_mem>>) src(%dma_wait3A_126 : memref<10000x128xf32, #tpu.memory_space<hbm>>) dst(%arg14 : memref<128x128xf32, #tpu.memory_space<vmem>>)
      "tpu.region"() ({
        %run_scoped3A = tpu.sem_alloc : memref<!tpu.dma_semaphore, #tpu.memory_space<semaphore_mem>>
        %dma_start3A_159 = arith.constant 0 : i32
        %dma_start3A_160 = arith.constant 0 : i32
        %dma_start3A_161 = tpu.memref_slice %arg19[%dma_start3A_159, %dma_start3A_160] : memref<10000x128xf32, #tpu.memory_space<vmem_shared>> -> memref<10000x128xf32, #tpu.memory_space<vmem_shared>>
        tpu.enqueue_indirect_dma source(%arg14 : memref<128x128xf32, #tpu.memory_space<vmem>>) target(%dma_start3A_161 : memref<10000x128xf32, #tpu.memory_space<vmem_shared>>) offsets(%arg11 : memref<128xi32, #tpu.memory_space<vmem>>) semaphore(%run_scoped3A : memref<!tpu.dma_semaphore, #tpu.memory_space<semaphore_mem>>) {add = true}
        %dma_wait3A_162 = arith.constant 0 : i32
        %dma_wait3A_163 = arith.constant 0 : i32
        %dma_wait3A_164 = tpu.memref_slice %arg19[%dma_wait3A_162, %dma_wait3A_163] : memref<10000x128xf32, #tpu.memory_space<vmem_shared>> -> memref<10000x128xf32, #tpu.memory_space<vmem_shared>>
        tpu.wait_indirect_dma semaphore(%run_scoped3A : memref<!tpu.dma_semaphore, #tpu.memory_space<semaphore_mem>>) src(%arg14 : memref<128x128xf32, #tpu.memory_space<vmem>>) dst(%dma_wait3A_164 : memref<10000x128xf32, #tpu.memory_space<vmem_shared>>)
        tpu.yield
      }) : () -> ()
      %add3A_127 = arith.constant 1 : i32
      %add3A_128 = arith.addi %while3A_105, %add3A_127 : i32
      %mul3A_129 = arith.constant 3 : i32
      %mul3A_130 = arith.muli %add3A_128, %mul3A_129 : i32
      %add3A_131 = arith.constant 1 : i32
      %add3A_132 = arith.addi %mul3A_130, %add3A_131 : i32
      %mul3A_133 = arith.constant 32 : i32
      %mul3A_134 = arith.muli %mul3A_133, %add3A_132 : i32
      %add3A_135 = arith.addi %add3A, %mul3A_134 : i32
      %mul3A_136 = arith.constant 128 : i32
      %mul3A_137 = arith.muli %add3A_135, %mul3A_136 : i32
      "tpu.region"() ({
        %run_scoped3A = tpu.sem_alloc : memref<!tpu.dma_semaphore, #tpu.memory_space<semaphore_mem>>
        %dma_start3A_159 = tpu.memref_slice %arg3[%mul3A_137] : memref<320000xi32, #tpu.memory_space<hbm>> -> memref<128xi32, #tpu.memory_space<hbm>>
        %dma_start3A_160 = tpu.memref_slice %arg3[%mul3A_137] : memref<320000xi32, #tpu.memory_space<hbm>> -> memref<128xi32, #tpu.memory_space<hbm>>
        tpu.enqueue_dma source(%dma_start3A_160 : memref<128xi32, #tpu.memory_space<hbm>>) target(%arg8 : memref<128xi32, #tpu.memory_space<vmem>>) target_semaphore(%run_scoped3A : memref<!tpu.dma_semaphore, #tpu.memory_space<semaphore_mem>>)
        %dma_wait3A_161 = tpu.memref_slice %arg3[%mul3A_137] : memref<320000xi32, #tpu.memory_space<hbm>> -> memref<128xi32, #tpu.memory_space<hbm>>
        %dma_wait3A_162 = tpu.memref_slice %arg3[%mul3A_137] : memref<320000xi32, #tpu.memory_space<hbm>> -> memref<128xi32, #tpu.memory_space<hbm>>
        tpu.wait_dma2 semaphore(%run_scoped3A : memref<!tpu.dma_semaphore, #tpu.memory_space<semaphore_mem>>) src(%dma_wait3A_162 : memref<128xi32, #tpu.memory_space<hbm>>) dst(%arg8 : memref<128xi32, #tpu.memory_space<vmem>>)
        tpu.yield
      }) : () -> ()
      "tpu.region"() ({
        %run_scoped3A = tpu.sem_alloc : memref<!tpu.dma_semaphore, #tpu.memory_space<semaphore_mem>>
        %dma_start3A_159 = tpu.memref_slice %arg4[%mul3A_137] : memref<320000xi32, #tpu.memory_space<hbm>> -> memref<128xi32, #tpu.memory_space<hbm>>
        %dma_start3A_160 = tpu.memref_slice %arg4[%mul3A_137] : memref<320000xi32, #tpu.memory_space<hbm>> -> memref<128xi32, #tpu.memory_space<hbm>>
        tpu.enqueue_dma source(%dma_start3A_160 : memref<128xi32, #tpu.memory_space<hbm>>) target(%arg11 : memref<128xi32, #tpu.memory_space<vmem>>) target_semaphore(%run_scoped3A : memref<!tpu.dma_semaphore, #tpu.memory_space<semaphore_mem>>)
        %dma_wait3A_161 = tpu.memref_slice %arg4[%mul3A_137] : memref<320000xi32, #tpu.memory_space<hbm>> -> memref<128xi32, #tpu.memory_space<hbm>>
        %dma_wait3A_162 = tpu.memref_slice %arg4[%mul3A_137] : memref<320000xi32, #tpu.memory_space<hbm>> -> memref<128xi32, #tpu.memory_space<hbm>>
        tpu.wait_dma2 semaphore(%run_scoped3A : memref<!tpu.dma_semaphore, #tpu.memory_space<semaphore_mem>>) src(%dma_wait3A_162 : memref<128xi32, #tpu.memory_space<hbm>>) dst(%arg11 : memref<128xi32, #tpu.memory_space<vmem>>)
        tpu.yield
      }) : () -> ()
      %dma_start3A_138 = arith.constant 0 : i32
      %dma_start3A_139 = arith.constant 0 : i32
      %dma_start3A_140 = tpu.memref_slice %arg2[%dma_start3A_138, %dma_start3A_139] : memref<10000x128xf32, #tpu.memory_space<hbm>> -> memref<10000x128xf32, #tpu.memory_space<hbm>>
      tpu.enqueue_indirect_dma source(%dma_start3A_140 : memref<10000x128xf32, #tpu.memory_space<hbm>>) target(%arg14 : memref<128x128xf32, #tpu.memory_space<vmem>>) offsets(%arg8 : memref<128xi32, #tpu.memory_space<vmem>>) semaphore(%arg17 : memref<!tpu.dma_semaphore, #tpu.memory_space<semaphore_mem>>)
      %dma_wait3A_141 = arith.constant 0 : i32
      %dma_wait3A_142 = arith.constant 0 : i32
      %dma_wait3A_143 = tpu.memref_slice %arg2[%dma_wait3A_141, %dma_wait3A_142] : memref<10000x128xf32, #tpu.memory_space<hbm>> -> memref<10000x128xf32, #tpu.memory_space<hbm>>
      tpu.wait_indirect_dma semaphore(%arg18 : memref<!tpu.dma_semaphore, #tpu.memory_space<semaphore_mem>>) src(%dma_wait3A_143 : memref<10000x128xf32, #tpu.memory_space<hbm>>) dst(%arg15 : memref<128x128xf32, #tpu.memory_space<vmem>>)
      "tpu.region"() ({
        %run_scoped3A = tpu.sem_alloc : memref<!tpu.dma_semaphore, #tpu.memory_space<semaphore_mem>>
        %dma_start3A_159 = arith.constant 0 : i32
        %dma_start3A_160 = arith.constant 0 : i32
        %dma_start3A_161 = tpu.memref_slice %arg19[%dma_start3A_159, %dma_start3A_160] : memref<10000x128xf32, #tpu.memory_space<vmem_shared>> -> memref<10000x128xf32, #tpu.memory_space<vmem_shared>>
        tpu.enqueue_indirect_dma source(%arg15 : memref<128x128xf32, #tpu.memory_space<vmem>>) target(%dma_start3A_161 : memref<10000x128xf32, #tpu.memory_space<vmem_shared>>) offsets(%arg12 : memref<128xi32, #tpu.memory_space<vmem>>) semaphore(%run_scoped3A : memref<!tpu.dma_semaphore, #tpu.memory_space<semaphore_mem>>) {add = true}
        %dma_wait3A_162 = arith.constant 0 : i32
        %dma_wait3A_163 = arith.constant 0 : i32
        %dma_wait3A_164 = tpu.memref_slice %arg19[%dma_wait3A_162, %dma_wait3A_163] : memref<10000x128xf32, #tpu.memory_space<vmem_shared>> -> memref<10000x128xf32, #tpu.memory_space<vmem_shared>>
        tpu.wait_indirect_dma semaphore(%run_scoped3A : memref<!tpu.dma_semaphore, #tpu.memory_space<semaphore_mem>>) src(%arg15 : memref<128x128xf32, #tpu.memory_space<vmem>>) dst(%dma_wait3A_164 : memref<10000x128xf32, #tpu.memory_space<vmem_shared>>)
        tpu.yield
      }) : () -> ()
      %add3A_144 = arith.constant 1 : i32
      %add3A_145 = arith.addi %while3A_105, %add3A_144 : i32
      %mul3A_146 = arith.constant 3 : i32
      %mul3A_147 = arith.muli %add3A_145, %mul3A_146 : i32
      %add3A_148 = arith.constant 2 : i32
      %add3A_149 = arith.addi %mul3A_147, %add3A_148 : i32
      %mul3A_150 = arith.constant 32 : i32
      %mul3A_151 = arith.muli %mul3A_150, %add3A_149 : i32
      %add3A_152 = arith.addi %add3A, %mul3A_151 : i32
      %mul3A_153 = arith.constant 128 : i32
      %mul3A_154 = arith.muli %add3A_152, %mul3A_153 : i32
      "tpu.region"() ({
        %run_scoped3A = tpu.sem_alloc : memref<!tpu.dma_semaphore, #tpu.memory_space<semaphore_mem>>
        %dma_start3A_159 = tpu.memref_slice %arg3[%mul3A_154] : memref<320000xi32, #tpu.memory_space<hbm>> -> memref<128xi32, #tpu.memory_space<hbm>>
        %dma_start3A_160 = tpu.memref_slice %arg3[%mul3A_154] : memref<320000xi32, #tpu.memory_space<hbm>> -> memref<128xi32, #tpu.memory_space<hbm>>
        tpu.enqueue_dma source(%dma_start3A_160 : memref<128xi32, #tpu.memory_space<hbm>>) target(%arg9 : memref<128xi32, #tpu.memory_space<vmem>>) target_semaphore(%run_scoped3A : memref<!tpu.dma_semaphore, #tpu.memory_space<semaphore_mem>>)
        %dma_wait3A_161 = tpu.memref_slice %arg3[%mul3A_154] : memref<320000xi32, #tpu.memory_space<hbm>> -> memref<128xi32, #tpu.memory_space<hbm>>
        %dma_wait3A_162 = tpu.memref_slice %arg3[%mul3A_154] : memref<320000xi32, #tpu.memory_space<hbm>> -> memref<128xi32, #tpu.memory_space<hbm>>
        tpu.wait_dma2 semaphore(%run_scoped3A : memref<!tpu.dma_semaphore, #tpu.memory_space<semaphore_mem>>) src(%dma_wait3A_162 : memref<128xi32, #tpu.memory_space<hbm>>) dst(%arg9 : memref<128xi32, #tpu.memory_space<vmem>>)
        tpu.yield
      }) : () -> ()
      "tpu.region"() ({
        %run_scoped3A = tpu.sem_alloc : memref<!tpu.dma_semaphore, #tpu.memory_space<semaphore_mem>>
        %dma_start3A_159 = tpu.memref_slice %arg4[%mul3A_154] : memref<320000xi32, #tpu.memory_space<hbm>> -> memref<128xi32, #tpu.memory_space<hbm>>
        %dma_start3A_160 = tpu.memref_slice %arg4[%mul3A_154] : memref<320000xi32, #tpu.memory_space<hbm>> -> memref<128xi32, #tpu.memory_space<hbm>>
        tpu.enqueue_dma source(%dma_start3A_160 : memref<128xi32, #tpu.memory_space<hbm>>) target(%arg12 : memref<128xi32, #tpu.memory_space<vmem>>) target_semaphore(%run_scoped3A : memref<!tpu.dma_semaphore, #tpu.memory_space<semaphore_mem>>)
        %dma_wait3A_161 = tpu.memref_slice %arg4[%mul3A_154] : memref<320000xi32, #tpu.memory_space<hbm>> -> memref<128xi32, #tpu.memory_space<hbm>>
        %dma_wait3A_162 = tpu.memref_slice %arg4[%mul3A_154] : memref<320000xi32, #tpu.memory_space<hbm>> -> memref<128xi32, #tpu.memory_space<hbm>>
        tpu.wait_dma2 semaphore(%run_scoped3A : memref<!tpu.dma_semaphore, #tpu.memory_space<semaphore_mem>>) src(%dma_wait3A_162 : memref<128xi32, #tpu.memory_space<hbm>>) dst(%arg12 : memref<128xi32, #tpu.memory_space<vmem>>)
        tpu.yield
      }) : () -> ()
      %dma_start3A_155 = arith.constant 0 : i32
      %dma_start3A_156 = arith.constant 0 : i32
      %dma_start3A_157 = tpu.memref_slice %arg2[%dma_start3A_155, %dma_start3A_156] : memref<10000x128xf32, #tpu.memory_space<hbm>> -> memref<10000x128xf32, #tpu.memory_space<hbm>>
      tpu.enqueue_indirect_dma source(%dma_start3A_157 : memref<10000x128xf32, #tpu.memory_space<hbm>>) target(%arg15 : memref<128x128xf32, #tpu.memory_space<vmem>>) offsets(%arg9 : memref<128xi32, #tpu.memory_space<vmem>>) semaphore(%arg18 : memref<!tpu.dma_semaphore, #tpu.memory_space<semaphore_mem>>)
      %while3A_158 = arith.constant 0 : i32
      scf.yield %while3A_158 : i32
    }
    %while3A_69 = arith.constant 1 : i32
    %while3A_70 = scf.for %while3A_105 = %while3A_66 to %while3A_62 step %while3A_69 iter_args(%while3A_106 = %while3A_68) -> (i32)  : i32 {
      %dma_wait3A_107 = arith.constant 0 : i32
      %dma_wait3A_108 = arith.constant 0 : i32
      %dma_wait3A_109 = tpu.memref_slice %arg2[%dma_wait3A_107, %dma_wait3A_108] : memref<10000x128xf32, #tpu.memory_space<hbm>> -> memref<10000x128xf32, #tpu.memory_space<hbm>>
      tpu.wait_indirect_dma semaphore(%arg16 : memref<!tpu.dma_semaphore, #tpu.memory_space<semaphore_mem>>) src(%dma_wait3A_109 : memref<10000x128xf32, #tpu.memory_space<hbm>>) dst(%arg13 : memref<128x128xf32, #tpu.memory_space<vmem>>)
      "tpu.region"() ({
        %run_scoped3A = tpu.sem_alloc : memref<!tpu.dma_semaphore, #tpu.memory_space<semaphore_mem>>
        %dma_start3A_159 = arith.constant 0 : i32
        %dma_start3A_160 = arith.constant 0 : i32
        %dma_start3A_161 = tpu.memref_slice %arg19[%dma_start3A_159, %dma_start3A_160] : memref<10000x128xf32, #tpu.memory_space<vmem_shared>> -> memref<10000x128xf32, #tpu.memory_space<vmem_shared>>
        tpu.enqueue_indirect_dma source(%arg13 : memref<128x128xf32, #tpu.memory_space<vmem>>) target(%dma_start3A_161 : memref<10000x128xf32, #tpu.memory_space<vmem_shared>>) offsets(%arg10 : memref<128xi32, #tpu.memory_space<vmem>>) semaphore(%run_scoped3A : memref<!tpu.dma_semaphore, #tpu.memory_space<semaphore_mem>>) {add = true}
        %dma_wait3A_162 = arith.constant 0 : i32
        %dma_wait3A_163 = arith.constant 0 : i32
        %dma_wait3A_164 = tpu.memref_slice %arg19[%dma_wait3A_162, %dma_wait3A_163] : memref<10000x128xf32, #tpu.memory_space<vmem_shared>> -> memref<10000x128xf32, #tpu.memory_space<vmem_shared>>
        tpu.wait_indirect_dma semaphore(%run_scoped3A : memref<!tpu.dma_semaphore, #tpu.memory_space<semaphore_mem>>) src(%arg13 : memref<128x128xf32, #tpu.memory_space<vmem>>) dst(%dma_wait3A_164 : memref<10000x128xf32, #tpu.memory_space<vmem_shared>>)
        tpu.yield
      }) : () -> ()
      %add3A_110 = arith.constant 1 : i32
      %add3A_111 = arith.addi %while3A_105, %add3A_110 : i32
      %mul3A_112 = arith.constant 3 : i32
      %mul3A_113 = arith.muli %add3A_111, %mul3A_112 : i32
      %add3A_114 = arith.constant 0 : i32
      %add3A_115 = arith.addi %mul3A_113, %add3A_114 : i32
      %mul3A_116 = arith.constant 32 : i32
      %mul3A_117 = arith.muli %mul3A_116, %add3A_115 : i32
      %add3A_118 = arith.addi %add3A, %mul3A_117 : i32
      %mul3A_119 = arith.constant 128 : i32
      %mul3A_120 = arith.muli %add3A_118, %mul3A_119 : i32
      "tpu.region"() ({
        %run_scoped3A = tpu.sem_alloc : memref<!tpu.dma_semaphore, #tpu.memory_space<semaphore_mem>>
        %dma_start3A_159 = tpu.memref_slice %arg3[%mul3A_120] : memref<320000xi32, #tpu.memory_space<hbm>> -> memref<128xi32, #tpu.memory_space<hbm>>
        %dma_start3A_160 = tpu.memref_slice %arg3[%mul3A_120] : memref<320000xi32, #tpu.memory_space<hbm>> -> memref<128xi32, #tpu.memory_space<hbm>>
        tpu.enqueue_dma source(%dma_start3A_160 : memref<128xi32, #tpu.memory_space<hbm>>) target(%arg7 : memref<128xi32, #tpu.memory_space<vmem>>) target_semaphore(%run_scoped3A : memref<!tpu.dma_semaphore, #tpu.memory_space<semaphore_mem>>)
        %dma_wait3A_161 = tpu.memref_slice %arg3[%mul3A_120] : memref<320000xi32, #tpu.memory_space<hbm>> -> memref<128xi32, #tpu.memory_space<hbm>>
        %dma_wait3A_162 = tpu.memref_slice %arg3[%mul3A_120] : memref<320000xi32, #tpu.memory_space<hbm>> -> memref<128xi32, #tpu.memory_space<hbm>>
        tpu.wait_dma2 semaphore(%run_scoped3A : memref<!tpu.dma_semaphore, #tpu.memory_space<semaphore_mem>>) src(%dma_wait3A_162 : memref<128xi32, #tpu.memory_space<hbm>>) dst(%arg7 : memref<128xi32, #tpu.memory_space<vmem>>)
        tpu.yield
      }) : () -> ()
      "tpu.region"() ({
        %run_scoped3A = tpu.sem_alloc : memref<!tpu.dma_semaphore, #tpu.memory_space<semaphore_mem>>
        %dma_start3A_159 = tpu.memref_slice %arg4[%mul3A_120] : memref<320000xi32, #tpu.memory_space<hbm>> -> memref<128xi32, #tpu.memory_space<hbm>>
        %dma_start3A_160 = tpu.memref_slice %arg4[%mul3A_120] : memref<320000xi32, #tpu.memory_space<hbm>> -> memref<128xi32, #tpu.memory_space<hbm>>
        tpu.enqueue_dma source(%dma_start3A_160 : memref<128xi32, #tpu.memory_space<hbm>>) target(%arg10 : memref<128xi32, #tpu.memory_space<vmem>>) target_semaphore(%run_scoped3A : memref<!tpu.dma_semaphore, #tpu.memory_space<semaphore_mem>>)
        %dma_wait3A_161 = tpu.memref_slice %arg4[%mul3A_120] : memref<320000xi32, #tpu.memory_space<hbm>> -> memref<128xi32, #tpu.memory_space<hbm>>
        %dma_wait3A_162 = tpu.memref_slice %arg4[%mul3A_120] : memref<320000xi32, #tpu.memory_space<hbm>> -> memref<128xi32, #tpu.memory_space<hbm>>
        tpu.wait_dma2 semaphore(%run_scoped3A : memref<!tpu.dma_semaphore, #tpu.memory_space<semaphore_mem>>) src(%dma_wait3A_162 : memref<128xi32, #tpu.memory_space<hbm>>) dst(%arg10 : memref<128xi32, #tpu.memory_space<vmem>>)
        tpu.yield
      }) : () -> ()
      %dma_start3A_121 = arith.constant 0 : i32
      %dma_start3A_122 = arith.constant 0 : i32
      %dma_start3A_123 = tpu.memref_slice %arg2[%dma_start3A_121, %dma_start3A_122] : memref<10000x128xf32, #tpu.memory_space<hbm>> -> memref<10000x128xf32, #tpu.memory_space<hbm>>
      tpu.enqueue_indirect_dma source(%dma_start3A_123 : memref<10000x128xf32, #tpu.memory_space<hbm>>) target(%arg13 : memref<128x128xf32, #tpu.memory_space<vmem>>) offsets(%arg7 : memref<128xi32, #tpu.memory_space<vmem>>) semaphore(%arg16 : memref<!tpu.dma_semaphore, #tpu.memory_space<semaphore_mem>>)
      %dma_wait3A_124 = arith.constant 0 : i32
      %dma_wait3A_125 = arith.constant 0 : i32
      %dma_wait3A_126 = tpu.memref_slice %arg2[%dma_wait3A_124, %dma_wait3A_125] : memref<10000x128xf32, #tpu.memory_space<hbm>> -> memref<10000x128xf32, #tpu.memory_space<hbm>>
      tpu.wait_indirect_dma semaphore(%arg17 : memref<!tpu.dma_semaphore, #tpu.memory_space<semaphore_mem>>) src(%dma_wait3A_126 : memref<10000x128xf32, #tpu.memory_space<hbm>>) dst(%arg14 : memref<128x128xf32, #tpu.memory_space<vmem>>)
      "tpu.region"() ({
        %run_scoped3A = tpu.sem_alloc : memref<!tpu.dma_semaphore, #tpu.memory_space<semaphore_mem>>
        %dma_start3A_159 = arith.constant 0 : i32
        %dma_start3A_160 = arith.constant 0 : i32
        %dma_start3A_161 = tpu.memref_slice %arg19[%dma_start3A_159, %dma_start3A_160] : memref<10000x128xf32, #tpu.memory_space<vmem_shared>> -> memref<10000x128xf32, #tpu.memory_space<vmem_shared>>
        tpu.enqueue_indirect_dma source(%arg14 : memref<128x128xf32, #tpu.memory_space<vmem>>) target(%dma_start3A_161 : memref<10000x128xf32, #tpu.memory_space<vmem_shared>>) offsets(%arg11 : memref<128xi32, #tpu.memory_space<vmem>>) semaphore(%run_scoped3A : memref<!tpu.dma_semaphore, #tpu.memory_space<semaphore_mem>>) {add = true}
        %dma_wait3A_162 = arith.constant 0 : i32
        %dma_wait3A_163 = arith.constant 0 : i32
        %dma_wait3A_164 = tpu.memref_slice %arg19[%dma_wait3A_162, %dma_wait3A_163] : memref<10000x128xf32, #tpu.memory_space<vmem_shared>> -> memref<10000x128xf32, #tpu.memory_space<vmem_shared>>
        tpu.wait_indirect_dma semaphore(%run_scoped3A : memref<!tpu.dma_semaphore, #tpu.memory_space<semaphore_mem>>) src(%arg14 : memref<128x128xf32, #tpu.memory_space<vmem>>) dst(%dma_wait3A_164 : memref<10000x128xf32, #tpu.memory_space<vmem_shared>>)
        tpu.yield
      }) : () -> ()
      %add3A_127 = arith.constant 1 : i32
      %add3A_128 = arith.addi %while3A_105, %add3A_127 : i32
      %mul3A_129 = arith.constant 3 : i32
      %mul3A_130 = arith.muli %add3A_128, %mul3A_129 : i32
      %add3A_131 = arith.constant 1 : i32
      %add3A_132 = arith.addi %mul3A_130, %add3A_131 : i32
      %mul3A_133 = arith.constant 32 : i32
      %mul3A_134 = arith.muli %mul3A_133, %add3A_132 : i32
      %add3A_135 = arith.addi %add3A, %mul3A_134 : i32
      %mul3A_136 = arith.constant 128 : i32
      %mul3A_137 = arith.muli %add3A_135, %mul3A_136 : i32
      "tpu.region"() ({
        %run_scoped3A = tpu.sem_alloc : memref<!tpu.dma_semaphore, #tpu.memory_space<semaphore_mem>>
        %dma_start3A_159 = tpu.memref_slice %arg3[%mul3A_137] : memref<320000xi32, #tpu.memory_space<hbm>> -> memref<128xi32, #tpu.memory_space<hbm>>
        %dma_start3A_160 = tpu.memref_slice %arg3[%mul3A_137] : memref<320000xi32, #tpu.memory_space<hbm>> -> memref<128xi32, #tpu.memory_space<hbm>>
        tpu.enqueue_dma source(%dma_start3A_160 : memref<128xi32, #tpu.memory_space<hbm>>) target(%arg8 : memref<128xi32, #tpu.memory_space<vmem>>) target_semaphore(%run_scoped3A : memref<!tpu.dma_semaphore, #tpu.memory_space<semaphore_mem>>)
        %dma_wait3A_161 = tpu.memref_slice %arg3[%mul3A_137] : memref<320000xi32, #tpu.memory_space<hbm>> -> memref<128xi32, #tpu.memory_space<hbm>>
        %dma_wait3A_162 = tpu.memref_slice %arg3[%mul3A_137] : memref<320000xi32, #tpu.memory_space<hbm>> -> memref<128xi32, #tpu.memory_space<hbm>>
        tpu.wait_dma2 semaphore(%run_scoped3A : memref<!tpu.dma_semaphore, #tpu.memory_space<semaphore_mem>>) src(%dma_wait3A_162 : memref<128xi32, #tpu.memory_space<hbm>>) dst(%arg8 : memref<128xi32, #tpu.memory_space<vmem>>)
        tpu.yield
      }) : () -> ()
      "tpu.region"() ({
        %run_scoped3A = tpu.sem_alloc : memref<!tpu.dma_semaphore, #tpu.memory_space<semaphore_mem>>
        %dma_start3A_159 = tpu.memref_slice %arg4[%mul3A_137] : memref<320000xi32, #tpu.memory_space<hbm>> -> memref<128xi32, #tpu.memory_space<hbm>>
        %dma_start3A_160 = tpu.memref_slice %arg4[%mul3A_137] : memref<320000xi32, #tpu.memory_space<hbm>> -> memref<128xi32, #tpu.memory_space<hbm>>
        tpu.enqueue_dma source(%dma_start3A_160 : memref<128xi32, #tpu.memory_space<hbm>>) target(%arg11 : memref<128xi32, #tpu.memory_space<vmem>>) target_semaphore(%run_scoped3A : memref<!tpu.dma_semaphore, #tpu.memory_space<semaphore_mem>>)
        %dma_wait3A_161 = tpu.memref_slice %arg4[%mul3A_137] : memref<320000xi32, #tpu.memory_space<hbm>> -> memref<128xi32, #tpu.memory_space<hbm>>
        %dma_wait3A_162 = tpu.memref_slice %arg4[%mul3A_137] : memref<320000xi32, #tpu.memory_space<hbm>> -> memref<128xi32, #tpu.memory_space<hbm>>
        tpu.wait_dma2 semaphore(%run_scoped3A : memref<!tpu.dma_semaphore, #tpu.memory_space<semaphore_mem>>) src(%dma_wait3A_162 : memref<128xi32, #tpu.memory_space<hbm>>) dst(%arg11 : memref<128xi32, #tpu.memory_space<vmem>>)
        tpu.yield
      }) : () -> ()
      %dma_start3A_138 = arith.constant 0 : i32
      %dma_start3A_139 = arith.constant 0 : i32
      %dma_start3A_140 = tpu.memref_slice %arg2[%dma_start3A_138, %dma_start3A_139] : memref<10000x128xf32, #tpu.memory_space<hbm>> -> memref<10000x128xf32, #tpu.memory_space<hbm>>
      tpu.enqueue_indirect_dma source(%dma_start3A_140 : memref<10000x128xf32, #tpu.memory_space<hbm>>) target(%arg14 : memref<128x128xf32, #tpu.memory_space<vmem>>) offsets(%arg8 : memref<128xi32, #tpu.memory_space<vmem>>) semaphore(%arg17 : memref<!tpu.dma_semaphore, #tpu.memory_space<semaphore_mem>>)
      %dma_wait3A_141 = arith.constant 0 : i32
      %dma_wait3A_142 = arith.constant 0 : i32
      %dma_wait3A_143 = tpu.memref_slice %arg2[%dma_wait3A_141, %dma_wait3A_142] : memref<10000x128xf32, #tpu.memory_space<hbm>> -> memref<10000x128xf32, #tpu.memory_space<hbm>>
      tpu.wait_indirect_dma semaphore(%arg18 : memref<!tpu.dma_semaphore, #tpu.memory_space<semaphore_mem>>) src(%dma_wait3A_143 : memref<10000x128xf32, #tpu.memory_space<hbm>>) dst(%arg15 : memref<128x128xf32, #tpu.memory_space<vmem>>)
      "tpu.region"() ({
        %run_scoped3A = tpu.sem_alloc : memref<!tpu.dma_semaphore, #tpu.memory_space<semaphore_mem>>
        %dma_start3A_159 = arith.constant 0 : i32
        %dma_start3A_160 = arith.constant 0 : i32
        %dma_start3A_161 = tpu.memref_slice %arg19[%dma_start3A_159, %dma_start3A_160] : memref<10000x128xf32, #tpu.memory_space<vmem_shared>> -> memref<10000x128xf32, #tpu.memory_space<vmem_shared>>
        tpu.enqueue_indirect_dma source(%arg15 : memref<128x128xf32, #tpu.memory_space<vmem>>) target(%dma_start3A_161 : memref<10000x128xf32, #tpu.memory_space<vmem_shared>>) offsets(%arg12 : memref<128xi32, #tpu.memory_space<vmem>>) semaphore(%run_scoped3A : memref<!tpu.dma_semaphore, #tpu.memory_space<semaphore_mem>>) {add = true}
        %dma_wait3A_162 = arith.constant 0 : i32
        %dma_wait3A_163 = arith.constant 0 : i32
        %dma_wait3A_164 = tpu.memref_slice %arg19[%dma_wait3A_162, %dma_wait3A_163] : memref<10000x128xf32, #tpu.memory_space<vmem_shared>> -> memref<10000x128xf32, #tpu.memory_space<vmem_shared>>
        tpu.wait_indirect_dma semaphore(%run_scoped3A : memref<!tpu.dma_semaphore, #tpu.memory_space<semaphore_mem>>) src(%arg15 : memref<128x128xf32, #tpu.memory_space<vmem>>) dst(%dma_wait3A_164 : memref<10000x128xf32, #tpu.memory_space<vmem_shared>>)
        tpu.yield
      }) : () -> ()
      %add3A_144 = arith.constant 1 : i32
      %add3A_145 = arith.addi %while3A_105, %add3A_144 : i32
      %mul3A_146 = arith.constant 3 : i32
      %mul3A_147 = arith.muli %add3A_145, %mul3A_146 : i32
      %add3A_148 = arith.constant 2 : i32
      %add3A_149 = arith.addi %mul3A_147, %add3A_148 : i32
      %mul3A_150 = arith.constant 32 : i32
      %mul3A_151 = arith.muli %mul3A_150, %add3A_149 : i32
      %add3A_152 = arith.addi %add3A, %mul3A_151 : i32
      %mul3A_153 = arith.constant 128 : i32
      %mul3A_154 = arith.muli %add3A_152, %mul3A_153 : i32
      "tpu.region"() ({
        %run_scoped3A = tpu.sem_alloc : memref<!tpu.dma_semaphore, #tpu.memory_space<semaphore_mem>>
        %dma_start3A_159 = tpu.memref_slice %arg3[%mul3A_154] : memref<320000xi32, #tpu.memory_space<hbm>> -> memref<128xi32, #tpu.memory_space<hbm>>
        %dma_start3A_160 = tpu.memref_slice %arg3[%mul3A_154] : memref<320000xi32, #tpu.memory_space<hbm>> -> memref<128xi32, #tpu.memory_space<hbm>>
        tpu.enqueue_dma source(%dma_start3A_160 : memref<128xi32, #tpu.memory_space<hbm>>) target(%arg9 : memref<128xi32, #tpu.memory_space<vmem>>) target_semaphore(%run_scoped3A : memref<!tpu.dma_semaphore, #tpu.memory_space<semaphore_mem>>)
        %dma_wait3A_161 = tpu.memref_slice %arg3[%mul3A_154] : memref<320000xi32, #tpu.memory_space<hbm>> -> memref<128xi32, #tpu.memory_space<hbm>>
        %dma_wait3A_162 = tpu.memref_slice %arg3[%mul3A_154] : memref<320000xi32, #tpu.memory_space<hbm>> -> memref<128xi32, #tpu.memory_space<hbm>>
        tpu.wait_dma2 semaphore(%run_scoped3A : memref<!tpu.dma_semaphore, #tpu.memory_space<semaphore_mem>>) src(%dma_wait3A_162 : memref<128xi32, #tpu.memory_space<hbm>>) dst(%arg9 : memref<128xi32, #tpu.memory_space<vmem>>)
        tpu.yield
      }) : () -> ()
      "tpu.region"() ({
        %run_scoped3A = tpu.sem_alloc : memref<!tpu.dma_semaphore, #tpu.memory_space<semaphore_mem>>
        %dma_start3A_159 = tpu.memref_slice %arg4[%mul3A_154] : memref<320000xi32, #tpu.memory_space<hbm>> -> memref<128xi32, #tpu.memory_space<hbm>>
        %dma_start3A_160 = tpu.memref_slice %arg4[%mul3A_154] : memref<320000xi32, #tpu.memory_space<hbm>> -> memref<128xi32, #tpu.memory_space<hbm>>
        tpu.enqueue_dma source(%dma_start3A_160 : memref<128xi32, #tpu.memory_space<hbm>>) target(%arg12 : memref<128xi32, #tpu.memory_space<vmem>>) target_semaphore(%run_scoped3A : memref<!tpu.dma_semaphore, #tpu.memory_space<semaphore_mem>>)
        %dma_wait3A_161 = tpu.memref_slice %arg4[%mul3A_154] : memref<320000xi32, #tpu.memory_space<hbm>> -> memref<128xi32, #tpu.memory_space<hbm>>
        %dma_wait3A_162 = tpu.memref_slice %arg4[%mul3A_154] : memref<320000xi32, #tpu.memory_space<hbm>> -> memref<128xi32, #tpu.memory_space<hbm>>
        tpu.wait_dma2 semaphore(%run_scoped3A : memref<!tpu.dma_semaphore, #tpu.memory_space<semaphore_mem>>) src(%dma_wait3A_162 : memref<128xi32, #tpu.memory_space<hbm>>) dst(%arg12 : memref<128xi32, #tpu.memory_space<vmem>>)
        tpu.yield
      }) : () -> ()
      %dma_start3A_155 = arith.constant 0 : i32
      %dma_start3A_156 = arith.constant 0 : i32
      %dma_start3A_157 = tpu.memref_slice %arg2[%dma_start3A_155, %dma_start3A_156] : memref<10000x128xf32, #tpu.memory_space<hbm>> -> memref<10000x128xf32, #tpu.memory_space<hbm>>
      tpu.enqueue_indirect_dma source(%dma_start3A_157 : memref<10000x128xf32, #tpu.memory_space<hbm>>) target(%arg15 : memref<128x128xf32, #tpu.memory_space<vmem>>) offsets(%arg9 : memref<128xi32, #tpu.memory_space<vmem>>) semaphore(%arg18 : memref<!tpu.dma_semaphore, #tpu.memory_space<semaphore_mem>>)
      %while3A_158 = arith.constant 0 : i32
      scf.yield %while3A_158 : i32
    }
    %dma_wait3A = arith.constant 0 : i32
    %dma_wait3A_71 = arith.constant 0 : i32
    %dma_wait3A_72 = tpu.memref_slice %arg2[%dma_wait3A, %dma_wait3A_71] : memref<10000x128xf32, #tpu.memory_space<hbm>> -> memref<10000x128xf32, #tpu.memory_space<hbm>>
    tpu.wait_indirect_dma semaphore(%arg16 : memref<!tpu.dma_semaphore, #tpu.memory_space<semaphore_mem>>) src(%dma_wait3A_72 : memref<10000x128xf32, #tpu.memory_space<hbm>>) dst(%arg13 : memref<128x128xf32, #tpu.memory_space<vmem>>)
    "tpu.region"() ({
      %run_scoped3A = tpu.sem_alloc : memref<!tpu.dma_semaphore, #tpu.memory_space<semaphore_mem>>
      %dma_start3A_105 = arith.constant 0 : i32
      %dma_start3A_106 = arith.constant 0 : i32
      %dma_start3A_107 = tpu.memref_slice %arg19[%dma_start3A_105, %dma_start3A_106] : memref<10000x128xf32, #tpu.memory_space<vmem_shared>> -> memref<10000x128xf32, #tpu.memory_space<vmem_shared>>
      tpu.enqueue_indirect_dma source(%arg13 : memref<128x128xf32, #tpu.memory_space<vmem>>) target(%dma_start3A_107 : memref<10000x128xf32, #tpu.memory_space<vmem_shared>>) offsets(%arg10 : memref<128xi32, #tpu.memory_space<vmem>>) semaphore(%run_scoped3A : memref<!tpu.dma_semaphore, #tpu.memory_space<semaphore_mem>>) {add = true}
      %dma_wait3A_108 = arith.constant 0 : i32
      %dma_wait3A_109 = arith.constant 0 : i32
      %dma_wait3A_110 = tpu.memref_slice %arg19[%dma_wait3A_108, %dma_wait3A_109] : memref<10000x128xf32, #tpu.memory_space<vmem_shared>> -> memref<10000x128xf32, #tpu.memory_space<vmem_shared>>
      tpu.wait_indirect_dma semaphore(%run_scoped3A : memref<!tpu.dma_semaphore, #tpu.memory_space<semaphore_mem>>) src(%arg13 : memref<128x128xf32, #tpu.memory_space<vmem>>) dst(%dma_wait3A_110 : memref<10000x128xf32, #tpu.memory_space<vmem_shared>>)
      tpu.yield
    }) : () -> ()
    %dma_wait3A_73 = arith.constant 0 : i32
    %dma_wait3A_74 = arith.constant 0 : i32
    %dma_wait3A_75 = tpu.memref_slice %arg2[%dma_wait3A_73, %dma_wait3A_74] : memref<10000x128xf32, #tpu.memory_space<hbm>> -> memref<10000x128xf32, #tpu.memory_space<hbm>>
    tpu.wait_indirect_dma semaphore(%arg17 : memref<!tpu.dma_semaphore, #tpu.memory_space<semaphore_mem>>) src(%dma_wait3A_75 : memref<10000x128xf32, #tpu.memory_space<hbm>>) dst(%arg14 : memref<128x128xf32, #tpu.memory_space<vmem>>)
    "tpu.region"() ({
      %run_scoped3A = tpu.sem_alloc : memref<!tpu.dma_semaphore, #tpu.memory_space<semaphore_mem>>
      %dma_start3A_105 = arith.constant 0 : i32
      %dma_start3A_106 = arith.constant 0 : i32
      %dma_start3A_107 = tpu.memref_slice %arg19[%dma_start3A_105, %dma_start3A_106] : memref<10000x128xf32, #tpu.memory_space<vmem_shared>> -> memref<10000x128xf32, #tpu.memory_space<vmem_shared>>
      tpu.enqueue_indirect_dma source(%arg14 : memref<128x128xf32, #tpu.memory_space<vmem>>) target(%dma_start3A_107 : memref<10000x128xf32, #tpu.memory_space<vmem_shared>>) offsets(%arg11 : memref<128xi32, #tpu.memory_space<vmem>>) semaphore(%run_scoped3A : memref<!tpu.dma_semaphore, #tpu.memory_space<semaphore_mem>>) {add = true}
      %dma_wait3A_108 = arith.constant 0 : i32
      %dma_wait3A_109 = arith.constant 0 : i32
      %dma_wait3A_110 = tpu.memref_slice %arg19[%dma_wait3A_108, %dma_wait3A_109] : memref<10000x128xf32, #tpu.memory_space<vmem_shared>> -> memref<10000x128xf32, #tpu.memory_space<vmem_shared>>
      tpu.wait_indirect_dma semaphore(%run_scoped3A : memref<!tpu.dma_semaphore, #tpu.memory_space<semaphore_mem>>) src(%arg14 : memref<128x128xf32, #tpu.memory_space<vmem>>) dst(%dma_wait3A_110 : memref<10000x128xf32, #tpu.memory_space<vmem_shared>>)
      tpu.yield
    }) : () -> ()
    %dma_wait3A_76 = arith.constant 0 : i32
    %dma_wait3A_77 = arith.constant 0 : i32
    %dma_wait3A_78 = tpu.memref_slice %arg2[%dma_wait3A_76, %dma_wait3A_77] : memref<10000x128xf32, #tpu.memory_space<hbm>> -> memref<10000x128xf32, #tpu.memory_space<hbm>>
    tpu.wait_indirect_dma semaphore(%arg18 : memref<!tpu.dma_semaphore, #tpu.memory_space<semaphore_mem>>) src(%dma_wait3A_78 : memref<10000x128xf32, #tpu.memory_space<hbm>>) dst(%arg15 : memref<128x128xf32, #tpu.memory_space<vmem>>)
    "tpu.region"() ({
      %run_scoped3A = tpu.sem_alloc : memref<!tpu.dma_semaphore, #tpu.memory_space<semaphore_mem>>
      %dma_start3A_105 = arith.constant 0 : i32
      %dma_start3A_106 = arith.constant 0 : i32
      %dma_start3A_107 = tpu.memref_slice %arg19[%dma_start3A_105, %dma_start3A_106] : memref<10000x128xf32, #tpu.memory_space<vmem_shared>> -> memref<10000x128xf32, #tpu.memory_space<vmem_shared>>
      tpu.enqueue_indirect_dma source(%arg15 : memref<128x128xf32, #tpu.memory_space<vmem>>) target(%dma_start3A_107 : memref<10000x128xf32, #tpu.memory_space<vmem_shared>>) offsets(%arg12 : memref<128xi32, #tpu.memory_space<vmem>>) semaphore(%run_scoped3A : memref<!tpu.dma_semaphore, #tpu.memory_space<semaphore_mem>>) {add = true}
      %dma_wait3A_108 = arith.constant 0 : i32
      %dma_wait3A_109 = arith.constant 0 : i32
      %dma_wait3A_110 = tpu.memref_slice %arg19[%dma_wait3A_108, %dma_wait3A_109] : memref<10000x128xf32, #tpu.memory_space<vmem_shared>> -> memref<10000x128xf32, #tpu.memory_space<vmem_shared>>
      tpu.wait_indirect_dma semaphore(%run_scoped3A : memref<!tpu.dma_semaphore, #tpu.memory_space<semaphore_mem>>) src(%arg15 : memref<128x128xf32, #tpu.memory_space<vmem>>) dst(%dma_wait3A_110 : memref<10000x128xf32, #tpu.memory_space<vmem_shared>>)
      tpu.yield
    }) : () -> ()
    %mul3A_79 = arith.constant 3 : i32
    %mul3A_80 = arith.muli %select_n3A_36, %mul3A_79 : i32
    %while3A_81 = arith.constant 0 : i32
    %while3A_82 = arith.subi %select_n3A_18, %mul3A_80 : i32
    %while3A_83 = arith.addi %mul3A_80, %while3A_82 : i32
    %while3A_84 = arith.constant 1 : i32
    %while3A_85 = arith.divsi %while3A_82, %while3A_84 : i32
    %while3A_86 = arith.muli %while3A_85, %while3A_84 : i32
    %while3A_87 = arith.addi %mul3A_80, %while3A_86 : i32
    %while3A_88 = arith.constant 1 : i32
    %while3A_89 = scf.for %while3A_105 = %mul3A_80 to %while3A_87 step %while3A_88 iter_args(%while3A_106 = %while3A_81) -> (i32)  : i32 {
      %mul3A_107 = arith.constant 32 : i32
      %mul3A_108 = arith.muli %mul3A_107, %while3A_105 : i32
      %add3A_109 = arith.addi %add3A, %mul3A_108 : i32
      %mul3A_110 = arith.constant 128 : i32
      %mul3A_111 = arith.muli %add3A_109, %mul3A_110 : i32
      "tpu.region"() ({
        %run_scoped3A = tpu.sem_alloc : memref<!tpu.dma_semaphore, #tpu.memory_space<semaphore_mem>>
        %dma_start3A_119 = tpu.memref_slice %arg3[%mul3A_111] : memref<320000xi32, #tpu.memory_space<hbm>> -> memref<128xi32, #tpu.memory_space<hbm>>
        %dma_start3A_120 = tpu.memref_slice %arg3[%mul3A_111] : memref<320000xi32, #tpu.memory_space<hbm>> -> memref<128xi32, #tpu.memory_space<hbm>>
        tpu.enqueue_dma source(%dma_start3A_120 : memref<128xi32, #tpu.memory_space<hbm>>) target(%arg7 : memref<128xi32, #tpu.memory_space<vmem>>) target_semaphore(%run_scoped3A : memref<!tpu.dma_semaphore, #tpu.memory_space<semaphore_mem>>)
        %dma_wait3A_121 = tpu.memref_slice %arg3[%mul3A_111] : memref<320000xi32, #tpu.memory_space<hbm>> -> memref<128xi32, #tpu.memory_space<hbm>>
        %dma_wait3A_122 = tpu.memref_slice %arg3[%mul3A_111] : memref<320000xi32, #tpu.memory_space<hbm>> -> memref<128xi32, #tpu.memory_space<hbm>>
        tpu.wait_dma2 semaphore(%run_scoped3A : memref<!tpu.dma_semaphore, #tpu.memory_space<semaphore_mem>>) src(%dma_wait3A_122 : memref<128xi32, #tpu.memory_space<hbm>>) dst(%arg7 : memref<128xi32, #tpu.memory_space<vmem>>)
        tpu.yield
      }) : () -> ()
      "tpu.region"() ({
        %run_scoped3A = tpu.sem_alloc : memref<!tpu.dma_semaphore, #tpu.memory_space<semaphore_mem>>
        %dma_start3A_119 = tpu.memref_slice %arg4[%mul3A_111] : memref<320000xi32, #tpu.memory_space<hbm>> -> memref<128xi32, #tpu.memory_space<hbm>>
        %dma_start3A_120 = tpu.memref_slice %arg4[%mul3A_111] : memref<320000xi32, #tpu.memory_space<hbm>> -> memref<128xi32, #tpu.memory_space<hbm>>
        tpu.enqueue_dma source(%dma_start3A_120 : memref<128xi32, #tpu.memory_space<hbm>>) target(%arg10 : memref<128xi32, #tpu.memory_space<vmem>>) target_semaphore(%run_scoped3A : memref<!tpu.dma_semaphore, #tpu.memory_space<semaphore_mem>>)
        %dma_wait3A_121 = tpu.memref_slice %arg4[%mul3A_111] : memref<320000xi32, #tpu.memory_space<hbm>> -> memref<128xi32, #tpu.memory_space<hbm>>
        %dma_wait3A_122 = tpu.memref_slice %arg4[%mul3A_111] : memref<320000xi32, #tpu.memory_space<hbm>> -> memref<128xi32, #tpu.memory_space<hbm>>
        tpu.wait_dma2 semaphore(%run_scoped3A : memref<!tpu.dma_semaphore, #tpu.memory_space<semaphore_mem>>) src(%dma_wait3A_122 : memref<128xi32, #tpu.memory_space<hbm>>) dst(%arg10 : memref<128xi32, #tpu.memory_space<vmem>>)
        tpu.yield
      }) : () -> ()
      %dma_start3A_112 = arith.constant 0 : i32
      %dma_start3A_113 = arith.constant 0 : i32
      %dma_start3A_114 = tpu.memref_slice %arg2[%dma_start3A_112, %dma_start3A_113] : memref<10000x128xf32, #tpu.memory_space<hbm>> -> memref<10000x128xf32, #tpu.memory_space<hbm>>
      tpu.enqueue_indirect_dma source(%dma_start3A_114 : memref<10000x128xf32, #tpu.memory_space<hbm>>) target(%arg13 : memref<128x128xf32, #tpu.memory_space<vmem>>) offsets(%arg7 : memref<128xi32, #tpu.memory_space<vmem>>) semaphore(%arg16 : memref<!tpu.dma_semaphore, #tpu.memory_space<semaphore_mem>>)
      %dma_wait3A_115 = arith.constant 0 : i32
      %dma_wait3A_116 = arith.constant 0 : i32
      %dma_wait3A_117 = tpu.memref_slice %arg2[%dma_wait3A_115, %dma_wait3A_116] : memref<10000x128xf32, #tpu.memory_space<hbm>> -> memref<10000x128xf32, #tpu.memory_space<hbm>>
      tpu.wait_indirect_dma semaphore(%arg16 : memref<!tpu.dma_semaphore, #tpu.memory_space<semaphore_mem>>) src(%dma_wait3A_117 : memref<10000x128xf32, #tpu.memory_space<hbm>>) dst(%arg13 : memref<128x128xf32, #tpu.memory_space<vmem>>)
      "tpu.region"() ({
        %run_scoped3A = tpu.sem_alloc : memref<!tpu.dma_semaphore, #tpu.memory_space<semaphore_mem>>
        %dma_start3A_119 = arith.constant 0 : i32
        %dma_start3A_120 = arith.constant 0 : i32
        %dma_start3A_121 = tpu.memref_slice %arg19[%dma_start3A_119, %dma_start3A_120] : memref<10000x128xf32, #tpu.memory_space<vmem_shared>> -> memref<10000x128xf32, #tpu.memory_space<vmem_shared>>
        tpu.enqueue_indirect_dma source(%arg13 : memref<128x128xf32, #tpu.memory_space<vmem>>) target(%dma_start3A_121 : memref<10000x128xf32, #tpu.memory_space<vmem_shared>>) offsets(%arg10 : memref<128xi32, #tpu.memory_space<vmem>>) semaphore(%run_scoped3A : memref<!tpu.dma_semaphore, #tpu.memory_space<semaphore_mem>>) {add = true}
        %dma_wait3A_122 = arith.constant 0 : i32
        %dma_wait3A_123 = arith.constant 0 : i32
        %dma_wait3A_124 = tpu.memref_slice %arg19[%dma_wait3A_122, %dma_wait3A_123] : memref<10000x128xf32, #tpu.memory_space<vmem_shared>> -> memref<10000x128xf32, #tpu.memory_space<vmem_shared>>
        tpu.wait_indirect_dma semaphore(%run_scoped3A : memref<!tpu.dma_semaphore, #tpu.memory_space<semaphore_mem>>) src(%arg13 : memref<128x128xf32, #tpu.memory_space<vmem>>) dst(%dma_wait3A_124 : memref<10000x128xf32, #tpu.memory_space<vmem_shared>>)
        tpu.yield
      }) : () -> ()
      %while3A_118 = arith.constant 0 : i32
      scf.yield %while3A_118 : i32
    }
    %while3A_90 = arith.constant 1 : i32
    %while3A_91 = scf.for %while3A_105 = %while3A_87 to %while3A_83 step %while3A_90 iter_args(%while3A_106 = %while3A_89) -> (i32)  : i32 {
      %mul3A_107 = arith.constant 32 : i32
      %mul3A_108 = arith.muli %mul3A_107, %while3A_105 : i32
      %add3A_109 = arith.addi %add3A, %mul3A_108 : i32
      %mul3A_110 = arith.constant 128 : i32
      %mul3A_111 = arith.muli %add3A_109, %mul3A_110 : i32
      "tpu.region"() ({
        %run_scoped3A = tpu.sem_alloc : memref<!tpu.dma_semaphore, #tpu.memory_space<semaphore_mem>>
        %dma_start3A_119 = tpu.memref_slice %arg3[%mul3A_111] : memref<320000xi32, #tpu.memory_space<hbm>> -> memref<128xi32, #tpu.memory_space<hbm>>
        %dma_start3A_120 = tpu.memref_slice %arg3[%mul3A_111] : memref<320000xi32, #tpu.memory_space<hbm>> -> memref<128xi32, #tpu.memory_space<hbm>>
        tpu.enqueue_dma source(%dma_start3A_120 : memref<128xi32, #tpu.memory_space<hbm>>) target(%arg7 : memref<128xi32, #tpu.memory_space<vmem>>) target_semaphore(%run_scoped3A : memref<!tpu.dma_semaphore, #tpu.memory_space<semaphore_mem>>)
        %dma_wait3A_121 = tpu.memref_slice %arg3[%mul3A_111] : memref<320000xi32, #tpu.memory_space<hbm>> -> memref<128xi32, #tpu.memory_space<hbm>>
        %dma_wait3A_122 = tpu.memref_slice %arg3[%mul3A_111] : memref<320000xi32, #tpu.memory_space<hbm>> -> memref<128xi32, #tpu.memory_space<hbm>>
        tpu.wait_dma2 semaphore(%run_scoped3A : memref<!tpu.dma_semaphore, #tpu.memory_space<semaphore_mem>>) src(%dma_wait3A_122 : memref<128xi32, #tpu.memory_space<hbm>>) dst(%arg7 : memref<128xi32, #tpu.memory_space<vmem>>)
        tpu.yield
      }) : () -> ()
      "tpu.region"() ({
        %run_scoped3A = tpu.sem_alloc : memref<!tpu.dma_semaphore, #tpu.memory_space<semaphore_mem>>
        %dma_start3A_119 = tpu.memref_slice %arg4[%mul3A_111] : memref<320000xi32, #tpu.memory_space<hbm>> -> memref<128xi32, #tpu.memory_space<hbm>>
        %dma_start3A_120 = tpu.memref_slice %arg4[%mul3A_111] : memref<320000xi32, #tpu.memory_space<hbm>> -> memref<128xi32, #tpu.memory_space<hbm>>
        tpu.enqueue_dma source(%dma_start3A_120 : memref<128xi32, #tpu.memory_space<hbm>>) target(%arg10 : memref<128xi32, #tpu.memory_space<vmem>>) target_semaphore(%run_scoped3A : memref<!tpu.dma_semaphore, #tpu.memory_space<semaphore_mem>>)
        %dma_wait3A_121 = tpu.memref_slice %arg4[%mul3A_111] : memref<320000xi32, #tpu.memory_space<hbm>> -> memref<128xi32, #tpu.memory_space<hbm>>
        %dma_wait3A_122 = tpu.memref_slice %arg4[%mul3A_111] : memref<320000xi32, #tpu.memory_space<hbm>> -> memref<128xi32, #tpu.memory_space<hbm>>
        tpu.wait_dma2 semaphore(%run_scoped3A : memref<!tpu.dma_semaphore, #tpu.memory_space<semaphore_mem>>) src(%dma_wait3A_122 : memref<128xi32, #tpu.memory_space<hbm>>) dst(%arg10 : memref<128xi32, #tpu.memory_space<vmem>>)
        tpu.yield
      }) : () -> ()
      %dma_start3A_112 = arith.constant 0 : i32
      %dma_start3A_113 = arith.constant 0 : i32
      %dma_start3A_114 = tpu.memref_slice %arg2[%dma_start3A_112, %dma_start3A_113] : memref<10000x128xf32, #tpu.memory_space<hbm>> -> memref<10000x128xf32, #tpu.memory_space<hbm>>
      tpu.enqueue_indirect_dma source(%dma_start3A_114 : memref<10000x128xf32, #tpu.memory_space<hbm>>) target(%arg13 : memref<128x128xf32, #tpu.memory_space<vmem>>) offsets(%arg7 : memref<128xi32, #tpu.memory_space<vmem>>) semaphore(%arg16 : memref<!tpu.dma_semaphore, #tpu.memory_space<semaphore_mem>>)
      %dma_wait3A_115 = arith.constant 0 : i32
      %dma_wait3A_116 = arith.constant 0 : i32
      %dma_wait3A_117 = tpu.memref_slice %arg2[%dma_wait3A_115, %dma_wait3A_116] : memref<10000x128xf32, #tpu.memory_space<hbm>> -> memref<10000x128xf32, #tpu.memory_space<hbm>>
      tpu.wait_indirect_dma semaphore(%arg16 : memref<!tpu.dma_semaphore, #tpu.memory_space<semaphore_mem>>) src(%dma_wait3A_117 : memref<10000x128xf32, #tpu.memory_space<hbm>>) dst(%arg13 : memref<128x128xf32, #tpu.memory_space<vmem>>)
      "tpu.region"() ({
        %run_scoped3A = tpu.sem_alloc : memref<!tpu.dma_semaphore, #tpu.memory_space<semaphore_mem>>
        %dma_start3A_119 = arith.constant 0 : i32
        %dma_start3A_120 = arith.constant 0 : i32
        %dma_start3A_121 = tpu.memref_slice %arg19[%dma_start3A_119, %dma_start3A_120] : memref<10000x128xf32, #tpu.memory_space<vmem_shared>> -> memref<10000x128xf32, #tpu.memory_space<vmem_shared>>
        tpu.enqueue_indirect_dma source(%arg13 : memref<128x128xf32, #tpu.memory_space<vmem>>) target(%dma_start3A_121 : memref<10000x128xf32, #tpu.memory_space<vmem_shared>>) offsets(%arg10 : memref<128xi32, #tpu.memory_space<vmem>>) semaphore(%run_scoped3A : memref<!tpu.dma_semaphore, #tpu.memory_space<semaphore_mem>>) {add = true}
        %dma_wait3A_122 = arith.constant 0 : i32
        %dma_wait3A_123 = arith.constant 0 : i32
        %dma_wait3A_124 = tpu.memref_slice %arg19[%dma_wait3A_122, %dma_wait3A_123] : memref<10000x128xf32, #tpu.memory_space<vmem_shared>> -> memref<10000x128xf32, #tpu.memory_space<vmem_shared>>
        tpu.wait_indirect_dma semaphore(%run_scoped3A : memref<!tpu.dma_semaphore, #tpu.memory_space<semaphore_mem>>) src(%arg13 : memref<128x128xf32, #tpu.memory_space<vmem>>) dst(%dma_wait3A_124 : memref<10000x128xf32, #tpu.memory_space<vmem_shared>>)
        tpu.yield
      }) : () -> ()
      %while3A_118 = arith.constant 0 : i32
      scf.yield %while3A_118 : i32
    }
    %barrier3A_92 = arith.constant 0 : index
    tpu.barrier barrier_id(%barrier3A_92)
    %while3A_93 = arith.constant 0 : i32
    %while3A_94 = arith.constant 0 : i32
    %while3A_95 = arith.subi %select_n3A, %while3A_93 : i32
    %while3A_96 = arith.addi %while3A_93, %while3A_95 : i32
    %while3A_97 = arith.constant 1 : i32
    %while3A_98 = arith.divsi %while3A_95, %while3A_97 : i32
    %while3A_99 = arith.muli %while3A_98, %while3A_97 : i32
    %while3A_100 = arith.addi %while3A_93, %while3A_99 : i32
    %while3A_101 = arith.constant 1 : i32
    %while3A_102 = scf.for %while3A_105 = %while3A_93 to %while3A_100 step %while3A_101 iter_args(%while3A_106 = %while3A_94) -> (i32)  : i32 {
      %mul3A_107 = arith.constant 16 : i32
      %mul3A_108 = arith.muli %mul3A_107, %while3A_105 : i32
      %add3A_109 = arith.addi %arg1, %mul3A_108 : i32
      %mul3A_110 = arith.constant 200 : i32
      %mul3A_111 = arith.muli %add3A_109, %mul3A_110 : i32
      %mul3A_112 = arith.constant 10000 : i32
      %mul3A_113 = arith.muli %arg0, %mul3A_112 : i32
      %mul3A_114 = arith.constant 200 : i32
      %mul3A_115 = arith.muli %add3A_109, %mul3A_114 : i32
      %add3A_116 = arith.addi %mul3A_113, %mul3A_115 : i32
      "tpu.region"() ({
        %run_scoped3A = tpu.sem_alloc : memref<!tpu.dma_semaphore, #tpu.memory_space<semaphore_mem>>
        %dma_start3A_118 = arith.constant 0 : i32
        %dma_start3A_119 = tpu.memref_slice %arg6[%add3A_116, %dma_start3A_118] : memref<20000x128xf32, #tpu.memory_space<hbm>> -> memref<200x128xf32, #tpu.memory_space<hbm>>
        %dma_start3A_120 = arith.constant 0 : i32
        %dma_start3A_121 = tpu.memref_slice %arg19[%mul3A_111, %dma_start3A_120] : memref<10000x128xf32, #tpu.memory_space<vmem_shared>> -> memref<200x128xf32, #tpu.memory_space<vmem_shared>>
        tpu.enqueue_dma source(%dma_start3A_121 : memref<200x128xf32, #tpu.memory_space<vmem_shared>>) target(%dma_start3A_119 : memref<200x128xf32, #tpu.memory_space<hbm>>) target_semaphore(%run_scoped3A : memref<!tpu.dma_semaphore, #tpu.memory_space<semaphore_mem>>)
        %dma_wait3A_122 = arith.constant 0 : i32
        %dma_wait3A_123 = tpu.memref_slice %arg6[%add3A_116, %dma_wait3A_122] : memref<20000x128xf32, #tpu.memory_space<hbm>> -> memref<200x128xf32, #tpu.memory_space<hbm>>
        %dma_wait3A_124 = arith.constant 0 : i32
        %dma_wait3A_125 = tpu.memref_slice %arg19[%mul3A_111, %dma_wait3A_124] : memref<10000x128xf32, #tpu.memory_space<vmem_shared>> -> memref<200x128xf32, #tpu.memory_space<vmem_shared>>
        tpu.wait_dma2 semaphore(%run_scoped3A : memref<!tpu.dma_semaphore, #tpu.memory_space<semaphore_mem>>) src(%dma_wait3A_125 : memref<200x128xf32, #tpu.memory_space<vmem_shared>>) dst(%dma_wait3A_123 : memref<200x128xf32, #tpu.memory_space<hbm>>)
        tpu.yield
      }) : () -> ()
      %while3A_117 = arith.constant 0 : i32
      scf.yield %while3A_117 : i32
    }
    %while3A_103 = arith.constant 1 : i32
    %while3A_104 = scf.for %while3A_105 = %while3A_100 to %while3A_96 step %while3A_103 iter_args(%while3A_106 = %while3A_102) -> (i32)  : i32 {
      %mul3A_107 = arith.constant 16 : i32
      %mul3A_108 = arith.muli %mul3A_107, %while3A_105 : i32
      %add3A_109 = arith.addi %arg1, %mul3A_108 : i32
      %mul3A_110 = arith.constant 200 : i32
      %mul3A_111 = arith.muli %add3A_109, %mul3A_110 : i32
      %mul3A_112 = arith.constant 10000 : i32
      %mul3A_113 = arith.muli %arg0, %mul3A_112 : i32
      %mul3A_114 = arith.constant 200 : i32
      %mul3A_115 = arith.muli %add3A_109, %mul3A_114 : i32
      %add3A_116 = arith.addi %mul3A_113, %mul3A_115 : i32
      "tpu.region"() ({
        %run_scoped3A = tpu.sem_alloc : memref<!tpu.dma_semaphore, #tpu.memory_space<semaphore_mem>>
        %dma_start3A_118 = arith.constant 0 : i32
        %dma_start3A_119 = tpu.memref_slice %arg6[%add3A_116, %dma_start3A_118] : memref<20000x128xf32, #tpu.memory_space<hbm>> -> memref<200x128xf32, #tpu.memory_space<hbm>>
        %dma_start3A_120 = arith.constant 0 : i32
        %dma_start3A_121 = tpu.memref_slice %arg19[%mul3A_111, %dma_start3A_120] : memref<10000x128xf32, #tpu.memory_space<vmem_shared>> -> memref<200x128xf32, #tpu.memory_space<vmem_shared>>
        tpu.enqueue_dma source(%dma_start3A_121 : memref<200x128xf32, #tpu.memory_space<vmem_shared>>) target(%dma_start3A_119 : memref<200x128xf32, #tpu.memory_space<hbm>>) target_semaphore(%run_scoped3A : memref<!tpu.dma_semaphore, #tpu.memory_space<semaphore_mem>>)
        %dma_wait3A_122 = arith.constant 0 : i32
        %dma_wait3A_123 = tpu.memref_slice %arg6[%add3A_116, %dma_wait3A_122] : memref<20000x128xf32, #tpu.memory_space<hbm>> -> memref<200x128xf32, #tpu.memory_space<hbm>>
        %dma_wait3A_124 = arith.constant 0 : i32
        %dma_wait3A_125 = tpu.memref_slice %arg19[%mul3A_111, %dma_wait3A_124] : memref<10000x128xf32, #tpu.memory_space<vmem_shared>> -> memref<200x128xf32, #tpu.memory_space<vmem_shared>>
        tpu.wait_dma2 semaphore(%run_scoped3A : memref<!tpu.dma_semaphore, #tpu.memory_space<semaphore_mem>>) src(%dma_wait3A_125 : memref<200x128xf32, #tpu.memory_space<vmem_shared>>) dst(%dma_wait3A_123 : memref<200x128xf32, #tpu.memory_space<hbm>>)
        tpu.yield
      }) : () -> ()
      %while3A_117 = arith.constant 0 : i32
      scf.yield %while3A_117 : i32
    }
    return
  }
}

#map = affine_map<(d0, d1) -> (0)>
#map1 = affine_map<(d0, d1) -> (0, 0)>
module attributes {stable_mosaic.version = 14 : i64} {
  func.func @_deg_kernel(%arg0: i32, %arg1: i32, %arg2: memref<320000xi32, #tpu.memory_space<hbm>>, %arg3: memref<128x128xf32, #tpu.memory_space<hbm>>, %arg4: memref<10000x128xf32, #tpu.memory_space<hbm>>, %arg5: memref<20000x128xf32, #tpu.memory_space<hbm>>, %arg6: memref<128xi32, #tpu.memory_space<vmem>>, %arg7: memref<128x128xf32, #tpu.memory_space<vmem>>, %arg8: memref<10000x128xf32, #tpu.memory_space<vmem_shared>>) attributes {dimension_semantics = [#tpu.dimension_semantics<core_parallel>, #tpu.dimension_semantics<subcore_parallel>], iteration_bounds = array<i64: 2, 16>, scalar_prefetch = 0 : i64, scratch_operands = 3 : i64, tpu.core_type = #tpu.core_type<sc_vector_subcore>, window_params = [{transform_indices = #map}, {transform_indices = #map1}, {transform_indices = #map1}, {transform_indices = #map1}]} {
    %mul3A = arith.constant 2 : i32
    %mul3A_0 = arith.muli %arg1, %mul3A : i32
    %add3A = arith.addi %mul3A_0, %arg0 : i32
    "tpu.region"() ({
      %run_scoped3A = tpu.sem_alloc : memref<!tpu.dma_semaphore, #tpu.memory_space<semaphore_mem>>
      tpu.enqueue_dma source(%arg3 : memref<128x128xf32, #tpu.memory_space<hbm>>) target(%arg7 : memref<128x128xf32, #tpu.memory_space<vmem>>) target_semaphore(%run_scoped3A : memref<!tpu.dma_semaphore, #tpu.memory_space<semaphore_mem>>)
      tpu.wait_dma2 semaphore(%run_scoped3A : memref<!tpu.dma_semaphore, #tpu.memory_space<semaphore_mem>>) src(%arg3 : memref<128x128xf32, #tpu.memory_space<hbm>>) dst(%arg7 : memref<128x128xf32, #tpu.memory_space<vmem>>)
      tpu.yield
    }) : () -> ()
    %lt3A = arith.constant 2 : i32
    %lt3A_1 = arith.cmpi slt, %arg1, %lt3A : i32
    %jit3A = arith.constant 4 : i32
    %jit3A_2 = arith.constant 3 : i32
    %select_n3A = arith.select %lt3A_1, %jit3A, %jit3A_2 : i32
    %while3A = arith.constant 0 : i32
    %while3A_3 = arith.constant 0 : i32
    %while3A_4 = arith.subi %select_n3A, %while3A : i32
    %while3A_5 = arith.addi %while3A, %while3A_4 : i32
    %while3A_6 = arith.constant 1 : i32
    %while3A_7 = arith.divsi %while3A_4, %while3A_6 : i32
    %while3A_8 = arith.muli %while3A_7, %while3A_6 : i32
    %while3A_9 = arith.addi %while3A, %while3A_8 : i32
    %while3A_10 = arith.constant 1 : i32
    %while3A_11 = scf.for %while3A_44 = %while3A to %while3A_9 step %while3A_10 iter_args(%while3A_45 = %while3A_3) -> (i32)  : i32 {
      %mul3A_46 = arith.constant 16 : i32
      %mul3A_47 = arith.muli %mul3A_46, %while3A_44 : i32
      %add3A_48 = arith.addi %arg1, %mul3A_47 : i32
      %mul3A_49 = arith.constant 200 : i32
      %mul3A_50 = arith.muli %add3A_48, %mul3A_49 : i32
      %mul3A_51 = arith.constant 200 : i32
      %mul3A_52 = arith.muli %add3A_48, %mul3A_51 : i32
      "tpu.region"() ({
        %run_scoped3A = tpu.sem_alloc : memref<!tpu.dma_semaphore, #tpu.memory_space<semaphore_mem>>
        %dma_start3A = arith.constant 0 : i32
        %dma_start3A_54 = tpu.memref_slice %arg8[%mul3A_52, %dma_start3A] : memref<10000x128xf32, #tpu.memory_space<vmem_shared>> -> memref<200x128xf32, #tpu.memory_space<vmem_shared>>
        %dma_start3A_55 = arith.constant 0 : i32
        %dma_start3A_56 = tpu.memref_slice %arg4[%mul3A_50, %dma_start3A_55] : memref<10000x128xf32, #tpu.memory_space<hbm>> -> memref<200x128xf32, #tpu.memory_space<hbm>>
        tpu.enqueue_dma source(%dma_start3A_56 : memref<200x128xf32, #tpu.memory_space<hbm>>) target(%dma_start3A_54 : memref<200x128xf32, #tpu.memory_space<vmem_shared>>) target_semaphore(%run_scoped3A : memref<!tpu.dma_semaphore, #tpu.memory_space<semaphore_mem>>)
        %dma_wait3A = arith.constant 0 : i32
        %dma_wait3A_57 = tpu.memref_slice %arg8[%mul3A_52, %dma_wait3A] : memref<10000x128xf32, #tpu.memory_space<vmem_shared>> -> memref<200x128xf32, #tpu.memory_space<vmem_shared>>
        %dma_wait3A_58 = arith.constant 0 : i32
        %dma_wait3A_59 = tpu.memref_slice %arg4[%mul3A_50, %dma_wait3A_58] : memref<10000x128xf32, #tpu.memory_space<hbm>> -> memref<200x128xf32, #tpu.memory_space<hbm>>
        tpu.wait_dma2 semaphore(%run_scoped3A : memref<!tpu.dma_semaphore, #tpu.memory_space<semaphore_mem>>) src(%dma_wait3A_59 : memref<200x128xf32, #tpu.memory_space<hbm>>) dst(%dma_wait3A_57 : memref<200x128xf32, #tpu.memory_space<vmem_shared>>)
        tpu.yield
      }) : () -> ()
      %while3A_53 = arith.constant 0 : i32
      scf.yield %while3A_53 : i32
    }
    %while3A_12 = arith.constant 1 : i32
    %while3A_13 = scf.for %while3A_44 = %while3A_9 to %while3A_5 step %while3A_12 iter_args(%while3A_45 = %while3A_11) -> (i32)  : i32 {
      %mul3A_46 = arith.constant 16 : i32
      %mul3A_47 = arith.muli %mul3A_46, %while3A_44 : i32
      %add3A_48 = arith.addi %arg1, %mul3A_47 : i32
      %mul3A_49 = arith.constant 200 : i32
      %mul3A_50 = arith.muli %add3A_48, %mul3A_49 : i32
      %mul3A_51 = arith.constant 200 : i32
      %mul3A_52 = arith.muli %add3A_48, %mul3A_51 : i32
      "tpu.region"() ({
        %run_scoped3A = tpu.sem_alloc : memref<!tpu.dma_semaphore, #tpu.memory_space<semaphore_mem>>
        %dma_start3A = arith.constant 0 : i32
        %dma_start3A_54 = tpu.memref_slice %arg8[%mul3A_52, %dma_start3A] : memref<10000x128xf32, #tpu.memory_space<vmem_shared>> -> memref<200x128xf32, #tpu.memory_space<vmem_shared>>
        %dma_start3A_55 = arith.constant 0 : i32
        %dma_start3A_56 = tpu.memref_slice %arg4[%mul3A_50, %dma_start3A_55] : memref<10000x128xf32, #tpu.memory_space<hbm>> -> memref<200x128xf32, #tpu.memory_space<hbm>>
        tpu.enqueue_dma source(%dma_start3A_56 : memref<200x128xf32, #tpu.memory_space<hbm>>) target(%dma_start3A_54 : memref<200x128xf32, #tpu.memory_space<vmem_shared>>) target_semaphore(%run_scoped3A : memref<!tpu.dma_semaphore, #tpu.memory_space<semaphore_mem>>)
        %dma_wait3A = arith.constant 0 : i32
        %dma_wait3A_57 = tpu.memref_slice %arg8[%mul3A_52, %dma_wait3A] : memref<10000x128xf32, #tpu.memory_space<vmem_shared>> -> memref<200x128xf32, #tpu.memory_space<vmem_shared>>
        %dma_wait3A_58 = arith.constant 0 : i32
        %dma_wait3A_59 = tpu.memref_slice %arg4[%mul3A_50, %dma_wait3A_58] : memref<10000x128xf32, #tpu.memory_space<hbm>> -> memref<200x128xf32, #tpu.memory_space<hbm>>
        tpu.wait_dma2 semaphore(%run_scoped3A : memref<!tpu.dma_semaphore, #tpu.memory_space<semaphore_mem>>) src(%dma_wait3A_59 : memref<200x128xf32, #tpu.memory_space<hbm>>) dst(%dma_wait3A_57 : memref<200x128xf32, #tpu.memory_space<vmem_shared>>)
        tpu.yield
      }) : () -> ()
      %while3A_53 = arith.constant 0 : i32
      scf.yield %while3A_53 : i32
    }
    %barrier3A = arith.constant 0 : index
    tpu.barrier barrier_id(%barrier3A)
    %lt3A_14 = arith.constant 4 : i32
    %lt3A_15 = arith.cmpi slt, %add3A, %lt3A_14 : i32
    %jit3A_16 = arith.constant 79 : i32
    %jit3A_17 = arith.constant 78 : i32
    %select_n3A_18 = arith.select %lt3A_15, %jit3A_16, %jit3A_17 : i32
    %while3A_19 = arith.constant 0 : i32
    %while3A_20 = arith.constant 0 : i32
    %while3A_21 = arith.subi %select_n3A_18, %while3A_19 : i32
    %while3A_22 = arith.addi %while3A_19, %while3A_21 : i32
    %while3A_23 = arith.constant 1 : i32
    %while3A_24 = arith.divsi %while3A_21, %while3A_23 : i32
    %while3A_25 = arith.muli %while3A_24, %while3A_23 : i32
    %while3A_26 = arith.addi %while3A_19, %while3A_25 : i32
    %while3A_27 = arith.constant 1 : i32
    %while3A_28 = scf.for %while3A_44 = %while3A_19 to %while3A_26 step %while3A_27 iter_args(%while3A_45 = %while3A_20) -> (i32)  : i32 {
      %mul3A_46 = arith.constant 32 : i32
      %mul3A_47 = arith.muli %mul3A_46, %while3A_44 : i32
      %add3A_48 = arith.addi %add3A, %mul3A_47 : i32
      %mul3A_49 = arith.constant 128 : i32
      %mul3A_50 = arith.muli %add3A_48, %mul3A_49 : i32
      "tpu.region"() ({
        %run_scoped3A = tpu.sem_alloc : memref<!tpu.dma_semaphore, #tpu.memory_space<semaphore_mem>>
        %dma_start3A = tpu.memref_slice %arg2[%mul3A_50] : memref<320000xi32, #tpu.memory_space<hbm>> -> memref<128xi32, #tpu.memory_space<hbm>>
        %dma_start3A_52 = tpu.memref_slice %arg2[%mul3A_50] : memref<320000xi32, #tpu.memory_space<hbm>> -> memref<128xi32, #tpu.memory_space<hbm>>
        tpu.enqueue_dma source(%dma_start3A_52 : memref<128xi32, #tpu.memory_space<hbm>>) target(%arg6 : memref<128xi32, #tpu.memory_space<vmem>>) target_semaphore(%run_scoped3A : memref<!tpu.dma_semaphore, #tpu.memory_space<semaphore_mem>>)
        %dma_wait3A = tpu.memref_slice %arg2[%mul3A_50] : memref<320000xi32, #tpu.memory_space<hbm>> -> memref<128xi32, #tpu.memory_space<hbm>>
        %dma_wait3A_53 = tpu.memref_slice %arg2[%mul3A_50] : memref<320000xi32, #tpu.memory_space<hbm>> -> memref<128xi32, #tpu.memory_space<hbm>>
        tpu.wait_dma2 semaphore(%run_scoped3A : memref<!tpu.dma_semaphore, #tpu.memory_space<semaphore_mem>>) src(%dma_wait3A_53 : memref<128xi32, #tpu.memory_space<hbm>>) dst(%arg6 : memref<128xi32, #tpu.memory_space<vmem>>)
        tpu.yield
      }) : () -> ()
      "tpu.region"() ({
        %run_scoped3A = tpu.sem_alloc : memref<!tpu.dma_semaphore, #tpu.memory_space<semaphore_mem>>
        %dma_start3A = arith.constant 0 : i32
        %dma_start3A_52 = arith.constant 0 : i32
        %dma_start3A_53 = tpu.memref_slice %arg8[%dma_start3A, %dma_start3A_52] : memref<10000x128xf32, #tpu.memory_space<vmem_shared>> -> memref<10000x128xf32, #tpu.memory_space<vmem_shared>>
        tpu.enqueue_indirect_dma source(%arg7 : memref<128x128xf32, #tpu.memory_space<vmem>>) target(%dma_start3A_53 : memref<10000x128xf32, #tpu.memory_space<vmem_shared>>) offsets(%arg6 : memref<128xi32, #tpu.memory_space<vmem>>) semaphore(%run_scoped3A : memref<!tpu.dma_semaphore, #tpu.memory_space<semaphore_mem>>) {add = true}
        %dma_wait3A = arith.constant 0 : i32
        %dma_wait3A_54 = arith.constant 0 : i32
        %dma_wait3A_55 = tpu.memref_slice %arg8[%dma_wait3A, %dma_wait3A_54] : memref<10000x128xf32, #tpu.memory_space<vmem_shared>> -> memref<10000x128xf32, #tpu.memory_space<vmem_shared>>
        tpu.wait_indirect_dma semaphore(%run_scoped3A : memref<!tpu.dma_semaphore, #tpu.memory_space<semaphore_mem>>) src(%arg7 : memref<128x128xf32, #tpu.memory_space<vmem>>) dst(%dma_wait3A_55 : memref<10000x128xf32, #tpu.memory_space<vmem_shared>>)
        tpu.yield
      }) : () -> ()
      %while3A_51 = arith.constant 0 : i32
      scf.yield %while3A_51 : i32
    }
    %while3A_29 = arith.constant 1 : i32
    %while3A_30 = scf.for %while3A_44 = %while3A_26 to %while3A_22 step %while3A_29 iter_args(%while3A_45 = %while3A_28) -> (i32)  : i32 {
      %mul3A_46 = arith.constant 32 : i32
      %mul3A_47 = arith.muli %mul3A_46, %while3A_44 : i32
      %add3A_48 = arith.addi %add3A, %mul3A_47 : i32
      %mul3A_49 = arith.constant 128 : i32
      %mul3A_50 = arith.muli %add3A_48, %mul3A_49 : i32
      "tpu.region"() ({
        %run_scoped3A = tpu.sem_alloc : memref<!tpu.dma_semaphore, #tpu.memory_space<semaphore_mem>>
        %dma_start3A = tpu.memref_slice %arg2[%mul3A_50] : memref<320000xi32, #tpu.memory_space<hbm>> -> memref<128xi32, #tpu.memory_space<hbm>>
        %dma_start3A_52 = tpu.memref_slice %arg2[%mul3A_50] : memref<320000xi32, #tpu.memory_space<hbm>> -> memref<128xi32, #tpu.memory_space<hbm>>
        tpu.enqueue_dma source(%dma_start3A_52 : memref<128xi32, #tpu.memory_space<hbm>>) target(%arg6 : memref<128xi32, #tpu.memory_space<vmem>>) target_semaphore(%run_scoped3A : memref<!tpu.dma_semaphore, #tpu.memory_space<semaphore_mem>>)
        %dma_wait3A = tpu.memref_slice %arg2[%mul3A_50] : memref<320000xi32, #tpu.memory_space<hbm>> -> memref<128xi32, #tpu.memory_space<hbm>>
        %dma_wait3A_53 = tpu.memref_slice %arg2[%mul3A_50] : memref<320000xi32, #tpu.memory_space<hbm>> -> memref<128xi32, #tpu.memory_space<hbm>>
        tpu.wait_dma2 semaphore(%run_scoped3A : memref<!tpu.dma_semaphore, #tpu.memory_space<semaphore_mem>>) src(%dma_wait3A_53 : memref<128xi32, #tpu.memory_space<hbm>>) dst(%arg6 : memref<128xi32, #tpu.memory_space<vmem>>)
        tpu.yield
      }) : () -> ()
      "tpu.region"() ({
        %run_scoped3A = tpu.sem_alloc : memref<!tpu.dma_semaphore, #tpu.memory_space<semaphore_mem>>
        %dma_start3A = arith.constant 0 : i32
        %dma_start3A_52 = arith.constant 0 : i32
        %dma_start3A_53 = tpu.memref_slice %arg8[%dma_start3A, %dma_start3A_52] : memref<10000x128xf32, #tpu.memory_space<vmem_shared>> -> memref<10000x128xf32, #tpu.memory_space<vmem_shared>>
        tpu.enqueue_indirect_dma source(%arg7 : memref<128x128xf32, #tpu.memory_space<vmem>>) target(%dma_start3A_53 : memref<10000x128xf32, #tpu.memory_space<vmem_shared>>) offsets(%arg6 : memref<128xi32, #tpu.memory_space<vmem>>) semaphore(%run_scoped3A : memref<!tpu.dma_semaphore, #tpu.memory_space<semaphore_mem>>) {add = true}
        %dma_wait3A = arith.constant 0 : i32
        %dma_wait3A_54 = arith.constant 0 : i32
        %dma_wait3A_55 = tpu.memref_slice %arg8[%dma_wait3A, %dma_wait3A_54] : memref<10000x128xf32, #tpu.memory_space<vmem_shared>> -> memref<10000x128xf32, #tpu.memory_space<vmem_shared>>
        tpu.wait_indirect_dma semaphore(%run_scoped3A : memref<!tpu.dma_semaphore, #tpu.memory_space<semaphore_mem>>) src(%arg7 : memref<128x128xf32, #tpu.memory_space<vmem>>) dst(%dma_wait3A_55 : memref<10000x128xf32, #tpu.memory_space<vmem_shared>>)
        tpu.yield
      }) : () -> ()
      %while3A_51 = arith.constant 0 : i32
      scf.yield %while3A_51 : i32
    }
    %barrier3A_31 = arith.constant 0 : index
    tpu.barrier barrier_id(%barrier3A_31)
    %while3A_32 = arith.constant 0 : i32
    %while3A_33 = arith.constant 0 : i32
    %while3A_34 = arith.subi %select_n3A, %while3A_32 : i32
    %while3A_35 = arith.addi %while3A_32, %while3A_34 : i32
    %while3A_36 = arith.constant 1 : i32
    %while3A_37 = arith.divsi %while3A_34, %while3A_36 : i32
    %while3A_38 = arith.muli %while3A_37, %while3A_36 : i32
    %while3A_39 = arith.addi %while3A_32, %while3A_38 : i32
    %while3A_40 = arith.constant 1 : i32
    %while3A_41 = scf.for %while3A_44 = %while3A_32 to %while3A_39 step %while3A_40 iter_args(%while3A_45 = %while3A_33) -> (i32)  : i32 {
      %mul3A_46 = arith.constant 16 : i32
      %mul3A_47 = arith.muli %mul3A_46, %while3A_44 : i32
      %add3A_48 = arith.addi %arg1, %mul3A_47 : i32
      %mul3A_49 = arith.constant 200 : i32
      %mul3A_50 = arith.muli %add3A_48, %mul3A_49 : i32
      %mul3A_51 = arith.constant 10000 : i32
      %mul3A_52 = arith.muli %arg0, %mul3A_51 : i32
      %mul3A_53 = arith.constant 200 : i32
      %mul3A_54 = arith.muli %add3A_48, %mul3A_53 : i32
      %add3A_55 = arith.addi %mul3A_52, %mul3A_54 : i32
      "tpu.region"() ({
        %run_scoped3A = tpu.sem_alloc : memref<!tpu.dma_semaphore, #tpu.memory_space<semaphore_mem>>
        %dma_start3A = arith.constant 0 : i32
        %dma_start3A_57 = tpu.memref_slice %arg5[%add3A_55, %dma_start3A] : memref<20000x128xf32, #tpu.memory_space<hbm>> -> memref<200x128xf32, #tpu.memory_space<hbm>>
        %dma_start3A_58 = arith.constant 0 : i32
        %dma_start3A_59 = tpu.memref_slice %arg8[%mul3A_50, %dma_start3A_58] : memref<10000x128xf32, #tpu.memory_space<vmem_shared>> -> memref<200x128xf32, #tpu.memory_space<vmem_shared>>
        tpu.enqueue_dma source(%dma_start3A_59 : memref<200x128xf32, #tpu.memory_space<vmem_shared>>) target(%dma_start3A_57 : memref<200x128xf32, #tpu.memory_space<hbm>>) target_semaphore(%run_scoped3A : memref<!tpu.dma_semaphore, #tpu.memory_space<semaphore_mem>>)
        %dma_wait3A = arith.constant 0 : i32
        %dma_wait3A_60 = tpu.memref_slice %arg5[%add3A_55, %dma_wait3A] : memref<20000x128xf32, #tpu.memory_space<hbm>> -> memref<200x128xf32, #tpu.memory_space<hbm>>
        %dma_wait3A_61 = arith.constant 0 : i32
        %dma_wait3A_62 = tpu.memref_slice %arg8[%mul3A_50, %dma_wait3A_61] : memref<10000x128xf32, #tpu.memory_space<vmem_shared>> -> memref<200x128xf32, #tpu.memory_space<vmem_shared>>
        tpu.wait_dma2 semaphore(%run_scoped3A : memref<!tpu.dma_semaphore, #tpu.memory_space<semaphore_mem>>) src(%dma_wait3A_62 : memref<200x128xf32, #tpu.memory_space<vmem_shared>>) dst(%dma_wait3A_60 : memref<200x128xf32, #tpu.memory_space<hbm>>)
        tpu.yield
      }) : () -> ()
      %while3A_56 = arith.constant 0 : i32
      scf.yield %while3A_56 : i32
    }
    %while3A_42 = arith.constant 1 : i32
    %while3A_43 = scf.for %while3A_44 = %while3A_39 to %while3A_35 step %while3A_42 iter_args(%while3A_45 = %while3A_41) -> (i32)  : i32 {
      %mul3A_46 = arith.constant 16 : i32
      %mul3A_47 = arith.muli %mul3A_46, %while3A_44 : i32
      %add3A_48 = arith.addi %arg1, %mul3A_47 : i32
      %mul3A_49 = arith.constant 200 : i32
      %mul3A_50 = arith.muli %add3A_48, %mul3A_49 : i32
      %mul3A_51 = arith.constant 10000 : i32
      %mul3A_52 = arith.muli %arg0, %mul3A_51 : i32
      %mul3A_53 = arith.constant 200 : i32
      %mul3A_54 = arith.muli %add3A_48, %mul3A_53 : i32
      %add3A_55 = arith.addi %mul3A_52, %mul3A_54 : i32
      "tpu.region"() ({
        %run_scoped3A = tpu.sem_alloc : memref<!tpu.dma_semaphore, #tpu.memory_space<semaphore_mem>>
        %dma_start3A = arith.constant 0 : i32
        %dma_start3A_57 = tpu.memref_slice %arg5[%add3A_55, %dma_start3A] : memref<20000x128xf32, #tpu.memory_space<hbm>> -> memref<200x128xf32, #tpu.memory_space<hbm>>
        %dma_start3A_58 = arith.constant 0 : i32
        %dma_start3A_59 = tpu.memref_slice %arg8[%mul3A_50, %dma_start3A_58] : memref<10000x128xf32, #tpu.memory_space<vmem_shared>> -> memref<200x128xf32, #tpu.memory_space<vmem_shared>>
        tpu.enqueue_dma source(%dma_start3A_59 : memref<200x128xf32, #tpu.memory_space<vmem_shared>>) target(%dma_start3A_57 : memref<200x128xf32, #tpu.memory_space<hbm>>) target_semaphore(%run_scoped3A : memref<!tpu.dma_semaphore, #tpu.memory_space<semaphore_mem>>)
        %dma_wait3A = arith.constant 0 : i32
        %dma_wait3A_60 = tpu.memref_slice %arg5[%add3A_55, %dma_wait3A] : memref<20000x128xf32, #tpu.memory_space<hbm>> -> memref<200x128xf32, #tpu.memory_space<hbm>>
        %dma_wait3A_61 = arith.constant 0 : i32
        %dma_wait3A_62 = tpu.memref_slice %arg8[%mul3A_50, %dma_wait3A_61] : memref<10000x128xf32, #tpu.memory_space<vmem_shared>> -> memref<200x128xf32, #tpu.memory_space<vmem_shared>>
        tpu.wait_dma2 semaphore(%run_scoped3A : memref<!tpu.dma_semaphore, #tpu.memory_space<semaphore_mem>>) src(%dma_wait3A_62 : memref<200x128xf32, #tpu.memory_space<vmem_shared>>) dst(%dma_wait3A_60 : memref<200x128xf32, #tpu.memory_space<hbm>>)
        tpu.yield
      }) : () -> ()
      %while3A_56 = arith.constant 0 : i32
      scf.yield %while3A_56 : i32
    }
    return
  }
}

module attributes {stable_mosaic.version = 14 : i64} {
  func.func @_tc_a_body(%arg0: i32, %arg1: memref<1000x128xf32, #tpu.memory_space<vmem>>, %arg2: memref<128x128xf32, #tpu.memory_space<vmem>>, %arg3: memref<2x1000x128xf32, #tpu.memory_space<vmem>>, %arg4: memref<1000x128xf32, #tpu.memory_space<vmem>>, %arg5: memref<1000x16xf32, #tpu.memory_space<vmem>>) attributes {dimension_semantics = [#tpu.dimension_semantics<arbitrary>], iteration_bounds = array<i64: 10>, scalar_prefetch = 0 : i64, scratch_operands = 0 : i64, tpu.core_type = #tpu.core_type<tc>, window_params = [{transform_indices = @transform_0, window_bounds = array<i64: 1000, 128>}, {pipeline_mode = #tpu.pipeline_mode<synchronous>, transform_indices = @transform_1, window_bounds = array<i64: 128, 128>}, {transform_indices = @transform_2, window_bounds = array<i64: 2, 1000, 128>}, {transform_indices = @transform_3, window_bounds = array<i64: 1000, 128>}, {transform_indices = @transform_4, window_bounds = array<i64: 1000, 16>}]} {
    %get3A = arith.constant 0 : index
    %get3A_0 = arith.constant 0 : index
    %get3A_1 = arith.constant 0 : index
    %get3A_2 = vector.load %arg3[%get3A, %get3A_0, %get3A_1] : memref<2x1000x128xf32, #tpu.memory_space<vmem>>, vector<2x1000x128xf32>
    %slice3A = vector.extract_strided_slice %get3A_2 {offsets = [0, 0, 0], sizes = [1, 1000, 1], strides = [1, 1, 1]} : vector<2x1000x128xf32> to vector<1x1000x1xf32>
    %squeeze3A = vector.shape_cast %slice3A : vector<1x1000x1xf32> to vector<1000x1xf32>
    %slice3A_3 = vector.extract_strided_slice %get3A_2 {offsets = [1, 0, 0], sizes = [1, 1000, 1], strides = [1, 1, 1]} : vector<2x1000x128xf32> to vector<1x1000x1xf32>
    %squeeze3A_4 = vector.shape_cast %slice3A_3 : vector<1x1000x1xf32> to vector<1000x1xf32>
    %add3A = arith.addf %squeeze3A, %squeeze3A_4 : vector<1000x1xf32>
    %add3A_5 = arith.constant 1.000000e+00 : f32
    %add3A_6 = vector.broadcast %add3A_5 : f32 to vector<1000x1xf32>
    %add3A_7 = arith.addf %add3A, %add3A_6 : vector<1000x1xf32>
    %rsqrt3A = math.rsqrt %add3A_7 : vector<1000x1xf32>
    %get3A_8 = arith.constant 0 : index
    %get3A_9 = arith.constant 0 : index
    %get3A_10 = vector.load %arg1[%get3A_8, %get3A_9] : memref<1000x128xf32, #tpu.memory_space<vmem>>, vector<1000x128xf32>
    %get3A_11 = arith.constant 0 : index
    %get3A_12 = arith.constant 0 : index
    %get3A_13 = vector.load %arg2[%get3A_11, %get3A_12] : memref<128x128xf32, #tpu.memory_space<vmem>>, vector<128x128xf32>
    %dot_general3A = arith.constant dense<0.000000e+00> : vector<1000x128xf32>
    %dot_general3A_14 = tpu.matmul %get3A_10, %get3A_13, %dot_general3A {dimension_numbers = #tpu.dot_dimension_numbers<[1], [0], [0], [1], [0, 0, 1, 1], [], []>, transpose_lhs_hint = false} : vector<1000x128xf32>, vector<128x128xf32>, vector<1000x128xf32> -> vector<1000x128xf32>
    %mul3A = vector.broadcast %rsqrt3A : vector<1000x1xf32> to vector<1000x128xf32>
    %mul3A_15 = arith.mulf %dot_general3A_14, %mul3A : vector<1000x128xf32>
    %swap3A = arith.constant 0 : index
    %swap3A_16 = arith.constant 0 : index
    %swap3A_17 = vector.load %arg4[%swap3A, %swap3A_16] : memref<1000x128xf32, #tpu.memory_space<vmem>>, vector<1000x128xf32>
    tpu.vector_store %arg4[%swap3A, %swap3A_16], %mul3A_15 {strides = array<i32>} : memref<1000x128xf32, #tpu.memory_space<vmem>>, vector<1000x128xf32>,
    %broadcast_in_dim3A = vector.shape_cast %rsqrt3A : vector<1000x1xf32> to vector<1000x1xf32>
    %broadcast_in_dim3A_18 = vector.broadcast %broadcast_in_dim3A : vector<1000x1xf32> to vector<1000x16xf32>
    %swap3A_19 = arith.constant 0 : index
    %swap3A_20 = arith.constant 0 : index
    %swap3A_21 = vector.load %arg5[%swap3A_19, %swap3A_20] : memref<1000x16xf32, #tpu.memory_space<vmem>>, vector<1000x16xf32>
    tpu.vector_store %arg5[%swap3A_19, %swap3A_20], %broadcast_in_dim3A_18 {strides = array<i32>} : memref<1000x16xf32, #tpu.memory_space<vmem>>, vector<1000x16xf32>,
    return
  }
  func.func @transform_0(%arg0: i32) -> (i32, i32) {
    %c0_i32 = arith.constant 0 : i32
    %c0_i32_0 = arith.constant 0 : i32
    return %arg0, %c0_i32 : i32, i32
  }
  func.func @transform_1(%arg0: i32) -> (i32, i32) {
    %c0_i32 = arith.constant 0 : i32
    %c0_i32_0 = arith.constant 0 : i32
    %c0_i32_1 = arith.constant 0 : i32
    return %c0_i32, %c0_i32_0 : i32, i32
  }
  func.func @transform_2(%arg0: i32) -> (i32, i32, i32) {
    %c0_i32 = arith.constant 0 : i32
    %c0_i32_0 = arith.constant 0 : i32
    %c0_i32_1 = arith.constant 0 : i32
    return %c0_i32, %arg0, %c0_i32_0 : i32, i32, i32
  }
  func.func @transform_3(%arg0: i32) -> (i32, i32) {
    %c0_i32 = arith.constant 0 : i32
    %c0_i32_0 = arith.constant 0 : i32
    return %arg0, %c0_i32 : i32, i32
  }
  func.func @transform_4(%arg0: i32) -> (i32, i32) {
    %c0_i32 = arith.constant 0 : i32
    %c0_i32_0 = arith.constant 0 : i32
    return %arg0, %c0_i32 : i32, i32
  }
}

module attributes {stable_mosaic.version = 14 : i64} {
  func.func @_tc_b1_body(%arg0: i32, %arg1: memref<2x1000x128xf32, #tpu.memory_space<vmem>>, %arg2: memref<1000x128xf32, #tpu.memory_space<vmem>>, %arg3: memref<1000x16xf32, #tpu.memory_space<vmem>>, %arg4: memref<1x128xf32, #tpu.memory_space<vmem>>, %arg5: memref<1000x128xf32, #tpu.memory_space<vmem>>, %arg6: memref<8x128xf32, #tpu.memory_space<vmem>>) attributes {dimension_semantics = [#tpu.dimension_semantics<arbitrary>], iteration_bounds = array<i64: 10>, scalar_prefetch = 0 : i64, scratch_operands = 0 : i64, tpu.core_type = #tpu.core_type<tc>, window_params = [{transform_indices = @transform_0, window_bounds = array<i64: 2, 1000, 128>}, {transform_indices = @transform_1, window_bounds = array<i64: 1000, 128>}, {transform_indices = @transform_2, window_bounds = array<i64: 1000, 16>}, {pipeline_mode = #tpu.pipeline_mode<synchronous>, transform_indices = @transform_3, window_bounds = array<i64: 1, 128>}, {transform_indices = @transform_4, window_bounds = array<i64: 1000, 128>}, {pipeline_mode = #tpu.pipeline_mode<synchronous>, transform_indices = @transform_5, window_bounds = array<i64: 8, 128>}]} {
    %get3A = arith.constant 0 : index
    %get3A_0 = arith.constant 0 : index
    %get3A_1 = vector.load %arg3[%get3A, %get3A_0] : memref<1000x16xf32, #tpu.memory_space<vmem>>, vector<1000x16xf32>
    %slice3A = vector.extract_strided_slice %get3A_1 {offsets = [0, 0], sizes = [1000, 1], strides = [1, 1]} : vector<1000x16xf32> to vector<1000x1xf32>
    %get3A_2 = arith.constant 0 : index
    %get3A_3 = arith.constant 0 : index
    %get3A_4 = arith.constant 0 : index
    %get3A_5 = vector.load %arg1[%get3A_2, %get3A_3, %get3A_4] : memref<2x1000x128xf32, #tpu.memory_space<vmem>>, vector<1x1000x128xf32>
    %get3A_6 = vector.shape_cast %get3A_5 : vector<1x1000x128xf32> to vector<1000x128xf32>
    %get3A_7 = arith.constant 1 : index
    %get3A_8 = arith.constant 0 : index
    %get3A_9 = arith.constant 0 : index
    %get3A_10 = vector.load %arg1[%get3A_7, %get3A_8, %get3A_9] : memref<2x1000x128xf32, #tpu.memory_space<vmem>>, vector<1x1000x128xf32>
    %get3A_11 = vector.shape_cast %get3A_10 : vector<1x1000x128xf32> to vector<1000x128xf32>
    %add3A = arith.addf %get3A_6, %get3A_11 : vector<1000x128xf32>
    %get3A_12 = arith.constant 0 : index
    %get3A_13 = arith.constant 0 : index
    %get3A_14 = vector.load %arg2[%get3A_12, %get3A_13] : memref<1000x128xf32, #tpu.memory_space<vmem>>, vector<1000x128xf32>
    %add3A_15 = arith.addf %add3A, %get3A_14 : vector<1000x128xf32>
    %mul3A = vector.broadcast %slice3A : vector<1000x1xf32> to vector<1000x128xf32>
    %mul3A_16 = arith.mulf %add3A_15, %mul3A : vector<1000x128xf32>
    %get3A_17 = arith.constant 0 : index
    %get3A_18 = arith.constant 0 : index
    %get3A_19 = vector.load %arg4[%get3A_17, %get3A_18] : memref<1x128xf32, #tpu.memory_space<vmem>>, vector<1x128xf32>
    %add3A_20 = vector.broadcast %get3A_19 : vector<1x128xf32> to vector<1000x128xf32>
    %add3A_21 = arith.addf %mul3A_16, %add3A_20 : vector<1000x128xf32>
    %max3A = arith.constant 0.000000e+00 : f32
    %max3A_22 = vector.broadcast %max3A : f32 to vector<1000x128xf32>
    %max3A_23 = arith.maximumf %add3A_21, %max3A_22 : vector<1000x128xf32>
    %swap3A = arith.constant 0 : index
    %swap3A_24 = arith.constant 0 : index
    %swap3A_25 = vector.load %arg5[%swap3A, %swap3A_24] : memref<1000x128xf32, #tpu.memory_space<vmem>>, vector<1000x128xf32>
    tpu.vector_store %arg5[%swap3A, %swap3A_24], %max3A_23 {strides = array<i32>} : memref<1000x128xf32, #tpu.memory_space<vmem>>, vector<1000x128xf32>,
    %eq3A = arith.constant 0 : i32
    %eq3A_26 = arith.cmpi eq, %arg0, %eq3A : i32
    %convert_element_type3A = arith.extui %eq3A_26 : i1 to i32
    %cond3A = arith.constant 0 : i32
    %cond3A_27 = arith.cmpi ne, %convert_element_type3A, %cond3A : i32
    scf.if %cond3A_27 {
      %broadcast_in_dim3A_47 = arith.constant 0.000000e+00 : f32
      %broadcast_in_dim3A_48 = vector.broadcast %broadcast_in_dim3A_47 : f32 to vector<8x128xf32>
      %swap3A_49 = arith.constant 0 : index
      %swap3A_50 = arith.constant 0 : index
      %swap3A_51 = vector.load %arg6[%swap3A_49, %swap3A_50] : memref<8x128xf32, #tpu.memory_space<vmem>>, vector<8x128xf32>
      tpu.vector_store %arg6[%swap3A_49, %swap3A_50], %broadcast_in_dim3A_48 {strides = array<i32>} : memref<8x128xf32, #tpu.memory_space<vmem>>, vector<8x128xf32>,
    } else {
    }
    %get3A_28 = arith.constant 0 : index
    %get3A_29 = arith.constant 0 : index
    %get3A_30 = vector.load %arg6[%get3A_28, %get3A_29] : memref<8x128xf32, #tpu.memory_space<vmem>>, vector<1x128xf32>
    %reduce_sum3A = arith.constant dense<0.000000e+00> : vector<128xf32>
    %reduce_sum3A_31 = vector.multi_reduction <add>, %max3A_23, %reduce_sum3A [0] : vector<1000x128xf32> to vector<128xf32>
    %broadcast_in_dim3A = vector.shape_cast %reduce_sum3A_31 : vector<128xf32> to vector<1x128xf32>
    %add3A_32 = arith.addf %get3A_30, %broadcast_in_dim3A : vector<1x128xf32>
    %swap3A_33 = arith.constant 0 : index
    %swap3A_34 = arith.constant 0 : index
    %swap3A_35 = vector.load %arg6[%swap3A_33, %swap3A_34] : memref<8x128xf32, #tpu.memory_space<vmem>>, vector<1x128xf32>
    tpu.vector_store %arg6[%swap3A_33, %swap3A_34], %add3A_32 {strides = array<i32>} : memref<8x128xf32, #tpu.memory_space<vmem>>, vector<1x128xf32>,
    %get3A_36 = arith.constant 1 : index
    %get3A_37 = arith.constant 0 : index
    %get3A_38 = vector.load %arg6[%get3A_36, %get3A_37] : memref<8x128xf32, #tpu.memory_space<vmem>>, vector<1x128xf32>
    %mul3A_39 = arith.mulf %max3A_23, %max3A_23 : vector<1000x128xf32>
    %reduce_sum3A_40 = arith.constant dense<0.000000e+00> : vector<128xf32>
    %reduce_sum3A_41 = vector.multi_reduction <add>, %mul3A_39, %reduce_sum3A_40 [0] : vector<1000x128xf32> to vector<128xf32>
    %broadcast_in_dim3A_42 = vector.shape_cast %reduce_sum3A_41 : vector<128xf32> to vector<1x128xf32>
    %add3A_43 = arith.addf %get3A_38, %broadcast_in_dim3A_42 : vector<1x128xf32>
    %swap3A_44 = arith.constant 1 : index
    %swap3A_45 = arith.constant 0 : index
    %swap3A_46 = vector.load %arg6[%swap3A_44, %swap3A_45] : memref<8x128xf32, #tpu.memory_space<vmem>>, vector<1x128xf32>
    tpu.vector_store %arg6[%swap3A_44, %swap3A_45], %add3A_43 {strides = array<i32>} : memref<8x128xf32, #tpu.memory_space<vmem>>, vector<1x128xf32>,
    return
  }
  func.func @transform_0(%arg0: i32) -> (i32, i32, i32) {
    %c0_i32 = arith.constant 0 : i32
    %c0_i32_0 = arith.constant 0 : i32
    %c0_i32_1 = arith.constant 0 : i32
    return %c0_i32, %arg0, %c0_i32_0 : i32, i32, i32
  }
  func.func @transform_1(%arg0: i32) -> (i32, i32) {
    %c0_i32 = arith.constant 0 : i32
    %c0_i32_0 = arith.constant 0 : i32
    return %arg0, %c0_i32 : i32, i32
  }
  func.func @transform_2(%arg0: i32) -> (i32, i32) {
    %c0_i32 = arith.constant 0 : i32
    %c0_i32_0 = arith.constant 0 : i32
    return %arg0, %c0_i32 : i32, i32
  }
  func.func @transform_3(%arg0: i32) -> (i32, i32) {
    %c0_i32 = arith.constant 0 : i32
    %c0_i32_0 = arith.constant 0 : i32
    %c0_i32_1 = arith.constant 0 : i32
    return %c0_i32, %c0_i32_0 : i32, i32
  }
  func.func @transform_4(%arg0: i32) -> (i32, i32) {
    %c0_i32 = arith.constant 0 : i32
    %c0_i32_0 = arith.constant 0 : i32
    return %arg0, %c0_i32 : i32, i32
  }
  func.func @transform_5(%arg0: i32) -> (i32, i32) {
    %c0_i32 = arith.constant 0 : i32
    %c0_i32_0 = arith.constant 0 : i32
    %c0_i32_1 = arith.constant 0 : i32
    return %c0_i32, %c0_i32_0 : i32, i32
  }
}

module attributes {stable_mosaic.version = 14 : i64} {
  func.func @_tc_b2_body(%arg0: i32, %arg1: memref<1000x128xf32, #tpu.memory_space<vmem>>, %arg2: memref<8x128xf32, #tpu.memory_space<vmem>>, %arg3: memref<128x128xf32, #tpu.memory_space<vmem>>, %arg4: memref<1000x16xf32, #tpu.memory_space<vmem>>, %arg5: memref<1x128xf32, #tpu.memory_space<vmem>>, %arg6: memref<1x128xf32, #tpu.memory_space<vmem>>, %arg7: memref<1000x128xf32, #tpu.memory_space<vmem>>) attributes {dimension_semantics = [#tpu.dimension_semantics<arbitrary>], iteration_bounds = array<i64: 10>, scalar_prefetch = 0 : i64, scratch_operands = 0 : i64, tpu.core_type = #tpu.core_type<tc>, window_params = [{transform_indices = @transform_0, window_bounds = array<i64: 1000, 128>}, {pipeline_mode = #tpu.pipeline_mode<synchronous>, transform_indices = @transform_1, window_bounds = array<i64: 8, 128>}, {pipeline_mode = #tpu.pipeline_mode<synchronous>, transform_indices = @transform_2, window_bounds = array<i64: 128, 128>}, {transform_indices = @transform_3, window_bounds = array<i64: 1000, 16>}, {pipeline_mode = #tpu.pipeline_mode<synchronous>, transform_indices = @transform_4, window_bounds = array<i64: 1, 128>}, {pipeline_mode = #tpu.pipeline_mode<synchronous>, transform_indices = @transform_5, window_bounds = array<i64: 1, 128>}, {transform_indices = @transform_6, window_bounds = array<i64: 1000, 128>}]} {
    %get3A = arith.constant 0 : index
    %get3A_0 = arith.constant 0 : index
    %get3A_1 = vector.load %arg4[%get3A, %get3A_0] : memref<1000x16xf32, #tpu.memory_space<vmem>>, vector<1000x16xf32>
    %slice3A = vector.extract_strided_slice %get3A_1 {offsets = [0, 0], sizes = [1000, 1], strides = [1, 1]} : vector<1000x16xf32> to vector<1000x1xf32>
    %get3A_2 = arith.constant 0 : index
    %get3A_3 = arith.constant 0 : index
    %get3A_4 = vector.load %arg2[%get3A_2, %get3A_3] : memref<8x128xf32, #tpu.memory_space<vmem>>, vector<1x128xf32>
    %div3A = arith.constant 1.000000e+04 : f32
    %div3A_5 = vector.broadcast %div3A : f32 to vector<1x128xf32>
    %div3A_6 = arith.divf %get3A_4, %div3A_5 : vector<1x128xf32>
    %get3A_7 = arith.constant 1 : index
    %get3A_8 = arith.constant 0 : index
    %get3A_9 = vector.load %arg2[%get3A_7, %get3A_8] : memref<8x128xf32, #tpu.memory_space<vmem>>, vector<1x128xf32>
    %div3A_10 = arith.constant 1.000000e+04 : f32
    %div3A_11 = vector.broadcast %div3A_10 : f32 to vector<1x128xf32>
    %div3A_12 = arith.divf %get3A_9, %div3A_11 : vector<1x128xf32>
    %mul3A = arith.mulf %div3A_6, %div3A_6 : vector<1x128xf32>
    %sub3A = arith.subf %div3A_12, %mul3A : vector<1x128xf32>
    %get3A_13 = arith.constant 0 : index
    %get3A_14 = arith.constant 0 : index
    %get3A_15 = vector.load %arg5[%get3A_13, %get3A_14] : memref<1x128xf32, #tpu.memory_space<vmem>>, vector<1x128xf32>
    %add3A = arith.constant 9.99999974E-6 : f32
    %add3A_16 = vector.broadcast %add3A : f32 to vector<1x128xf32>
    %add3A_17 = arith.addf %sub3A, %add3A_16 : vector<1x128xf32>
    %rsqrt3A = math.rsqrt %add3A_17 : vector<1x128xf32>
    %mul3A_18 = arith.mulf %get3A_15, %rsqrt3A : vector<1x128xf32>
    %get3A_19 = arith.constant 0 : index
    %get3A_20 = arith.constant 0 : index
    %get3A_21 = vector.load %arg1[%get3A_19, %get3A_20] : memref<1000x128xf32, #tpu.memory_space<vmem>>, vector<1000x128xf32>
    %sub3A_22 = vector.broadcast %div3A_6 : vector<1x128xf32> to vector<1000x128xf32>
    %sub3A_23 = arith.subf %get3A_21, %sub3A_22 : vector<1000x128xf32>
    %mul3A_24 = vector.broadcast %mul3A_18 : vector<1x128xf32> to vector<1000x128xf32>
    %mul3A_25 = arith.mulf %sub3A_23, %mul3A_24 : vector<1000x128xf32>
    %get3A_26 = arith.constant 0 : index
    %get3A_27 = arith.constant 0 : index
    %get3A_28 = vector.load %arg6[%get3A_26, %get3A_27] : memref<1x128xf32, #tpu.memory_space<vmem>>, vector<1x128xf32>
    %add3A_29 = vector.broadcast %get3A_28 : vector<1x128xf32> to vector<1000x128xf32>
    %add3A_30 = arith.addf %mul3A_25, %add3A_29 : vector<1000x128xf32>
    %get3A_31 = arith.constant 0 : index
    %get3A_32 = arith.constant 0 : index
    %get3A_33 = vector.load %arg3[%get3A_31, %get3A_32] : memref<128x128xf32, #tpu.memory_space<vmem>>, vector<128x128xf32>
    %dot_general3A = arith.constant dense<0.000000e+00> : vector<1000x128xf32>
    %dot_general3A_34 = tpu.matmul %add3A_30, %get3A_33, %dot_general3A {dimension_numbers = #tpu.dot_dimension_numbers<[1], [0], [0], [1], [0, 0, 1, 1], [], []>, transpose_lhs_hint = false} : vector<1000x128xf32>, vector<128x128xf32>, vector<1000x128xf32> -> vector<1000x128xf32>
    %mul3A_35 = vector.broadcast %slice3A : vector<1000x1xf32> to vector<1000x128xf32>
    %mul3A_36 = arith.mulf %dot_general3A_34, %mul3A_35 : vector<1000x128xf32>
    %swap3A = arith.constant 0 : index
    %swap3A_37 = arith.constant 0 : index
    %swap3A_38 = vector.load %arg7[%swap3A, %swap3A_37] : memref<1000x128xf32, #tpu.memory_space<vmem>>, vector<1000x128xf32>
    tpu.vector_store %arg7[%swap3A, %swap3A_37], %mul3A_36 {strides = array<i32>} : memref<1000x128xf32, #tpu.memory_space<vmem>>, vector<1000x128xf32>,
    return
  }
  func.func @transform_0(%arg0: i32) -> (i32, i32) {
    %c0_i32 = arith.constant 0 : i32
    %c0_i32_0 = arith.constant 0 : i32
    return %arg0, %c0_i32 : i32, i32
  }
  func.func @transform_1(%arg0: i32) -> (i32, i32) {
    %c0_i32 = arith.constant 0 : i32
    %c0_i32_0 = arith.constant 0 : i32
    %c0_i32_1 = arith.constant 0 : i32
    return %c0_i32, %c0_i32_0 : i32, i32
  }
  func.func @transform_2(%arg0: i32) -> (i32, i32) {
    %c0_i32 = arith.constant 0 : i32
    %c0_i32_0 = arith.constant 0 : i32
    %c0_i32_1 = arith.constant 0 : i32
    return %c0_i32, %c0_i32_0 : i32, i32
  }
  func.func @transform_3(%arg0: i32) -> (i32, i32) {
    %c0_i32 = arith.constant 0 : i32
    %c0_i32_0 = arith.constant 0 : i32
    return %arg0, %c0_i32 : i32, i32
  }
  func.func @transform_4(%arg0: i32) -> (i32, i32) {
    %c0_i32 = arith.constant 0 : i32
    %c0_i32_0 = arith.constant 0 : i32
    %c0_i32_1 = arith.constant 0 : i32
    return %c0_i32, %c0_i32_0 : i32, i32
  }
  func.func @transform_5(%arg0: i32) -> (i32, i32) {
    %c0_i32 = arith.constant 0 : i32
    %c0_i32_0 = arith.constant 0 : i32
    %c0_i32_1 = arith.constant 0 : i32
    return %c0_i32, %c0_i32_0 : i32, i32
  }
  func.func @transform_6(%arg0: i32) -> (i32, i32) {
    %c0_i32 = arith.constant 0 : i32
    %c0_i32_0 = arith.constant 0 : i32
    return %arg0, %c0_i32 : i32, i32
  }
}

module attributes {stable_mosaic.version = 14 : i64} {
  func.func @_tc_c2_body(%arg0: memref<8x128xf32, #tpu.memory_space<vmem>>, %arg1: memref<64x128xf32, #tpu.memory_space<vmem>>, %arg2: memref<64x128xf32, #tpu.memory_space<vmem>>, %arg3: memref<1x128xf32, #tpu.memory_space<vmem>>, %arg4: memref<1x128xf32, #tpu.memory_space<vmem>>, %arg5: memref<128x128xf32, #tpu.memory_space<vmem>>, %arg6: memref<1x128xf32, #tpu.memory_space<vmem>>, %arg7: memref<1x128xf32, #tpu.memory_space<vmem>>, %arg8: memref<1x128xf32, #tpu.memory_space<vmem>>, %arg9: memref<128x128xf32, #tpu.memory_space<vmem>>, %arg10: memref<1x128xf32, #tpu.memory_space<vmem>>, %arg11: memref<1x128xf32, #tpu.memory_space<vmem>>, %arg12: memref<1x128xf32, #tpu.memory_space<vmem>>, %arg13: memref<128x1xf32, #tpu.memory_space<vmem>>, %arg14: memref<1x1xf32, #tpu.memory_space<vmem>>, %arg15: memref<64x1xf32, #tpu.memory_space<vmem>>) attributes {dimension_semantics = [], scalar_prefetch = 0 : i64, scratch_operands = 0 : i64, tpu.core_type = #tpu.core_type<tc>} {
    %get3A = arith.constant 0 : index
    %get3A_0 = arith.constant 0 : index
    %get3A_1 = vector.load %arg0[%get3A, %get3A_0] : memref<8x128xf32, #tpu.memory_space<vmem>>, vector<1x128xf32>
    %div3A = arith.constant 1.000000e+04 : f32
    %div3A_2 = vector.broadcast %div3A : f32 to vector<1x128xf32>
    %div3A_3 = arith.divf %get3A_1, %div3A_2 : vector<1x128xf32>
    %get3A_4 = arith.constant 1 : index
    %get3A_5 = arith.constant 0 : index
    %get3A_6 = vector.load %arg0[%get3A_4, %get3A_5] : memref<8x128xf32, #tpu.memory_space<vmem>>, vector<1x128xf32>
    %div3A_7 = arith.constant 1.000000e+04 : f32
    %div3A_8 = vector.broadcast %div3A_7 : f32 to vector<1x128xf32>
    %div3A_9 = arith.divf %get3A_6, %div3A_8 : vector<1x128xf32>
    %mul3A = arith.mulf %div3A_3, %div3A_3 : vector<1x128xf32>
    %sub3A = arith.subf %div3A_9, %mul3A : vector<1x128xf32>
    %get3A_10 = arith.constant 0 : index
    %get3A_11 = arith.constant 0 : index
    %get3A_12 = vector.load %arg3[%get3A_10, %get3A_11] : memref<1x128xf32, #tpu.memory_space<vmem>>, vector<1x128xf32>
    %add3A = arith.constant 9.99999974E-6 : f32
    %add3A_13 = vector.broadcast %add3A : f32 to vector<1x128xf32>
    %add3A_14 = arith.addf %sub3A, %add3A_13 : vector<1x128xf32>
    %rsqrt3A = math.rsqrt %add3A_14 : vector<1x128xf32>
    %mul3A_15 = arith.mulf %get3A_12, %rsqrt3A : vector<1x128xf32>
    %get3A_16 = arith.constant 0 : index
    %get3A_17 = arith.constant 0 : index
    %get3A_18 = vector.load %arg2[%get3A_16, %get3A_17] : memref<64x128xf32, #tpu.memory_space<vmem>>, vector<64x128xf32>
    %get3A_19 = arith.constant 0 : index
    %get3A_20 = arith.constant 0 : index
    %get3A_21 = vector.load %arg1[%get3A_19, %get3A_20] : memref<64x128xf32, #tpu.memory_space<vmem>>, vector<64x128xf32>
    %mul3A_22 = vector.broadcast %div3A_3 : vector<1x128xf32> to vector<64x128xf32>
    %mul3A_23 = arith.mulf %get3A_18, %mul3A_22 : vector<64x128xf32>
    %sub3A_24 = arith.subf %get3A_21, %mul3A_23 : vector<64x128xf32>
    %mul3A_25 = vector.broadcast %mul3A_15 : vector<1x128xf32> to vector<64x128xf32>
    %mul3A_26 = arith.mulf %sub3A_24, %mul3A_25 : vector<64x128xf32>
    %get3A_27 = arith.constant 0 : index
    %get3A_28 = arith.constant 0 : index
    %get3A_29 = vector.load %arg4[%get3A_27, %get3A_28] : memref<1x128xf32, #tpu.memory_space<vmem>>, vector<1x128xf32>
    %mul3A_30 = vector.broadcast %get3A_29 : vector<1x128xf32> to vector<64x128xf32>
    %mul3A_31 = arith.mulf %get3A_18, %mul3A_30 : vector<64x128xf32>
    %add3A_32 = arith.addf %mul3A_26, %mul3A_31 : vector<64x128xf32>
    %get3A_33 = arith.constant 0 : index
    %get3A_34 = arith.constant 0 : index
    %get3A_35 = vector.load %arg5[%get3A_33, %get3A_34] : memref<128x128xf32, #tpu.memory_space<vmem>>, vector<128x128xf32>
    %dot_general3A = arith.constant dense<0.000000e+00> : vector<64x128xf32>
    %dot_general3A_36 = tpu.matmul %add3A_32, %get3A_35, %dot_general3A {dimension_numbers = #tpu.dot_dimension_numbers<[1], [0], [0], [1], [0, 0, 1, 1], [], []>, transpose_lhs_hint = false} : vector<64x128xf32>, vector<128x128xf32>, vector<64x128xf32> -> vector<64x128xf32>
    %get3A_37 = arith.constant 0 : index
    %get3A_38 = arith.constant 0 : index
    %get3A_39 = vector.load %arg6[%get3A_37, %get3A_38] : memref<1x128xf32, #tpu.memory_space<vmem>>, vector<1x128xf32>
    %add3A_40 = vector.broadcast %get3A_39 : vector<1x128xf32> to vector<64x128xf32>
    %add3A_41 = arith.addf %dot_general3A_36, %add3A_40 : vector<64x128xf32>
    %max3A = arith.constant 0.000000e+00 : f32
    %max3A_42 = vector.broadcast %max3A : f32 to vector<64x128xf32>
    %max3A_43 = arith.maximumf %add3A_41, %max3A_42 : vector<64x128xf32>
    %get3A_44 = arith.constant 0 : index
    %get3A_45 = arith.constant 0 : index
    %get3A_46 = vector.load %arg7[%get3A_44, %get3A_45] : memref<1x128xf32, #tpu.memory_space<vmem>>, vector<1x128xf32>
    %get3A_47 = arith.constant 0 : index
    %get3A_48 = arith.constant 0 : index
    %get3A_49 = vector.load %arg8[%get3A_47, %get3A_48] : memref<1x128xf32, #tpu.memory_space<vmem>>, vector<1x128xf32>
    %reduce_sum3A = arith.constant dense<0.000000e+00> : vector<128xf32>
    %reduce_sum3A_50 = vector.multi_reduction <add>, %max3A_43, %reduce_sum3A [0] : vector<64x128xf32> to vector<128xf32>
    %broadcast_in_dim3A = vector.shape_cast %reduce_sum3A_50 : vector<128xf32> to vector<1x128xf32>
    %div3A_51 = arith.constant 6.400000e+01 : f32
    %div3A_52 = vector.broadcast %div3A_51 : f32 to vector<1x128xf32>
    %div3A_53 = arith.divf %broadcast_in_dim3A, %div3A_52 : vector<1x128xf32>
    %mul3A_54 = arith.mulf %max3A_43, %max3A_43 : vector<64x128xf32>
    %reduce_sum3A_55 = arith.constant dense<0.000000e+00> : vector<128xf32>
    %reduce_sum3A_56 = vector.multi_reduction <add>, %mul3A_54, %reduce_sum3A_55 [0] : vector<64x128xf32> to vector<128xf32>
    %broadcast_in_dim3A_57 = vector.shape_cast %reduce_sum3A_56 : vector<128xf32> to vector<1x128xf32>
    %div3A_58 = arith.constant 6.400000e+01 : f32
    %div3A_59 = vector.broadcast %div3A_58 : f32 to vector<1x128xf32>
    %div3A_60 = arith.divf %broadcast_in_dim3A_57, %div3A_59 : vector<1x128xf32>
    %mul3A_61 = arith.mulf %div3A_53, %div3A_53 : vector<1x128xf32>
    %sub3A_62 = arith.subf %div3A_60, %mul3A_61 : vector<1x128xf32>
    %sub3A_63 = vector.broadcast %div3A_53 : vector<1x128xf32> to vector<64x128xf32>
    %sub3A_64 = arith.subf %max3A_43, %sub3A_63 : vector<64x128xf32>
    %add3A_65 = arith.constant 9.99999974E-6 : f32
    %add3A_66 = vector.broadcast %add3A_65 : f32 to vector<1x128xf32>
    %add3A_67 = arith.addf %sub3A_62, %add3A_66 : vector<1x128xf32>
    %rsqrt3A_68 = math.rsqrt %add3A_67 : vector<1x128xf32>
    %mul3A_69 = vector.broadcast %rsqrt3A_68 : vector<1x128xf32> to vector<64x128xf32>
    %mul3A_70 = arith.mulf %sub3A_64, %mul3A_69 : vector<64x128xf32>
    %mul3A_71 = vector.broadcast %get3A_46 : vector<1x128xf32> to vector<64x128xf32>
    %mul3A_72 = arith.mulf %mul3A_70, %mul3A_71 : vector<64x128xf32>
    %add3A_73 = vector.broadcast %get3A_49 : vector<1x128xf32> to vector<64x128xf32>
    %add3A_74 = arith.addf %mul3A_72, %add3A_73 : vector<64x128xf32>
    %get3A_75 = arith.constant 0 : index
    %get3A_76 = arith.constant 0 : index
    %get3A_77 = vector.load %arg9[%get3A_75, %get3A_76] : memref<128x128xf32, #tpu.memory_space<vmem>>, vector<128x128xf32>
    %dot_general3A_78 = arith.constant dense<0.000000e+00> : vector<64x128xf32>
    %dot_general3A_79 = tpu.matmul %add3A_74, %get3A_77, %dot_general3A_78 {dimension_numbers = #tpu.dot_dimension_numbers<[1], [0], [0], [1], [0, 0, 1, 1], [], []>, transpose_lhs_hint = false} : vector<64x128xf32>, vector<128x128xf32>, vector<64x128xf32> -> vector<64x128xf32>
    %get3A_80 = arith.constant 0 : index
    %get3A_81 = arith.constant 0 : index
    %get3A_82 = vector.load %arg10[%get3A_80, %get3A_81] : memref<1x128xf32, #tpu.memory_space<vmem>>, vector<1x128xf32>
    %add3A_83 = vector.broadcast %get3A_82 : vector<1x128xf32> to vector<64x128xf32>
    %add3A_84 = arith.addf %dot_general3A_79, %add3A_83 : vector<64x128xf32>
    %max3A_85 = arith.constant 0.000000e+00 : f32
    %max3A_86 = vector.broadcast %max3A_85 : f32 to vector<64x128xf32>
    %max3A_87 = arith.maximumf %add3A_84, %max3A_86 : vector<64x128xf32>
    %get3A_88 = arith.constant 0 : index
    %get3A_89 = arith.constant 0 : index
    %get3A_90 = vector.load %arg11[%get3A_88, %get3A_89] : memref<1x128xf32, #tpu.memory_space<vmem>>, vector<1x128xf32>
    %get3A_91 = arith.constant 0 : index
    %get3A_92 = arith.constant 0 : index
    %get3A_93 = vector.load %arg12[%get3A_91, %get3A_92] : memref<1x128xf32, #tpu.memory_space<vmem>>, vector<1x128xf32>
    %reduce_sum3A_94 = arith.constant dense<0.000000e+00> : vector<128xf32>
    %reduce_sum3A_95 = vector.multi_reduction <add>, %max3A_87, %reduce_sum3A_94 [0] : vector<64x128xf32> to vector<128xf32>
    %broadcast_in_dim3A_96 = vector.shape_cast %reduce_sum3A_95 : vector<128xf32> to vector<1x128xf32>
    %div3A_97 = arith.constant 6.400000e+01 : f32
    %div3A_98 = vector.broadcast %div3A_97 : f32 to vector<1x128xf32>
    %div3A_99 = arith.divf %broadcast_in_dim3A_96, %div3A_98 : vector<1x128xf32>
    %mul3A_100 = arith.mulf %max3A_87, %max3A_87 : vector<64x128xf32>
    %reduce_sum3A_101 = arith.constant dense<0.000000e+00> : vector<128xf32>
    %reduce_sum3A_102 = vector.multi_reduction <add>, %mul3A_100, %reduce_sum3A_101 [0] : vector<64x128xf32> to vector<128xf32>
    %broadcast_in_dim3A_103 = vector.shape_cast %reduce_sum3A_102 : vector<128xf32> to vector<1x128xf32>
    %div3A_104 = arith.constant 6.400000e+01 : f32
    %div3A_105 = vector.broadcast %div3A_104 : f32 to vector<1x128xf32>
    %div3A_106 = arith.divf %broadcast_in_dim3A_103, %div3A_105 : vector<1x128xf32>
    %mul3A_107 = arith.mulf %div3A_99, %div3A_99 : vector<1x128xf32>
    %sub3A_108 = arith.subf %div3A_106, %mul3A_107 : vector<1x128xf32>
    %sub3A_109 = vector.broadcast %div3A_99 : vector<1x128xf32> to vector<64x128xf32>
    %sub3A_110 = arith.subf %max3A_87, %sub3A_109 : vector<64x128xf32>
    %add3A_111 = arith.constant 9.99999974E-6 : f32
    %add3A_112 = vector.broadcast %add3A_111 : f32 to vector<1x128xf32>
    %add3A_113 = arith.addf %sub3A_108, %add3A_112 : vector<1x128xf32>
    %rsqrt3A_114 = math.rsqrt %add3A_113 : vector<1x128xf32>
    %mul3A_115 = vector.broadcast %rsqrt3A_114 : vector<1x128xf32> to vector<64x128xf32>
    %mul3A_116 = arith.mulf %sub3A_110, %mul3A_115 : vector<64x128xf32>
    %mul3A_117 = vector.broadcast %get3A_90 : vector<1x128xf32> to vector<64x128xf32>
    %mul3A_118 = arith.mulf %mul3A_116, %mul3A_117 : vector<64x128xf32>
    %add3A_119 = vector.broadcast %get3A_93 : vector<1x128xf32> to vector<64x128xf32>
    %add3A_120 = arith.addf %mul3A_118, %add3A_119 : vector<64x128xf32>
    %get3A_121 = arith.constant 0 : index
    %get3A_122 = arith.constant 0 : index
    %get3A_123 = vector.load %arg13[%get3A_121, %get3A_122] : memref<128x1xf32, #tpu.memory_space<vmem>>, vector<128x1xf32>
    %dot_general3A_124 = arith.constant dense<0.000000e+00> : vector<64x1xf32>
    %dot_general3A_125 = tpu.matmul %add3A_120, %get3A_123, %dot_general3A_124 {dimension_numbers = #tpu.dot_dimension_numbers<[1], [0], [0], [1], [0, 0, 1, 1], [], []>, transpose_lhs_hint = false} : vector<64x128xf32>, vector<128x1xf32>, vector<64x1xf32> -> vector<64x1xf32>
    %get3A_126 = arith.constant 0 : index
    %get3A_127 = arith.constant 0 : index
    %get3A_128 = vector.load %arg14[%get3A_126, %get3A_127] : memref<1x1xf32, #tpu.memory_space<vmem>>, vector<1x1xf32>
    %add3A_129 = vector.broadcast %get3A_128 : vector<1x1xf32> to vector<64x1xf32>
    %add3A_130 = arith.addf %dot_general3A_125, %add3A_129 : vector<64x1xf32>
    %swap3A = arith.constant 0 : index
    %swap3A_131 = arith.constant 0 : index
    %swap3A_132 = vector.load %arg15[%swap3A, %swap3A_131] : memref<64x1xf32, #tpu.memory_space<vmem>>, vector<64x1xf32>
    tpu.vector_store %arg15[%swap3A, %swap3A_131], %add3A_130 {strides = array<i32>} : memref<64x1xf32, #tpu.memory_space<vmem>>, vector<64x1xf32>,
    return
  }
}

module attributes {stable_mosaic.version = 14 : i64} {
  func.func @_tc_c1_body(%arg0: i32, %arg1: memref<2x1000x128xf32, #tpu.memory_space<vmem>>, %arg2: memref<1000x128xf32, #tpu.memory_space<vmem>>, %arg3: memref<1000x16xf32, #tpu.memory_space<vmem>>, %arg4: memref<1x128xf32, #tpu.memory_space<vmem>>, %arg5: memref<1000x1xi32, #tpu.memory_space<vmem>>, %arg6: memref<8x128xf32, #tpu.memory_space<vmem>>, %arg7: memref<64x128xf32, #tpu.memory_space<vmem>>, %arg8: memref<64x128xf32, #tpu.memory_space<vmem>>) attributes {dimension_semantics = [#tpu.dimension_semantics<arbitrary>], iteration_bounds = array<i64: 10>, scalar_prefetch = 0 : i64, scratch_operands = 0 : i64, tpu.core_type = #tpu.core_type<tc>, window_params = [{transform_indices = @transform_0, window_bounds = array<i64: 2, 1000, 128>}, {transform_indices = @transform_1, window_bounds = array<i64: 1000, 128>}, {transform_indices = @transform_2, window_bounds = array<i64: 1000, 16>}, {pipeline_mode = #tpu.pipeline_mode<synchronous>, transform_indices = @transform_3, window_bounds = array<i64: 1, 128>}, {transform_indices = @transform_4, window_bounds = array<i64: 1000, 1>}, {pipeline_mode = #tpu.pipeline_mode<synchronous>, transform_indices = @transform_5, window_bounds = array<i64: 8, 128>}, {pipeline_mode = #tpu.pipeline_mode<synchronous>, transform_indices = @transform_6, window_bounds = array<i64: 64, 128>}, {pipeline_mode = #tpu.pipeline_mode<synchronous>, transform_indices = @transform_7, window_bounds = array<i64: 64, 128>}]} {
    %get3A = arith.constant 0 : index
    %get3A_0 = arith.constant 0 : index
    %get3A_1 = vector.load %arg3[%get3A, %get3A_0] : memref<1000x16xf32, #tpu.memory_space<vmem>>, vector<1000x16xf32>
    %slice3A = vector.extract_strided_slice %get3A_1 {offsets = [0, 0], sizes = [1000, 1], strides = [1, 1]} : vector<1000x16xf32> to vector<1000x1xf32>
    %get3A_2 = arith.constant 0 : index
    %get3A_3 = arith.constant 0 : index
    %get3A_4 = arith.constant 0 : index
    %get3A_5 = vector.load %arg1[%get3A_2, %get3A_3, %get3A_4] : memref<2x1000x128xf32, #tpu.memory_space<vmem>>, vector<1x1000x128xf32>
    %get3A_6 = vector.shape_cast %get3A_5 : vector<1x1000x128xf32> to vector<1000x128xf32>
    %get3A_7 = arith.constant 1 : index
    %get3A_8 = arith.constant 0 : index
    %get3A_9 = arith.constant 0 : index
    %get3A_10 = vector.load %arg1[%get3A_7, %get3A_8, %get3A_9] : memref<2x1000x128xf32, #tpu.memory_space<vmem>>, vector<1x1000x128xf32>
    %get3A_11 = vector.shape_cast %get3A_10 : vector<1x1000x128xf32> to vector<1000x128xf32>
    %add3A = arith.addf %get3A_6, %get3A_11 : vector<1000x128xf32>
    %get3A_12 = arith.constant 0 : index
    %get3A_13 = arith.constant 0 : index
    %get3A_14 = vector.load %arg2[%get3A_12, %get3A_13] : memref<1000x128xf32, #tpu.memory_space<vmem>>, vector<1000x128xf32>
    %add3A_15 = arith.addf %add3A, %get3A_14 : vector<1000x128xf32>
    %mul3A = vector.broadcast %slice3A : vector<1000x1xf32> to vector<1000x128xf32>
    %mul3A_16 = arith.mulf %add3A_15, %mul3A : vector<1000x128xf32>
    %get3A_17 = arith.constant 0 : index
    %get3A_18 = arith.constant 0 : index
    %get3A_19 = vector.load %arg4[%get3A_17, %get3A_18] : memref<1x128xf32, #tpu.memory_space<vmem>>, vector<1x128xf32>
    %add3A_20 = vector.broadcast %get3A_19 : vector<1x128xf32> to vector<1000x128xf32>
    %add3A_21 = arith.addf %mul3A_16, %add3A_20 : vector<1000x128xf32>
    %max3A = arith.constant 0.000000e+00 : f32
    %max3A_22 = vector.broadcast %max3A : f32 to vector<1000x128xf32>
    %max3A_23 = arith.maximumf %add3A_21, %max3A_22 : vector<1000x128xf32>
    %eq3A = arith.constant 0 : i32
    %eq3A_24 = arith.cmpi eq, %arg0, %eq3A : i32
    %convert_element_type3A = arith.extui %eq3A_24 : i1 to i32
    %cond3A = arith.constant 0 : i32
    %cond3A_25 = arith.cmpi ne, %convert_element_type3A, %cond3A : i32
    scf.if %cond3A_25 {
      %broadcast_in_dim3A_71 = arith.constant 0.000000e+00 : f32
      %broadcast_in_dim3A_72 = vector.broadcast %broadcast_in_dim3A_71 : f32 to vector<8x128xf32>
      %swap3A_73 = arith.constant 0 : index
      %swap3A_74 = arith.constant 0 : index
      %swap3A_75 = vector.load %arg6[%swap3A_73, %swap3A_74] : memref<8x128xf32, #tpu.memory_space<vmem>>, vector<8x128xf32>
      tpu.vector_store %arg6[%swap3A_73, %swap3A_74], %broadcast_in_dim3A_72 {strides = array<i32>} : memref<8x128xf32, #tpu.memory_space<vmem>>, vector<8x128xf32>,
      %broadcast_in_dim3A_76 = arith.constant 0.000000e+00 : f32
      %broadcast_in_dim3A_77 = vector.broadcast %broadcast_in_dim3A_76 : f32 to vector<64x128xf32>
      %swap3A_78 = arith.constant 0 : index
      %swap3A_79 = arith.constant 0 : index
      %swap3A_80 = vector.load %arg7[%swap3A_78, %swap3A_79] : memref<64x128xf32, #tpu.memory_space<vmem>>, vector<64x128xf32>
      tpu.vector_store %arg7[%swap3A_78, %swap3A_79], %broadcast_in_dim3A_77 {strides = array<i32>} : memref<64x128xf32, #tpu.memory_space<vmem>>, vector<64x128xf32>,
      %broadcast_in_dim3A_81 = arith.constant 0.000000e+00 : f32
      %broadcast_in_dim3A_82 = vector.broadcast %broadcast_in_dim3A_81 : f32 to vector<64x128xf32>
      %swap3A_83 = arith.constant 0 : index
      %swap3A_84 = arith.constant 0 : index
      %swap3A_85 = vector.load %arg8[%swap3A_83, %swap3A_84] : memref<64x128xf32, #tpu.memory_space<vmem>>, vector<64x128xf32>
      tpu.vector_store %arg8[%swap3A_83, %swap3A_84], %broadcast_in_dim3A_82 {strides = array<i32>} : memref<64x128xf32, #tpu.memory_space<vmem>>, vector<64x128xf32>,
    } else {
    }
    %get3A_26 = arith.constant 0 : index
    %get3A_27 = arith.constant 0 : index
    %get3A_28 = vector.load %arg6[%get3A_26, %get3A_27] : memref<8x128xf32, #tpu.memory_space<vmem>>, vector<1x128xf32>
    %reduce_sum3A = arith.constant dense<0.000000e+00> : vector<128xf32>
    %reduce_sum3A_29 = vector.multi_reduction <add>, %max3A_23, %reduce_sum3A [0] : vector<1000x128xf32> to vector<128xf32>
    %broadcast_in_dim3A = vector.shape_cast %reduce_sum3A_29 : vector<128xf32> to vector<1x128xf32>
    %add3A_30 = arith.addf %get3A_28, %broadcast_in_dim3A : vector<1x128xf32>
    %swap3A = arith.constant 0 : index
    %swap3A_31 = arith.constant 0 : index
    %swap3A_32 = vector.load %arg6[%swap3A, %swap3A_31] : memref<8x128xf32, #tpu.memory_space<vmem>>, vector<1x128xf32>
    tpu.vector_store %arg6[%swap3A, %swap3A_31], %add3A_30 {strides = array<i32>} : memref<8x128xf32, #tpu.memory_space<vmem>>, vector<1x128xf32>,
    %get3A_33 = arith.constant 1 : index
    %get3A_34 = arith.constant 0 : index
    %get3A_35 = vector.load %arg6[%get3A_33, %get3A_34] : memref<8x128xf32, #tpu.memory_space<vmem>>, vector<1x128xf32>
    %mul3A_36 = arith.mulf %max3A_23, %max3A_23 : vector<1000x128xf32>
    %reduce_sum3A_37 = arith.constant dense<0.000000e+00> : vector<128xf32>
    %reduce_sum3A_38 = vector.multi_reduction <add>, %mul3A_36, %reduce_sum3A_37 [0] : vector<1000x128xf32> to vector<128xf32>
    %broadcast_in_dim3A_39 = vector.shape_cast %reduce_sum3A_38 : vector<128xf32> to vector<1x128xf32>
    %add3A_40 = arith.addf %get3A_35, %broadcast_in_dim3A_39 : vector<1x128xf32>
    %swap3A_41 = arith.constant 1 : index
    %swap3A_42 = arith.constant 0 : index
    %swap3A_43 = vector.load %arg6[%swap3A_41, %swap3A_42] : memref<8x128xf32, #tpu.memory_space<vmem>>, vector<1x128xf32>
    tpu.vector_store %arg6[%swap3A_41, %swap3A_42], %add3A_40 {strides = array<i32>} : memref<8x128xf32, #tpu.memory_space<vmem>>, vector<1x128xf32>,
    %iota3A = tpu.iota {dimensions = array<i32: 1>} : vector<1x64xi32>
    %get3A_44 = arith.constant 0 : index
    %get3A_45 = arith.constant 0 : index
    %get3A_46 = vector.load %arg5[%get3A_44, %get3A_45] : memref<1000x1xi32, #tpu.memory_space<vmem>>, vector<1000x1xi32>
    %eq3A_47 = vector.broadcast %get3A_46 : vector<1000x1xi32> to vector<1000x64xi32>
    %eq3A_48 = vector.broadcast %iota3A : vector<1x64xi32> to vector<1000x64xi32>
    %eq3A_49 = arith.cmpi eq, %eq3A_47, %eq3A_48 : vector<1000x64xi32>
    %convert_element_type3A_50 = arith.extui %eq3A_49 : vector<1000x64xi1> to vector<1000x64xi32>
    %convert_element_type3A_51 = arith.sitofp %convert_element_type3A_50 : vector<1000x64xi32> to vector<1000x64xf32>
    %get3A_52 = arith.constant 0 : index
    %get3A_53 = arith.constant 0 : index
    %get3A_54 = vector.load %arg7[%get3A_52, %get3A_53] : memref<64x128xf32, #tpu.memory_space<vmem>>, vector<64x128xf32>
    %dot_general3A = arith.constant dense<0.000000e+00> : vector<64x128xf32>
    %dot_general3A_55 = tpu.matmul %convert_element_type3A_51, %max3A_23, %dot_general3A {dimension_numbers = #tpu.dot_dimension_numbers<[0], [0], [1], [1], [0, 1, 1, 1], [], []>, precision = #tpu.contract_precision<fp32>, transpose_lhs_hint = false} : vector<1000x64xf32>, vector<1000x128xf32>, vector<64x128xf32> -> vector<64x128xf32>
    %add3A_56 = arith.addf %get3A_54, %dot_general3A_55 : vector<64x128xf32>
    %swap3A_57 = arith.constant 0 : index
    %swap3A_58 = arith.constant 0 : index
    %swap3A_59 = vector.load %arg7[%swap3A_57, %swap3A_58] : memref<64x128xf32, #tpu.memory_space<vmem>>, vector<64x128xf32>
    tpu.vector_store %arg7[%swap3A_57, %swap3A_58], %add3A_56 {strides = array<i32>} : memref<64x128xf32, #tpu.memory_space<vmem>>, vector<64x128xf32>,
    %get3A_60 = arith.constant 0 : index
    %get3A_61 = arith.constant 0 : index
    %get3A_62 = vector.load %arg8[%get3A_60, %get3A_61] : memref<64x128xf32, #tpu.memory_space<vmem>>, vector<64x128xf32>
    %broadcast_in_dim3A_63 = arith.constant 1.000000e+00 : f32
    %broadcast_in_dim3A_64 = vector.broadcast %broadcast_in_dim3A_63 : f32 to vector<1000x128xf32>
    %dot_general3A_65 = arith.constant dense<0.000000e+00> : vector<64x128xf32>
    %dot_general3A_66 = tpu.matmul %convert_element_type3A_51, %broadcast_in_dim3A_64, %dot_general3A_65 {dimension_numbers = #tpu.dot_dimension_numbers<[0], [0], [1], [1], [0, 1, 1, 1], [], []>, precision = #tpu.contract_precision<fp32>, transpose_lhs_hint = false} : vector<1000x64xf32>, vector<1000x128xf32>, vector<64x128xf32> -> vector<64x128xf32>
    %add3A_67 = arith.addf %get3A_62, %dot_general3A_66 : vector<64x128xf32>
    %swap3A_68 = arith.constant 0 : index
    %swap3A_69 = arith.constant 0 : index
    %swap3A_70 = vector.load %arg8[%swap3A_68, %swap3A_69] : memref<64x128xf32, #tpu.memory_space<vmem>>, vector<64x128xf32>
    tpu.vector_store %arg8[%swap3A_68, %swap3A_69], %add3A_67 {strides = array<i32>} : memref<64x128xf32, #tpu.memory_space<vmem>>, vector<64x128xf32>,
    return
  }
  func.func @transform_0(%arg0: i32) -> (i32, i32, i32) {
    %c0_i32 = arith.constant 0 : i32
    %c0_i32_0 = arith.constant 0 : i32
    %c0_i32_1 = arith.constant 0 : i32
    return %c0_i32, %arg0, %c0_i32_0 : i32, i32, i32
  }
  func.func @transform_1(%arg0: i32) -> (i32, i32) {
    %c0_i32 = arith.constant 0 : i32
    %c0_i32_0 = arith.constant 0 : i32
    return %arg0, %c0_i32 : i32, i32
  }
  func.func @transform_2(%arg0: i32) -> (i32, i32) {
    %c0_i32 = arith.constant 0 : i32
    %c0_i32_0 = arith.constant 0 : i32
    return %arg0, %c0_i32 : i32, i32
  }
  func.func @transform_3(%arg0: i32) -> (i32, i32) {
    %c0_i32 = arith.constant 0 : i32
    %c0_i32_0 = arith.constant 0 : i32
    %c0_i32_1 = arith.constant 0 : i32
    return %c0_i32, %c0_i32_0 : i32, i32
  }
  func.func @transform_4(%arg0: i32) -> (i32, i32) {
    %c0_i32 = arith.constant 0 : i32
    %c0_i32_0 = arith.constant 0 : i32
    return %arg0, %c0_i32 : i32, i32
  }
  func.func @transform_5(%arg0: i32) -> (i32, i32) {
    %c0_i32 = arith.constant 0 : i32
    %c0_i32_0 = arith.constant 0 : i32
    %c0_i32_1 = arith.constant 0 : i32
    return %c0_i32, %c0_i32_0 : i32, i32
  }
  func.func @transform_6(%arg0: i32) -> (i32, i32) {
    %c0_i32 = arith.constant 0 : i32
    %c0_i32_0 = arith.constant 0 : i32
    %c0_i32_1 = arith.constant 0 : i32
    return %c0_i32, %c0_i32_0 : i32, i32
  }
  func.func @transform_7(%arg0: i32) -> (i32, i32) {
    %c0_i32 = arith.constant 0 : i32
    %c0_i32_0 = arith.constant 0 : i32
    %c0_i32_1 = arith.constant 0 : i32
    return %c0_i32, %c0_i32_0 : i32, i32
  }
}

</mosaic_0001>

<sc_bundles>
// kernel: kernel.10.cloned.1.call-start
scs
__scs_entry_jumppad:
0x0: {  	(pc) =	sbr.rel $0x88, $3  }
0x1: {  	(tag) =	ssettag $0x0;
	lr =	simm.s32 $0x1  }
0x2: {  	[smem:$0x3F8C] =	sst lr;
	_ =	strace $0xD0000000  }
0x3: {  	_ = 	snop  }
0x4: {  	_ = 	snop  }
0x5: {  	_ = 	snop  }
0x6: {  	_ = 	snop  }
0x7: {  	_ = 	snop  }
__scs_overlays_trampoline_lowered:
0x8: {  	[smem:$0x3F9B] =	sst s0  }
0x9: {  	[smem:$0x3F9C] =	sst s1  }
0xa: {  	[smem:$0x3F9D] =	sst s2  }
0xb: {  	[smem:$0x3F9E] =	sst s3  }
0xc: {  	[smem:$0x3F9F] =	sst s4  }
0xd: {  	[smem:$0x3FA0] =	sst s5  }
0xe: {  	[smem:$0x3FA1] =	sst s6  }
0xf: {  	[smem:$0x3FA2] =	sst s7  }
0x10: {  	[smem:$0x3FA3] =	sst s8  }
0x11: {  	[smem:$0x3FA4] =	sst s9;
	s0 =	simm.s32 @!p0 $0x0  }
0x12: {  	s1 =	sld [smem:$0x3F8A];
	s0 =	simm.s32 @p0 $0x1  }
0x13: {  	[smem:$0x3FA5] =	sst s0;
	s0 =	simm.s32 @!p1 $0x0  }
0x14: {  	s2 =	sld [smem:$0x3F89];
	s0 =	simm.s32 @p1 $0x1  }
0x15: {  	[smem:$0x3FA6] =	sst s0;
	s0 =	simm.s32 @!p2 $0x0  }
0x16: {  	s3 =	sld [smem:$0x3FDB];
	s0 =	simm.s32 @p2 $0x1  }
0x17: {  	s4 =	simm.s32 $0x1BF5;
	[smem:$0x3FA8] =	sst s0  }
0x18: {  	s0 =	sld [smem:$0x3F8B];
	_ =	swait.ge [sflag:s4], $0x0  }
0x19: {  	s7 =	sld [smem:$0x3F8C]  }
0x1a: {  	s8 =	sadd.s32 $0xFFFFE003, lr  }
0x1b: {  	s9 =	sadd.s32 $0xFFFFFEF7, lr;
	s5 =	simm.s32 $0xFFFFFFFF;
	p2 =	slt.u32 s8, $0xFFFFF086  }
0x1c: {  	p1 =	slt.u32 s9, $0xF7A;
	s5 =	simm.s32 @!p2 $0x0  }
0x1d: {  	s5 =	simm.s32 @p1 $0x1;
	p0 =	seq.s32 s7, s2  }
0x1e: {  	s7 =	smul.u32 @!p0 $0xF7A, s2;
	p2 =	seq.s32 @!p0 s5, $0x0  }
0x1f: {  	s9 =	smul.u32 $0xF7A, s1;
	s8 =	simm.s32 @!p0 $0x1BF5;
	p2 =	por !p2, p0  }
0x20: {  	[sflag:s8] =	ssyncset.s32 @!p0 $0xFFFFF086;
	s6 =	sadd.s32 @!p0 s3, s7;
	s7 =	simm.s32 @!p0 $0x108  }
0x21: {  	s3 =	sadd.s32 s3, s9;
	s6 =	sadd.s32 @!p0 $0x88, s6;
	s7 =	simm.s32 @p2 $0x1082  }
0x22: {  	[simem:s7], [sflag:s8] =	dma.local @!p0 [hbm:s6], $0xF7A  }
0x23: {  	s9 =	sor.u32 $0xD0000000, s2;
	s6 =	simm.s32 $0x108;
	_ =	swait.ge @!p0 [sflag:s8], $0x0  }
0x24: {  	s3 =	sadd.s32 $0x88, s3;
	s6 =	simm.s32 @!p1 $0x1082;
	[sflag:s4] =	ssyncset.s32 $0xFFFFF086  }
0x25: {  	[simem:s6], [sflag:s4] =	dma.local [hbm:s3], $0xF7A  }
0x26: {  	[smem:$0x3F8C] =	sst s1;
	(tag) =	ssettag s2;
	_ =	strace s9  }
0x27: {  	s1 =	sld [smem:$0x3F9C]  }
0x28: {  	s2 =	sld [smem:$0x3F9D]  }
0x29: {  	s4 =	sld [smem:$0x3F9F]  }
0x2a: {  	p0 =	seq.s32 s5, $0x0;
	s5 =	sld [smem:$0x3FA0]  }
0x2b: {  	s6 =	sld [smem:$0x3FA1]  }
0x2c: {  	s7 =	sld [smem:$0x3FA2]  }
0x2d: {  	s3 =	simm.s32 $0x108;
	s8 =	sld [smem:$0x3FA3]  }
0x2e: {  	s3 =	simm.s32 @!p0 $0x1082;
	s9 =	sld [smem:$0x3FA4]  }
0x2f: {  	lr =	sadd.s32 s0, s3;
	s0 =	sld [smem:$0x3F9B]  }
0x30: {  	s3 =	sld [smem:$0x3F9E]  }
0x31: {  	[smem:$0x3FA7] =	sst s10  }
0x32: {  	s10 =	sld [smem:$0x3FA5];
	_ =	sdelay $0x3  }
0x33: {  	p0 =	seq.s32 s10, $0x1;
	s10 =	sld [smem:$0x3FA7];
	_ =	sdelay $0x3  }
0x34: {  	[smem:$0x3FA7] =	sst s10  }
0x35: {  	s10 =	sld [smem:$0x3FA6];
	_ =	sdelay $0x3  }
0x36: {  	p1 =	seq.s32 s10, $0x1;
	s10 =	sld [smem:$0x3FA7];
	_ =	sdelay $0x3  }
0x37: {  	[smem:$0x3FA7] =	sst s10  }
0x38: {  	s10 =	sld [smem:$0x3FA8]  }
0x39: {  	_ = 	snop;
	(pc) =	sbr.ind lr, $3  }
0x3a: {  	_ = 	snop  }
0x3b: {  	_ = 	snop  }
0x3c: {  	p2 =	seq.s32 s10, $0x1;
	s10 =	sld [smem:$0x3FA7]  }
0x3d: {  	_ =	shalt  }
0x3e: {  	_ =	shalt  }
0x3f: {  	_ =	shalt  }
0x40: {  	_ =	shalt  }
0x41: {  	_ =	shalt  }
0x42: {  	_ =	shalt  }
0x43: {  	_ =	shalt  }
0x44: {  	_ =	shalt  }
0x45: {  	_ =	shalt  }
0x46: {  	_ =	shalt  }
0x47: {  	_ =	shalt  }
0x48: {  	_ =	shalt  }
0x49: {  	_ =	shalt  }
0x4a: {  	_ =	shalt  }
0x4b: {  	_ =	shalt  }
0x4c: {  	_ =	shalt  }
0x4d: {  	_ =	shalt  }
0x4e: {  	_ =	shalt  }
0x4f: {  	_ =	shalt  }
0x50: {  	_ =	shalt  }
0x51: {  	_ =	shalt  }
0x52: {  	_ =	shalt  }
0x53: {  	_ =	shalt  }
0x54: {  	_ =	shalt  }
0x55: {  	_ =	shalt  }
0x56: {  	_ =	shalt  }
0x57: {  	_ =	shalt  }
0x58: {  	_ =	shalt  }
0x59: {  	_ =	shalt  }
0x5a: {  	_ =	shalt  }
0x5b: {  	_ =	shalt  }
0x5c: {  	_ =	shalt  }
0x5d: {  	_ =	shalt  }
0x5e: {  	_ =	shalt  }
0x5f: {  	_ =	shalt  }
0x60: {  	_ =	shalt  }
0x61: {  	_ =	shalt  }
0x62: {  	_ =	shalt  }
0x63: {  	_ =	shalt  }
0x64: {  	_ =	shalt  }
0x65: {  	_ =	shalt  }
0x66: {  	_ =	shalt  }
0x67: {  	_ =	shalt  }
0x68: {  	_ =	shalt  }
0x69: {  	_ =	shalt  }
0x6a: {  	_ =	shalt  }
0x6b: {  	_ =	shalt  }
0x6c: {  	_ =	shalt  }
0x6d: {  	_ =	shalt  }
0x6e: {  	_ =	shalt  }
0x6f: {  	_ =	shalt  }
0x70: {  	_ =	shalt  }
0x71: {  	_ =	shalt  }
0x72: {  	_ =	shalt  }
0x73: {  	_ =	shalt  }
0x74: {  	_ =	shalt  }
0x75: {  	_ =	shalt  }
0x76: {  	_ =	shalt  }
0x77: {  	_ =	shalt  }
0x78: {  	_ =	shalt  }
0x79: {  	_ =	shalt  }
0x7a: {  	_ =	shalt  }
0x7b: {  	_ =	shalt  }
0x7c: {  	_ =	shalt  }
0x7d: {  	_ =	shalt  }
0x7e: {  	_ =	shalt  }
0x7f: {  	_ =	shalt  }
0x80: {  	_ =	shalt  }
0x81: {  	_ =	shalt  }
0x82: {  	_ =	shalt  }
0x83: {  	_ =	shalt  }
0x84: {  	_ =	shalt  }
0x85: {  	_ =	shalt  }
0x86: {  	_ =	shalt  }
0x87: {  	_ =	shalt  }
.Lfunc_end0:
.L_simem_size_0:
called_computation_lowered:
.L_overlay_start_0:
0x88: {  	s2 =	sld [smem:$0x3FD9]  }
0x89: {  	s3 =	sld [smem:$0x3FFE];
	_ =	sdelay $0x1  }
0x8a: {  	s1 =	srdreg.scid  }
0x8b: {  	s0 =	sand.u32 $0x1, s1  }
0x8c: {  	s16 =	sshll.u32 s0, $0xA;
	s2 =	sadd.s32 s3, s2  }
0x8d: {  	s2 =	sadd.s32 s2, s16  }
0x8e: {  	[smem:$0x3FB3] =	sst s2  }
0x8f: {  	_ = 	snop  }
0x90: {  	(tm) =	ssettm $0x1  }
0x91: {  	s17 =	sld [smem:$0x3FFB];
	_ =	sdelay $0x3  }
0x92: {  	_ =	strace s17  }
0x93: {  	s2 =	sld [smem:$0x3FFC];
	_ =	sdelay $0x3  }
0x94: {  	_ =	strace s2  }
0x95: {  	s2 =	sld [smem:$0x3FFD];
	_ =	sdelay $0x3  }
0x96: {  	_ =	strace s2  }
0x97: {  	_ =	strace $0x8FFFFFFF  }
0x98: {  	s18 =	sld [smem:$0x3FDB];
	_ =	sdelay $0x1  }
0x99: {  	s19 =	simm.s32 $_scs_section_size  }
0x9a: {  	s4 =	simm.s32 $_size__tile_overlayer_lowered;
	s5 =	simm.s32 $_tile_overlayer_lowered  }
0x9b: {  	s22 =	simm.s32 $0x1BFF;
	s21 =	sshll.u32 s5, $0x1;
	s2 =	sadd.s32 s19, s18  }
0x9c: {  	s6 =	simm.s32 $0x0;
	s20 =	sshll.u32 s4, $0x1;
	s4 =	sadd.s32 s21, s2  }
0x9d: {  	[timem:s6], [sflag:s22] =	dma.local [hbm:s4], s20  }
0x9e: {  	_ =	swait.ge [sflag:s22], s20  }
0x9f: {  	s3 =	ssub.s32 $0x0, s20;
	[sflag:s22] =	ssyncset.done $0x0  }
0xa0: {  	[sflag:s22] =	ssyncadd.s32 s3;
	_ =	sdelay $0x1  }
0xa1: {  	s23 =	simm.s32 $0x1B8B  }
0xa2: {  	_ =	swait.ge [sflag:s23], $0x1  }
0xa3: {  	[sflag:s23] =	ssyncset.done $0x0  }
0xa4: {  	s25 =	simm.s32 $0x1B8E;
	s24 =	sld [smem:$0x3FFE];
	[sflag:s23] =	ssyncadd.s32 $0xFFFFFFFF  }
0xa5: {  	s26 =	simm.s32 $execute0_lowered;
	[smem:$0x3FD2] =	sst s25  }
0xa6: {  	s4 =	sshll.u32 s26, $0x1;
	_ =	strace $0x80000046;
	[dreg:$0x1] =	wrdreg $0xFFFFFFFF  }
0xa7: {  	s28 =	simm.s32 $_size_execute0_lowered;
	s2 =	sadd.s32 s2, s4;
	[dreg:$0x0] =	wrdreg $0x0  }
0xa8: {  	s4 =	sshll.u32 s28, $0x1;
	[dreg:$0x2] =	wrdreg s2  }
0xa9: {  	[dreg:$0x3] =	wrdreg s4  }
0xaa: {  	[dreg:$0x4] =	wrdreg $0xC0  }
0xab: {  	_ =	task [dreg:s6], $0x5FFFF  }
0xac: {  	[dreg:$0x1] =	wrdreg $0xFFFFFFFF  }
0xad: {  	[dreg:$0x0] =	wrdreg $0x60  }
0xae: {  	[dreg:$0x2] =	wrdreg s24  }
0xaf: {  	[dreg:$0x3] =	wrdreg $0x40800  }
0xb0: {  	[dreg:$0x4] =	wrdreg $0x9  }
0xb1: {  	_ =	task.clear_ibuf [dreg:s6], $0x5FFFF;
	_ =	strace $0x90000046  }
0xb2: {  	s29 =	simm.s32 $0x9;
	_ =	strace $0x80000048  }
0xb3: {  	_ =	swait.ge [sflag:s29], $0x1  }
0xb4: {  	[sflag:s29] =	ssyncadd.s32 $0xFFFFFFFF  }
0xb5: {  	_ =	strace $0x90000048  }
0xb6: {  	_ =	sfence  }
0xb7: {  	s30 =	sld [smem:$0x0];
	_ =	sdelay $0x2  }
0xb8: {  	s31 =	sshll.u32 s1, $0xD;
	s1 =	sshrl.u32 s1, $0x2  }
0xb9: {  	s3 =	sand.u32 $0x4000, s31;
	s1 =	sadd.s32 s1, s30  }
0xba: {  	s0 =	sor.u32 s3, s0;
	s1 =	sshll.u32 s1, $0x11  }
0xbb: {  	s0 =	sor.u32 s1, s0  }
0xbc: {  	s0 =	sadd.s32 $0x8F2B, s0  }
0xbd: {  	[sflag:s0] =	ssyncadd.remote.s32 $0x1  }
0xbe: {  	_ =	sfence.sel $0xFFFF  }
0xbf: {  	[dreg:$0x0] =	wrdreg $0xFFFFFFFF;
	(pc) =	sbr.abs _section_cstart, $3  }
0xc0: {  	[dreg:$0x1] =	wrdreg $0xFFFFFFFF  }
0xc1: {  	_ =	task.clear_ibuf [dreg:s6], $0x2FFFF;
	_ =	strace $0x9FFFFFFF  }
0xc2: {  	(tm) =	ssettm $0x7FFFFFFF  }
0xc3: {  	_ =	shalt  }
tec
execute0_lowered:
.L_overlay_start_1:
0x0: {  	(tag) =	ssettag $0x1  }
0x1: {  	s1 =	srdreg.scid  }
0x2: {  	s5 =	rddreg [dreg:$0x0];
	s0 =	stileid.u32  }
0x3: {  	s2 =	rddreg [dreg:$0x1];
	s3 =	simm.s32 $0x0;
	s15 =	simm.s32 $0x0  }
0x4: {  	s7 =	sand.u32 $0x1, s1;
	s4 =	sshll.u32 s0, $0x8;
	s1 =	rddreg [dreg:$0x2]  }
0x5: {  	[smem:$0x7FF] =	sst s3;
	s30 =	smul.u32 $0xC80, s0;
	p0 =	slt.u32 s0, $0x2  }
0x6: {  	s12 =	smul.u32 $0x19000, s0;
	s14 =	sshll.u32 s0, $0x6;
	s6 =	sshll.u32 s7, $0x7  }
0x7: {  	_ =	strace $0x80000047;
	s8 =	ssub.s32 $0x2, s7;
	s13 =	smul.u32 $0x27100, s7  }
0x8: {  	s14 =	sor.u32 $0x1C01, s14;
	s4 =	sor.u32 s6, s4;
	s11 =	sadd.s32 s30, s5  }
0x9: {  	s9 =	sshrl.u32 s8, $0x1;
	s6 =	simm.s32 $0x4F;
	s31 =	sshrl.u32 s12, $0x2  }
0xa: {  	s12 =	simm.s32 $0x80;
	s4 =	sshrl.u32 s4, $0x3;
	s8 =	ssub.s32 s8, s9  }
0xb: {  	s6 =	simm.s32 @!p0 $0x4E;
	s9 =	sadd.s32 s31, s2;
	s10 =	sadd.s32 s4, s5  }
0xc: {  	s4 =	sadd.s32 $0x3EC00, s5;
	s5 =	simm.s32 $0x4;
	s7 =	smax.u32 s8, $0x1  }
0xd: {  	s8 =	sadd.s32 $0x17A00, s11;
	s11 =	sadd.s32 s13, s11;
	s13 =	simm.s32 $0x1  }
0xe: {  	s5 =	simm.s32 @!p0 $0x3;
	s10 =	sadd.s32 $0xDC00, s10;
	s11 =	sadd.s32 $0x3F400, s11  }
.LBB2_1:
0xf: {  	[tilespmem:s12], [sflag:$0x1] =	stream.linear.gather [hbm4b:s4+s3], $0x4000, $0x38;
	[tilespmem:$0x17900] =	vst v63  }
0x10: {  	p0 =	sne.s32 s5, $0x1;
	_ =	swait.ge [sflag:s13], $0x4000  }
.Ltmp0:
0x11: {  	[sflag:s13] =	ssyncset.done $0x0;
	(pc) =	sbr.rel @!p0 .LBB2_3-.Ltmp0, $4  }
0x12: {  	s16 =	sshrl.u32 s9, $0x3;
	[sflag:s13] =	ssyncadd.s32 $0xFFFFC000  }
0x13: {  	[spmem:s16], [sflag:s14] =	dma.local [hbm:s8], $0xC80  }
0x14: {  	s17 =	sadd.s32 $0xFFFFFFFF, s5;
	_ =	swait.ge [sflag:s13], $0xC80  }
0x15: {  	s18 =	sadd.s32 $0x64000, s9;
	s19 =	smov.u32 s8;
	[sflag:s13] =	ssyncset.done $0x0  }
.LBB2_2:
0x16: {  	s20 =	sshrl.u32 s18, $0x3  }
0x17: {  	[sflag:s13] =	ssyncadd.s32 $0xFFFFF380;
	s19 =	sadd.s32 $0xC800, s19;
	p1 =	sne.s32 s17, $0x1  }
0x18: {  	[spmem:s20], [sflag:s14] =	dma.local [hbm:s19], $0xC80  }
.Ltmp1:
0x19: {  	_ = 	snop;
	(pc) =	sbr.rel @p1 .LBB2_2-.Ltmp1, $4  }
0x1a: {  	_ = 	snop  }
0x1b: {  	s17 =	sadd.s32 $0xFFFFFFFF, s17  }
0x1c: {  	_ =	swait.ge [sflag:s13], $0xC80  }
0x1d: {  	s18 =	sadd.s32 $0x64000, s18;
	[sflag:s13] =	ssyncset.done $0x0  }
.LBB2_3:
0x1e: {  	[sflag:s13] =	ssyncadd.s32 $0xFFFFF380  }
0x1f: {  	[bflag:$0x0] =	sbarrier.arrive $0xFFFF  }
0x20: {  	[tilespmem:s3], [sflag:$0x1] =	stream.linear.gather [hbm4b:s10+s3], $0x80, $0x38;
	[tilespmem:$0x17900] =	vst v63  }
0x21: {  	p1 =	sne.s32 s6, $0x1;
	_ =	swait.ge [sflag:s13], $0x80  }
.Ltmp2:
0x22: {  	[sflag:s13] =	ssyncset.done $0x0;
	(pc) =	sbr.rel @!p1 .LBB2_5-.Ltmp2, $4  }
0x23: {  	[sflag:s13] =	ssyncadd.s32 $0xFFFFFF80  }
0x24: {  	[spmem:s2] =	stream.indirect.scatter.add.f32 [tilespmem:s12], [sflag:$0x1], $0x80, s3, s12, $0xb8;
	[tilespmem:$0x17900] =	vst v63  }
0x25: {  	_ =	swait.ge [sflag:s13], $0x4000  }
0x26: {  	s17 =	sadd.s32 $0xFFFFFFFF, s6;
	s18 =	smov.u32 s10;
	[sflag:s13] =	ssyncset.done $0x0  }
.LBB2_4:
0x27: {  	p1 =	sne.s32 s17, $0x1;
	[sflag:s13] =	ssyncadd.s32 $0xFFFFC000;
	s18 =	sadd.s32 $0x200, s18  }
0x28: {  	[tilespmem:s3], [sflag:$0x1] =	stream.linear.gather [hbm4b:s18+s3], $0x80, $0x38;
	[tilespmem:$0x17900] =	vst v63  }
0x29: {  	s17 =	sadd.s32 $0xFFFFFFFF, s17;
	_ =	swait.ge [sflag:s13], $0x80  }
.Ltmp3:
0x2a: {  	[sflag:s13] =	ssyncset.done $0x0;
	(pc) =	sbr.rel @p1 .LBB2_4-.Ltmp3, $4  }
0x2b: {  	[sflag:s13] =	ssyncadd.s32 $0xFFFFFF80  }
0x2c: {  	[spmem:s2] =	stream.indirect.scatter.add.f32 [tilespmem:s12], [sflag:$0x1], $0x80, s3, s12, $0xb8;
	[tilespmem:$0x17900] =	vst v63  }
0x2d: {  	_ =	swait.ge [sflag:s13], $0x4000  }
0x2e: {  	[sflag:s13] =	ssyncset.done $0x0  }
.LBB2_5:
.Ltmp4:
0x2f: {  	[sflag:s13] =	ssyncadd.s32 $0xFFFFC000;
	(pc) =	sbr.rel @!p0 .LBB2_7-.Ltmp4, $4  }
0x30: {  	[bflag:$0x0] =	sbarrier.arrive $0xFFFF  }
0x31: {  	[hbm:s11], [sflag:s14] =	dma.local [spmem:s16], $0xC80  }
0x32: {  	s17 =	sadd.s32 $0x64000, s9;
	_ =	swait.ge [sflag:s13], $0xC80  }
0x33: {  	s18 =	smov.u32 s11;
	s16 =	sadd.s32 $0xFFFFFFFF, s5;
	[sflag:s13] =	ssyncset.done $0x0  }
.LBB2_6:
0x34: {  	s19 =	sshrl.u32 s17, $0x3  }
0x35: {  	[sflag:s13] =	ssyncadd.s32 $0xFFFFF380;
	s18 =	sadd.s32 $0xC800, s18;
	p0 =	sne.s32 s16, $0x1  }
0x36: {  	[hbm:s18], [sflag:s14] =	dma.local [spmem:s19], $0xC80  }
.Ltmp5:
0x37: {  	_ = 	snop;
	(pc) =	sbr.rel @p0 .LBB2_6-.Ltmp5, $4  }
0x38: {  	_ = 	snop  }
0x39: {  	s16 =	sadd.s32 $0xFFFFFFFF, s16  }
0x3a: {  	_ =	swait.ge [sflag:s13], $0xC80  }
0x3b: {  	s17 =	sadd.s32 $0x64000, s17;
	[sflag:s13] =	ssyncset.done $0x0  }
.LBB2_7:
0x3c: {  	s15 =	sadd.s32 $0x1, s15  }
0x3d: {  	p0 =	sne.s32 s15, s7  }
.Ltmp6:
0x3e: {  	_ = 	snop;
	(pc) =	sbr.rel @p0 .LBB2_1-.Ltmp6, $2  }
0x3f: {  	_ =	sdelay $0x2  }
0x40: {  	[sflag:s13] =	ssyncadd.s32 $0xFFFFF380  }
0x41: {  	_ =	sfence.sel $0x180000  }
0x42: {  	[bflag:$0x0] =	sbarrier.arrive $0xFFFF  }
0x43: {  	p0 =	sne.s32 s0, $0x0;
	_ =	strace $0x90000047  }
0x44: {  	s0 =	sadd.s32 @!p0 $0x100000, s1;
	[bflag:$0x2] =	sbarrier.arrive $0xFFFF  }
0x45: {  	[sflag:s0] =	ssyncadd.tile.s32 @!p0 $0x1;
	_ =	shalt  }
.Lfunc_end2:
_tile_overlayer_lowered:
.L_overlay_start_2:
0x46: {  	(tag) =	ssettag $0x2  }
0x47: {  	s0 =	rddreg [dreg:$0x0];
	s2 =	stileid.u32  }
0x48: {  	s1 =	rddreg [dreg:$0x1];
	p0 =	sne.s32 s2, $0x0  }
0x49: {  	s3 =	rddreg [dreg:$0x2];
	[bflag:$0x3] =	sbarrier.arrive $0xFFFF;
	s2 =	simm.s32 @!p0 $0x1C01  }
0x4a: {  	[timem:s3], [sflag:s2] =	dma.local @!p0 [hbm:s0], s1  }
0x4b: {  	s0 =	simm.s32 @!p0 $0x1  }
0x4c: {  	_ =	swait.ge @!p0 [sflag:s0], s1  }
0x4d: {  	s1 =	ssub.s32 @!p0 $0x0, s1;
	[sflag:s0] =	ssyncset.done @!p0 $0x0  }
0x4e: {  	[sflag:s0] =	ssyncadd.s32 @!p0 s1  }
0x4f: {  	[bflag:$0x3] =	sbarrier.arrive $0xFFFF  }
0x50: {  	_ =	shalt  }

// kernel: kernel.13.cloned.1.call-start
scs
__scs_entry_jumppad:
0x0: {  	(pc) =	sbr.rel $0x88, $3  }
0x1: {  	(tag) =	ssettag $0x0;
	lr =	simm.s32 $0x1  }
0x2: {  	[smem:$0x3F8C] =	sst lr;
	_ =	strace $0xD0000000  }
0x3: {  	_ = 	snop  }
0x4: {  	_ = 	snop  }
0x5: {  	_ = 	snop  }
0x6: {  	_ = 	snop  }
0x7: {  	_ = 	snop  }
__scs_overlays_trampoline_lowered:
0x8: {  	[smem:$0x3F9B] =	sst s0  }
0x9: {  	[smem:$0x3F9C] =	sst s1  }
0xa: {  	[smem:$0x3F9D] =	sst s2  }
0xb: {  	[smem:$0x3F9E] =	sst s3  }
0xc: {  	[smem:$0x3F9F] =	sst s4  }
0xd: {  	[smem:$0x3FA0] =	sst s5  }
0xe: {  	[smem:$0x3FA1] =	sst s6  }
0xf: {  	[smem:$0x3FA2] =	sst s7  }
0x10: {  	[smem:$0x3FA3] =	sst s8  }
0x11: {  	[smem:$0x3FA4] =	sst s9;
	s0 =	simm.s32 @!p0 $0x0  }
0x12: {  	s1 =	sld [smem:$0x3F8A];
	s0 =	simm.s32 @p0 $0x1  }
0x13: {  	[smem:$0x3FA5] =	sst s0;
	s0 =	simm.s32 @!p1 $0x0  }
0x14: {  	s2 =	sld [smem:$0x3F89];
	s0 =	simm.s32 @p1 $0x1  }
0x15: {  	[smem:$0x3FA6] =	sst s0;
	s0 =	simm.s32 @!p2 $0x0  }
0x16: {  	s3 =	sld [smem:$0x3FDB];
	s0 =	simm.s32 @p2 $0x1  }
0x17: {  	s4 =	simm.s32 $0x1BF5;
	[smem:$0x3FA8] =	sst s0  }
0x18: {  	s0 =	sld [smem:$0x3F8B];
	_ =	swait.ge [sflag:s4], $0x0  }
0x19: {  	s7 =	sld [smem:$0x3F8C]  }
0x1a: {  	s8 =	sadd.s32 $0xFFFFE003, lr  }
0x1b: {  	s9 =	sadd.s32 $0xFFFFFEF7, lr;
	s5 =	simm.s32 $0xFFFFFFFF;
	p2 =	slt.u32 s8, $0xFFFFF086  }
0x1c: {  	p1 =	slt.u32 s9, $0xF7A;
	s5 =	simm.s32 @!p2 $0x0  }
0x1d: {  	s5 =	simm.s32 @p1 $0x1;
	p0 =	seq.s32 s7, s2  }
0x1e: {  	s7 =	smul.u32 @!p0 $0xF7A, s2;
	p2 =	seq.s32 @!p0 s5, $0x0  }
0x1f: {  	s9 =	smul.u32 $0xF7A, s1;
	s8 =	simm.s32 @!p0 $0x1BF5;
	p2 =	por !p2, p0  }
0x20: {  	[sflag:s8] =	ssyncset.s32 @!p0 $0xFFFFF086;
	s6 =	sadd.s32 @!p0 s3, s7;
	s7 =	simm.s32 @!p0 $0x108  }
0x21: {  	s3 =	sadd.s32 s3, s9;
	s6 =	sadd.s32 @!p0 $0x88, s6;
	s7 =	simm.s32 @p2 $0x1082  }
0x22: {  	[simem:s7], [sflag:s8] =	dma.local @!p0 [hbm:s6], $0xF7A  }
0x23: {  	s9 =	sor.u32 $0xD0000000, s2;
	s6 =	simm.s32 $0x108;
	_ =	swait.ge @!p0 [sflag:s8], $0x0  }
0x24: {  	s3 =	sadd.s32 $0x88, s3;
	s6 =	simm.s32 @!p1 $0x1082;
	[sflag:s4] =	ssyncset.s32 $0xFFFFF086  }
0x25: {  	[simem:s6], [sflag:s4] =	dma.local [hbm:s3], $0xF7A  }
0x26: {  	[smem:$0x3F8C] =	sst s1;
	(tag) =	ssettag s2;
	_ =	strace s9  }
0x27: {  	s1 =	sld [smem:$0x3F9C]  }
0x28: {  	s2 =	sld [smem:$0x3F9D]  }
0x29: {  	s4 =	sld [smem:$0x3F9F]  }
0x2a: {  	p0 =	seq.s32 s5, $0x0;
	s5 =	sld [smem:$0x3FA0]  }
0x2b: {  	s6 =	sld [smem:$0x3FA1]  }
0x2c: {  	s7 =	sld [smem:$0x3FA2]  }
0x2d: {  	s3 =	simm.s32 $0x108;
	s8 =	sld [smem:$0x3FA3]  }
0x2e: {  	s3 =	simm.s32 @!p0 $0x1082;
	s9 =	sld [smem:$0x3FA4]  }
0x2f: {  	lr =	sadd.s32 s0, s3;
	s0 =	sld [smem:$0x3F9B]  }
0x30: {  	s3 =	sld [smem:$0x3F9E]  }
0x31: {  	[smem:$0x3FA7] =	sst s10  }
0x32: {  	s10 =	sld [smem:$0x3FA5];
	_ =	sdelay $0x3  }
0x33: {  	p0 =	seq.s32 s10, $0x1;
	s10 =	sld [smem:$0x3FA7];
	_ =	sdelay $0x3  }
0x34: {  	[smem:$0x3FA7] =	sst s10  }
0x35: {  	s10 =	sld [smem:$0x3FA6];
	_ =	sdelay $0x3  }
0x36: {  	p1 =	seq.s32 s10, $0x1;
	s10 =	sld [smem:$0x3FA7];
	_ =	sdelay $0x3  }
0x37: {  	[smem:$0x3FA7] =	sst s10  }
0x38: {  	s10 =	sld [smem:$0x3FA8]  }
0x39: {  	_ = 	snop;
	(pc) =	sbr.ind lr, $3  }
0x3a: {  	_ = 	snop  }
0x3b: {  	_ = 	snop  }
0x3c: {  	p2 =	seq.s32 s10, $0x1;
	s10 =	sld [smem:$0x3FA7]  }
0x3d: {  	_ =	shalt  }
0x3e: {  	_ =	shalt  }
0x3f: {  	_ =	shalt  }
0x40: {  	_ =	shalt  }
0x41: {  	_ =	shalt  }
0x42: {  	_ =	shalt  }
0x43: {  	_ =	shalt  }
0x44: {  	_ =	shalt  }
0x45: {  	_ =	shalt  }
0x46: {  	_ =	shalt  }
0x47: {  	_ =	shalt  }
0x48: {  	_ =	shalt  }
0x49: {  	_ =	shalt  }
0x4a: {  	_ =	shalt  }
0x4b: {  	_ =	shalt  }
0x4c: {  	_ =	shalt  }
0x4d: {  	_ =	shalt  }
0x4e: {  	_ =	shalt  }
0x4f: {  	_ =	shalt  }
0x50: {  	_ =	shalt  }
0x51: {  	_ =	shalt  }
0x52: {  	_ =	shalt  }
0x53: {  	_ =	shalt  }
0x54: {  	_ =	shalt  }
0x55: {  	_ =	shalt  }
0x56: {  	_ =	shalt  }
0x57: {  	_ =	shalt  }
0x58: {  	_ =	shalt  }
0x59: {  	_ =	shalt  }
0x5a: {  	_ =	shalt  }
0x5b: {  	_ =	shalt  }
0x5c: {  	_ =	shalt  }
0x5d: {  	_ =	shalt  }
0x5e: {  	_ =	shalt  }
0x5f: {  	_ =	shalt  }
0x60: {  	_ =	shalt  }
0x61: {  	_ =	shalt  }
0x62: {  	_ =	shalt  }
0x63: {  	_ =	shalt  }
0x64: {  	_ =	shalt  }
0x65: {  	_ =	shalt  }
0x66: {  	_ =	shalt  }
0x67: {  	_ =	shalt  }
0x68: {  	_ =	shalt  }
0x69: {  	_ =	shalt  }
0x6a: {  	_ =	shalt  }
0x6b: {  	_ =	shalt  }
0x6c: {  	_ =	shalt  }
0x6d: {  	_ =	shalt  }
0x6e: {  	_ =	shalt  }
0x6f: {  	_ =	shalt  }
0x70: {  	_ =	shalt  }
0x71: {  	_ =	shalt  }
0x72: {  	_ =	shalt  }
0x73: {  	_ =	shalt  }
0x74: {  	_ =	shalt  }
0x75: {  	_ =	shalt  }
0x76: {  	_ =	shalt  }
0x77: {  	_ =	shalt  }
0x78: {  	_ =	shalt  }
0x79: {  	_ =	shalt  }
0x7a: {  	_ =	shalt  }
0x7b: {  	_ =	shalt  }
0x7c: {  	_ =	shalt  }
0x7d: {  	_ =	shalt  }
0x7e: {  	_ =	shalt  }
0x7f: {  	_ =	shalt  }
0x80: {  	_ =	shalt  }
0x81: {  	_ =	shalt  }
0x82: {  	_ =	shalt  }
0x83: {  	_ =	shalt  }
0x84: {  	_ =	shalt  }
0x85: {  	_ =	shalt  }
0x86: {  	_ =	shalt  }
0x87: {  	_ =	shalt  }
.Lfunc_end0:
.L_simem_size_0:
called_computation.1_lowered:
.L_overlay_start_0:
0x88: {  	s2 =	sld [smem:$0x3FD9]  }
0x89: {  	s3 =	sld [smem:$0x3FFE];
	_ =	sdelay $0x1  }
0x8a: {  	s1 =	srdreg.scid  }
0x8b: {  	s0 =	sand.u32 $0x1, s1  }
0x8c: {  	s16 =	sshll.u32 s0, $0xA;
	s2 =	sadd.s32 s3, s2  }
0x8d: {  	s2 =	sadd.s32 s2, s16  }
0x8e: {  	[smem:$0x3FB3] =	sst s2  }
0x8f: {  	_ = 	snop  }
0x90: {  	(tm) =	ssettm $0x1  }
0x91: {  	s17 =	sld [smem:$0x3FFB];
	_ =	sdelay $0x3  }
0x92: {  	_ =	strace s17  }
0x93: {  	s2 =	sld [smem:$0x3FFC];
	_ =	sdelay $0x3  }
0x94: {  	_ =	strace s2  }
0x95: {  	s2 =	sld [smem:$0x3FFD];
	_ =	sdelay $0x3  }
0x96: {  	_ =	strace s2  }
0x97: {  	_ =	strace $0x8FFFFFFF  }
0x98: {  	s18 =	sld [smem:$0x3FDB];
	_ =	sdelay $0x1  }
0x99: {  	s19 =	simm.s32 $_scs_section_size  }
0x9a: {  	s4 =	simm.s32 $_size__tile_overlayer_lowered;
	s5 =	simm.s32 $_tile_overlayer_lowered  }
0x9b: {  	s22 =	simm.s32 $0x1BFF;
	s21 =	sshll.u32 s5, $0x1;
	s2 =	sadd.s32 s19, s18  }
0x9c: {  	s6 =	simm.s32 $0x0;
	s20 =	sshll.u32 s4, $0x1;
	s4 =	sadd.s32 s21, s2  }
0x9d: {  	[timem:s6], [sflag:s22] =	dma.local [hbm:s4], s20  }
0x9e: {  	_ =	swait.ge [sflag:s22], s20  }
0x9f: {  	s3 =	ssub.s32 $0x0, s20;
	[sflag:s22] =	ssyncset.done $0x0  }
0xa0: {  	[sflag:s22] =	ssyncadd.s32 s3;
	_ =	sdelay $0x1  }
0xa1: {  	s23 =	simm.s32 $0x1B8B  }
0xa2: {  	_ =	swait.ge [sflag:s23], $0x1  }
0xa3: {  	[sflag:s23] =	ssyncset.done $0x0  }
0xa4: {  	s25 =	simm.s32 $0x1B8E;
	s24 =	sld [smem:$0x3FFE];
	[sflag:s23] =	ssyncadd.s32 $0xFFFFFFFF  }
0xa5: {  	s26 =	simm.s32 $execute0_lowered;
	[smem:$0x3FD2] =	sst s25  }
0xa6: {  	s4 =	sshll.u32 s26, $0x1;
	_ =	strace $0x80000049;
	[dreg:$0x1] =	wrdreg $0xFFFFFFFF  }
0xa7: {  	s28 =	simm.s32 $_size_execute0_lowered;
	s2 =	sadd.s32 s2, s4;
	[dreg:$0x0] =	wrdreg $0x0  }
0xa8: {  	s4 =	sshll.u32 s28, $0x1;
	[dreg:$0x2] =	wrdreg s2  }
0xa9: {  	[dreg:$0x3] =	wrdreg s4  }
0xaa: {  	[dreg:$0x4] =	wrdreg $0xC0  }
0xab: {  	_ =	task [dreg:s6], $0x5FFFF  }
0xac: {  	[dreg:$0x1] =	wrdreg $0xFFFFFFFF  }
0xad: {  	[dreg:$0x0] =	wrdreg $0x60  }
0xae: {  	[dreg:$0x2] =	wrdreg s24  }
0xaf: {  	[dreg:$0x3] =	wrdreg $0xC3000  }
0xb0: {  	[dreg:$0x4] =	wrdreg $0x9  }
0xb1: {  	_ =	task.clear_ibuf [dreg:s6], $0x5FFFF;
	_ =	strace $0x90000049  }
0xb2: {  	s29 =	simm.s32 $0x9;
	_ =	strace $0x8000004B  }
0xb3: {  	_ =	swait.ge [sflag:s29], $0x1  }
0xb4: {  	[sflag:s29] =	ssyncadd.s32 $0xFFFFFFFF  }
0xb5: {  	_ =	strace $0x9000004B  }
0xb6: {  	_ =	sfence  }
0xb7: {  	s30 =	sld [smem:$0x0];
	_ =	sdelay $0x2  }
0xb8: {  	s31 =	sshll.u32 s1, $0xD;
	s1 =	sshrl.u32 s1, $0x2  }
0xb9: {  	s3 =	sand.u32 $0x4000, s31;
	s1 =	sadd.s32 s1, s30  }
0xba: {  	s0 =	sor.u32 s3, s0;
	s1 =	sshll.u32 s1, $0x11  }
0xbb: {  	s0 =	sor.u32 s1, s0  }
0xbc: {  	s0 =	sadd.s32 $0x8F2B, s0  }
0xbd: {  	[sflag:s0] =	ssyncadd.remote.s32 $0x1  }
0xbe: {  	_ =	sfence.sel $0xFFFF  }
0xbf: {  	[dreg:$0x0] =	wrdreg $0xFFFFFFFF;
	(pc) =	sbr.abs _section_cstart, $3  }
0xc0: {  	[dreg:$0x1] =	wrdreg $0xFFFFFFFF  }
0xc1: {  	_ =	task.clear_ibuf [dreg:s6], $0x2FFFF;
	_ =	strace $0x9FFFFFFF  }
0xc2: {  	(tm) =	ssettm $0x7FFFFFFF  }
0xc3: {  	_ =	shalt  }
tec
execute0_lowered:
.L_overlay_start_1:
0x0: {  	(tag) =	ssettag $0x1  }
0x1: {  	s0 =	rddreg [dreg:$0x0]  }
0x2: {  	s1 =	rddreg [dreg:$0x1];
	s3 =	simm.s32 $0x0  }
0x3: {  	s2 =	srdreg.scid;
	s19 =	stileid.u32;
	s28 =	simm.s32 $0x300  }
0x4: {  	s29 =	simm.s32 $0x200;
	s30 =	simm.s32 $0x4300;
	s31 =	simm.s32 $0x100  }
0x5: {  	[smem:$0x7FF] =	sst s3;
	s2 =	sand.u32 $0x1, s2;
	s5 =	smul.u32 $0xC80, s19  }
0x6: {  	s4 =	sadd.s32 $0x3EC00, s0;
	s7 =	sadd.s32 $0x3E00, s0;
	s9 =	sadd.s32 $0xDC00, s0  }
0x7: {  	p0 =	slt.u32 s19, $0x2;
	s10 =	sshll.u32 s19, $0x5;
	s23 =	smul.u32 $0x19000, s19  }
0x8: {  	_ =	strace $0x8000004A;
	s6 =	ssub.s32 $0x2, s2;
	s11 =	sshll.u32 s2, $0x4  }
0x9: {  	s2 =	smul.u32 $0x27100, s2;
	s8 =	sshrl.u32 s6, $0x1;
	s0 =	sadd.s32 s5, s0  }
0xa: {  	s5 =	simm.s32 $0x4;
	s12 =	sor.u32 s11, s10;
	s26 =	sshrl.u32 s23, $0x2  }
0xb: {  	s8 =	ssub.s32 s6, s8;
	s6 =	simm.s32 $0x4;
	s13 =	sadd.s32 s7, s12  }
0xc: {  	s15 =	sor.u32 $0x200, s12;
	s14 =	sadd.s32 s9, s12;
	s17 =	sor.u32 $0x400, s12  }
0xd: {  	s20 =	sor.u32 $0x9C00, s12;
	s22 =	sor.u32 $0xA00, s12;
	s12 =	sor.u32 $0x800, s12  }
0xe: {  	s25 =	sadd.s32 $0x17A00, s0;
	s0 =	sadd.s32 s2, s0;
	[dreg:$0x3] =	wrdreg s13  }
0xf: {  	s2 =	simm.s32 $0x8300;
	s6 =	simm.s32 @!p0 $0x3;
	[dreg:$0x4] =	wrdreg s14  }
0x10: {  	s16 =	sadd.s32 s7, s15;
	s13 =	sadd.s32 s9, s15;
	[dreg:$0xc] =	wrdreg s25  }
0x11: {  	s18 =	sadd.s32 s7, s17;
	s14 =	sadd.s32 s9, s17;
	[dreg:$0x5] =	wrdreg s16  }
0x12: {  	s21 =	sadd.s32 s7, s20;
	s15 =	sadd.s32 s22, s7;
	[dreg:$0x6] =	wrdreg s13  }
0x13: {  	s17 =	sadd.s32 s12, s7;
	s7 =	sadd.s32 s10, s7;
	[dreg:$0x7] =	wrdreg s18  }
0x14: {  	s8 =	smax.u32 s8, $0x1;
	s0 =	sadd.s32 $0x65E00, s0;
	[dreg:$0x8] =	wrdreg s14  }
0x15: {  	s25 =	simm.s32 $0x180;
	p0 =	sgt.u32 s19, $0x1;
	[dreg:$0x9] =	wrdreg s21  }
0x16: {  	s13 =	sadd.s32 s9, s20;
	s16 =	sadd.s32 s22, s9;
	s18 =	sadd.s32 s12, s9  }
0x17: {  	s9 =	sadd.s32 s10, s9;
	[dreg:$0xb] =	wrdreg s8;
	s7 =	sadd.s32 s11, s7  }
0x18: {  	s20 =	sadd.s32 s26, s1;
	[dreg:$0xd] =	wrdreg s0;
	s26 =	simm.s32 $0x80  }
0x19: {  	s0 =	simm.s32 $0x280;
	s8 =	simm.s32 $0x2;
	s10 =	simm.s32 $0x0  }
0x1a: {  	[dreg:$0xa] =	wrdreg s13;
	s24 =	sadd.s32 s11, s9;
	s23 =	sadd.s32 $0x600, s7  }
0x1b: {  	s7 =	simm.s32 $0x1;
	s9 =	simm.s32 $0x3;
	s22 =	sadd.s32 $0x600, s24  }
.LBB2_1:
0x1c: {  	p1 =	sne.s32 s6, $0x1  }
.Ltmp0:
0x1d: {  	s11 =	stileid.u32;
	(pc) =	sbr.rel @!p1 .LBB2_3-.Ltmp0, $4  }
0x1e: {  	s12 =	sshrl.u32 s20, $0x3;
	s13 =	sshll.u32 s11, $0x6  }
0x1f: {  	s19 =	rddreg [dreg:$0xc];
	s14 =	sadd.s32 $0xFFFFFFFF, s6;
	s11 =	sor.u32 $0x1C04, s13  }
0x20: {  	[spmem:s12], [sflag:s11] =	dma.local [hbm:s19], $0xC80  }
0x21: {  	s21 =	smov.u32 s20;
	s19 =	sadd.s32 $0xC800, s19;
	_ =	swait.ge [sflag:s5], $0xC80  }
.LBB2_2:
0x22: {  	[sflag:s5] =	ssyncset.done $0x0  }
0x23: {  	s21 =	sadd.s32 $0x64000, s21;
	s11 =	sor.u32 $0x1C04, s13;
	p2 =	sne.s32 s14, $0x1  }
.Ltmp1:
0x24: {  	s24 =	sshrl.u32 s21, $0x3;
	[sflag:s5] =	ssyncadd.s32 $0xFFFFF380;
	(pc) =	sbr.rel @p2 .LBB2_2-.Ltmp1, $3  }
0x25: {  	[spmem:s24], [sflag:s11] =	dma.local [hbm:s19], $0xC80  }
0x26: {  	s14 =	sadd.s32 $0xFFFFFFFF, s14;
	_ =	sdelay $0x1  }
0x27: {  	s19 =	sadd.s32 $0xC800, s19;
	_ =	swait.ge [sflag:s5], $0xC80  }
.LBB2_3:
0x28: {  	[sflag:s5] =	ssyncset.done $0x0  }
0x29: {  	[sflag:s5] =	ssyncadd.s32 $0xFFFFF380  }
0x2a: {  	[bflag:$0x0] =	sbarrier.arrive $0xFFFF  }
0x2b: {  	s13 =	simm.s32 $0x0;
	s14 =	rddreg [dreg:$0x3]  }
0x2c: {  	[tilespmem:s13], [sflag:$0x4] =	stream.linear.gather [hbm4b:s14+s13], $0x80, $0x38;
	[tilespmem:$0x1FB80] =	vst v63  }
0x2d: {  	_ =	swait.ge [sflag:s5], $0x80  }
0x2e: {  	[sflag:s5] =	ssyncset.done $0x0  }
0x2f: {  	s24 =	rddreg [dreg:$0x4];
	[sflag:s5] =	ssyncadd.s32 $0xFFFFFF80  }
0x30: {  	[tilespmem:s25], [sflag:$0x4] =	stream.linear.gather [hbm4b:s24+s13], $0x80, $0x38;
	[tilespmem:$0x1FB80] =	vst v63  }
0x31: {  	_ =	swait.ge [sflag:s5], $0x80  }
0x32: {  	[sflag:s5] =	ssyncset.done $0x0  }
0x33: {  	[sflag:s5] =	ssyncadd.s32 $0xFFFFFF80  }
0x34: {  	[tilespmem:s28], [sflag:$0x1] =	stream.indirect.gather [hbm4b:s4+s26], $0x80, s13, s26, $0xb8;
	[tilespmem:$0x1FB80] =	vst v63  }
0x35: {  	s19 =	rddreg [dreg:$0x5]  }
0x36: {  	[tilespmem:s26], [sflag:$0x4] =	stream.linear.gather [hbm4b:s19+s13], $0x80, $0x38;
	[tilespmem:$0x1FB80] =	vst v63  }
0x37: {  	_ =	swait.ge [sflag:s5], $0x80  }
0x38: {  	[sflag:s5] =	ssyncset.done $0x0  }
0x39: {  	s21 =	rddreg [dreg:$0x6];
	[sflag:s5] =	ssyncadd.s32 $0xFFFFFF80  }
0x3a: {  	[tilespmem:s29], [sflag:$0x4] =	stream.linear.gather [hbm4b:s21+s13], $0x80, $0x38;
	[tilespmem:$0x1FB80] =	vst v63  }
0x3b: {  	_ =	swait.ge [sflag:s5], $0x80  }
0x3c: {  	[sflag:s5] =	ssyncset.done $0x0  }
0x3d: {  	[sflag:s5] =	ssyncadd.s32 $0xFFFFFF80  }
0x3e: {  	[tilespmem:s30], [sflag:$0x2] =	stream.indirect.gather [hbm4b:s4+s26], $0x80, s26, s26, $0xb8;
	[tilespmem:$0x1FB80] =	vst v63  }
0x3f: {  	s24 =	rddreg [dreg:$0x7]  }
0x40: {  	[tilespmem:s31], [sflag:$0x4] =	stream.linear.gather [hbm4b:s24+s13], $0x80, $0x38;
	[tilespmem:$0x1FB80] =	vst v63  }
0x41: {  	_ =	swait.ge [sflag:s5], $0x80  }
0x42: {  	[sflag:s5] =	ssyncset.done $0x0  }
0x43: {  	s19 =	rddreg [dreg:$0x8];
	[sflag:s5] =	ssyncadd.s32 $0xFFFFFF80  }
0x44: {  	[tilespmem:s0], [sflag:$0x4] =	stream.linear.gather [hbm4b:s19+s13], $0x80, $0x38;
	[tilespmem:$0x1FB80] =	vst v63  }
0x45: {  	_ =	swait.ge [sflag:s5], $0x80  }
0x46: {  	[sflag:s5] =	ssyncset.done $0x0  }
0x47: {  	[sflag:s5] =	ssyncadd.s32 $0xFFFFFF80  }
0x48: {  	[tilespmem:s2], [sflag:$0x3] =	stream.indirect.gather [hbm4b:s4+s26], $0x80, s31, s26, $0xb8;
	[tilespmem:$0x1FB80] =	vst v63  }
0x49: {  	_ =	swait.ge [sflag:s7], $0x4000  }
0x4a: {  	[sflag:s7] =	ssyncset.done $0x0  }
0x4b: {  	[sflag:s7] =	ssyncadd.s32 $0xFFFFC000  }
0x4c: {  	[spmem:s1] =	stream.indirect.scatter.add.f32 [tilespmem:s28], [sflag:$0x4], $0x80, s25, s26, $0xb8;
	[tilespmem:$0x1FB80] =	vst v63  }
0x4d: {  	_ =	swait.ge [sflag:s5], $0x4000  }
0x4e: {  	[sflag:s5] =	ssyncset.done $0x0  }
0x4f: {  	s21 =	sadd.s32 $0x0, s23;
	[sflag:s5] =	ssyncadd.s32 $0xFFFFC000  }
0x50: {  	[tilespmem:s3], [sflag:$0x4] =	stream.linear.gather [hbm4b:s21+s3], $0x80, $0x38;
	[tilespmem:$0x1FB80] =	vst v63  }
0x51: {  	_ =	swait.ge [sflag:s5], $0x80  }
0x52: {  	[sflag:s5] =	ssyncset.done $0x0  }
0x53: {  	s24 =	sadd.s32 $0x0, s22;
	[sflag:s5] =	ssyncadd.s32 $0xFFFFFF80  }
0x54: {  	[tilespmem:s25], [sflag:$0x4] =	stream.linear.gather [hbm4b:s24+s3], $0x80, $0x38;
	[tilespmem:$0x1FB80] =	vst v63  }
0x55: {  	_ =	swait.ge [sflag:s5], $0x80  }
0x56: {  	[sflag:s5] =	ssyncset.done $0x0  }
0x57: {  	[sflag:s5] =	ssyncadd.s32 $0xFFFFFF80  }
0x58: {  	[tilespmem:s28], [sflag:$0x1] =	stream.indirect.gather [hbm4b:s4+s26], $0x80, s3, s26, $0xb8;
	[tilespmem:$0x1FB80] =	vst v63  }
0x59: {  	_ =	swait.ge [sflag:s8], $0x4000  }
0x5a: {  	[sflag:s8] =	ssyncset.done $0x0  }
0x5b: {  	[sflag:s8] =	ssyncadd.s32 $0xFFFFC000  }
0x5c: {  	[spmem:s1] =	stream.indirect.scatter.add.f32 [tilespmem:s30], [sflag:$0x4], $0x80, s29, s26, $0xb8;
	[tilespmem:$0x1FB80] =	vst v63  }
0x5d: {  	_ =	swait.ge [sflag:s5], $0x4000  }
0x5e: {  	[sflag:s5] =	ssyncset.done $0x0  }
0x5f: {  	s14 =	sadd.s32 $0x0, s17;
	[sflag:s5] =	ssyncadd.s32 $0xFFFFC000  }
0x60: {  	[tilespmem:s26], [sflag:$0x4] =	stream.linear.gather [hbm4b:s14+s3], $0x80, $0x38;
	[tilespmem:$0x1FB80] =	vst v63  }
0x61: {  	_ =	swait.ge [sflag:s5], $0x80  }
0x62: {  	[sflag:s5] =	ssyncset.done $0x0  }
0x63: {  	s19 =	sadd.s32 $0x0, s18;
	[sflag:s5] =	ssyncadd.s32 $0xFFFFFF80  }
0x64: {  	[tilespmem:s29], [sflag:$0x4] =	stream.linear.gather [hbm4b:s19+s3], $0x80, $0x38;
	[tilespmem:$0x1FB80] =	vst v63  }
0x65: {  	_ =	swait.ge [sflag:s5], $0x80  }
0x66: {  	[sflag:s5] =	ssyncset.done $0x0  }
0x67: {  	[sflag:s5] =	ssyncadd.s32 $0xFFFFFF80  }
0x68: {  	[tilespmem:s30], [sflag:$0x2] =	stream.indirect.gather [hbm4b:s4+s26], $0x80, s26, s26, $0xb8;
	[tilespmem:$0x1FB80] =	vst v63  }
0x69: {  	_ =	swait.ge [sflag:s9], $0x4000  }
0x6a: {  	[sflag:s9] =	ssyncset.done $0x0  }
0x6b: {  	[sflag:s9] =	ssyncadd.s32 $0xFFFFC000  }
0x6c: {  	[spmem:s1] =	stream.indirect.scatter.add.f32 [tilespmem:s2], [sflag:$0x4], $0x80, s0, s26, $0xb8;
	[tilespmem:$0x1FB80] =	vst v63  }
0x6d: {  	_ =	swait.ge [sflag:s5], $0x4000  }
0x6e: {  	[sflag:s5] =	ssyncset.done $0x0  }
0x6f: {  	s21 =	sadd.s32 $0x0, s15;
	[sflag:s5] =	ssyncadd.s32 $0xFFFFC000  }
0x70: {  	[tilespmem:s31], [sflag:$0x4] =	stream.linear.gather [hbm4b:s21+s3], $0x80, $0x38;
	[tilespmem:$0x1FB80] =	vst v63  }
0x71: {  	_ =	swait.ge [sflag:s5], $0x80  }
0x72: {  	[sflag:s5] =	ssyncset.done $0x0  }
0x73: {  	s24 =	sadd.s32 $0x0, s16;
	[sflag:s5] =	ssyncadd.s32 $0xFFFFFF80  }
0x74: {  	[tilespmem:s0], [sflag:$0x4] =	stream.linear.gather [hbm4b:s24+s3], $0x80, $0x38;
	[tilespmem:$0x1FB80] =	vst v63  }
0x75: {  	_ =	swait.ge [sflag:s5], $0x80  }
0x76: {  	[sflag:s5] =	ssyncset.done $0x0  }
0x77: {  	s13 =	simm.s32 $0x600;
	[sflag:s5] =	ssyncadd.s32 $0xFFFFFF80  }
.LBB2_4:
0x78: {  	[tilespmem:s2], [sflag:$0x3] =	stream.indirect.gather [hbm4b:s4+s26], $0x80, s31, s26, $0xb8;
	[tilespmem:$0x1FB80] =	vst v63  }
0x79: {  	s14 =	smov.u32 s13  }
0x7a: {  	p2 =	sne.s32 s13, $0x9000;
	s13 =	sadd.s32 $0x600, s13;
	_ =	swait.ge [sflag:s7], $0x4000  }
0x7b: {  	[sflag:s7] =	ssyncset.done $0x0  }
0x7c: {  	[sflag:s7] =	ssyncadd.s32 $0xFFFFC000  }
0x7d: {  	[spmem:s1] =	stream.indirect.scatter.add.f32 [tilespmem:s28], [sflag:$0x4], $0x80, s25, s26, $0xb8;
	[tilespmem:$0x1FB80] =	vst v63  }
0x7e: {  	_ =	swait.ge [sflag:s5], $0x4000  }
0x7f: {  	[sflag:s5] =	ssyncset.done $0x0  }
0x80: {  	s19 =	sadd.s32 s14, s23;
	[sflag:s5] =	ssyncadd.s32 $0xFFFFC000  }
0x81: {  	[tilespmem:s3], [sflag:$0x4] =	stream.linear.gather [hbm4b:s19+s3], $0x80, $0x38;
	[tilespmem:$0x1FB80] =	vst v63  }
0x82: {  	_ =	swait.ge [sflag:s5], $0x80  }
0x83: {  	[sflag:s5] =	ssyncset.done $0x0  }
0x84: {  	s19 =	sadd.s32 s14, s22;
	[sflag:s5] =	ssyncadd.s32 $0xFFFFFF80  }
0x85: {  	[tilespmem:s25], [sflag:$0x4] =	stream.linear.gather [hbm4b:s19+s3], $0x80, $0x38;
	[tilespmem:$0x1FB80] =	vst v63  }
0x86: {  	_ =	swait.ge [sflag:s5], $0x80  }
0x87: {  	[sflag:s5] =	ssyncset.done $0x0  }
0x88: {  	[sflag:s5] =	ssyncadd.s32 $0xFFFFFF80  }
0x89: {  	[tilespmem:s28], [sflag:$0x1] =	stream.indirect.gather [hbm4b:s4+s26], $0x80, s3, s26, $0xb8;
	[tilespmem:$0x1FB80] =	vst v63  }
0x8a: {  	_ =	swait.ge [sflag:s8], $0x4000  }
0x8b: {  	[sflag:s8] =	ssyncset.done $0x0  }
0x8c: {  	[sflag:s8] =	ssyncadd.s32 $0xFFFFC000  }
0x8d: {  	[spmem:s1] =	stream.indirect.scatter.add.f32 [tilespmem:s30], [sflag:$0x4], $0x80, s29, s26, $0xb8;
	[tilespmem:$0x1FB80] =	vst v63  }
0x8e: {  	_ =	swait.ge [sflag:s5], $0x4000  }
0x8f: {  	[sflag:s5] =	ssyncset.done $0x0  }
0x90: {  	s19 =	sadd.s32 s14, s17;
	[sflag:s5] =	ssyncadd.s32 $0xFFFFC000  }
0x91: {  	[tilespmem:s26], [sflag:$0x4] =	stream.linear.gather [hbm4b:s19+s3], $0x80, $0x38;
	[tilespmem:$0x1FB80] =	vst v63  }
0x92: {  	_ =	swait.ge [sflag:s5], $0x80  }
0x93: {  	[sflag:s5] =	ssyncset.done $0x0  }
0x94: {  	s19 =	sadd.s32 s14, s18;
	[sflag:s5] =	ssyncadd.s32 $0xFFFFFF80  }
0x95: {  	[tilespmem:s29], [sflag:$0x4] =	stream.linear.gather [hbm4b:s19+s3], $0x80, $0x38;
	[tilespmem:$0x1FB80] =	vst v63  }
0x96: {  	_ =	swait.ge [sflag:s5], $0x80  }
0x97: {  	[sflag:s5] =	ssyncset.done $0x0  }
0x98: {  	[sflag:s5] =	ssyncadd.s32 $0xFFFFFF80  }
0x99: {  	[tilespmem:s30], [sflag:$0x2] =	stream.indirect.gather [hbm4b:s4+s26], $0x80, s26, s26, $0xb8;
	[tilespmem:$0x1FB80] =	vst v63  }
0x9a: {  	_ =	swait.ge [sflag:s9], $0x4000  }
0x9b: {  	[sflag:s9] =	ssyncset.done $0x0  }
0x9c: {  	[sflag:s9] =	ssyncadd.s32 $0xFFFFC000  }
0x9d: {  	[spmem:s1] =	stream.indirect.scatter.add.f32 [tilespmem:s2], [sflag:$0x4], $0x80, s0, s26, $0xb8;
	[tilespmem:$0x1FB80] =	vst v63  }
0x9e: {  	_ =	swait.ge [sflag:s5], $0x4000  }
0x9f: {  	[sflag:s5] =	ssyncset.done $0x0  }
0xa0: {  	s19 =	sadd.s32 s14, s15;
	[sflag:s5] =	ssyncadd.s32 $0xFFFFC000  }
0xa1: {  	[tilespmem:s31], [sflag:$0x4] =	stream.linear.gather [hbm4b:s19+s3], $0x80, $0x38;
	[tilespmem:$0x1FB80] =	vst v63  }
0xa2: {  	_ =	swait.ge [sflag:s5], $0x80  }
0xa3: {  	[sflag:s5] =	ssyncset.done $0x0  }
.Ltmp2:
0xa4: {  	s14 =	sadd.s32 s14, s16;
	[sflag:s5] =	ssyncadd.s32 $0xFFFFFF80;
	(pc) =	sbr.rel @p2 .LBB2_4-.Ltmp2, $4  }
0xa5: {  	[tilespmem:s0], [sflag:$0x4] =	stream.linear.gather [hbm4b:s14+s3], $0x80, $0x38;
	[tilespmem:$0x1FB80] =	vst v63  }
0xa6: {  	_ =	swait.ge [sflag:s5], $0x80  }
0xa7: {  	[sflag:s5] =	ssyncset.done $0x0  }
0xa8: {  	[sflag:s5] =	ssyncadd.s32 $0xFFFFFF80  }
0xa9: {  	[tilespmem:s2], [sflag:$0x3] =	stream.indirect.gather [hbm4b:s4+s26], $0x80, s31, s26, $0xb8;
	[tilespmem:$0x1FB80] =	vst v63  }
0xaa: {  	_ =	swait.ge [sflag:s7], $0x4000  }
0xab: {  	[sflag:s7] =	ssyncset.done $0x0  }
0xac: {  	[sflag:s7] =	ssyncadd.s32 $0xFFFFC000  }
0xad: {  	[spmem:s1] =	stream.indirect.scatter.add.f32 [tilespmem:s28], [sflag:$0x4], $0x80, s25, s26, $0xb8;
	[tilespmem:$0x1FB80] =	vst v63  }
0xae: {  	_ =	swait.ge [sflag:s5], $0x4000  }
0xaf: {  	[sflag:s5] =	ssyncset.done $0x0  }
0xb0: {  	[sflag:s5] =	ssyncadd.s32 $0xFFFFC000  }
0xb1: {  	_ =	swait.ge [sflag:s8], $0x4000  }
0xb2: {  	[sflag:s8] =	ssyncset.done $0x0  }
0xb3: {  	[sflag:s8] =	ssyncadd.s32 $0xFFFFC000  }
0xb4: {  	[spmem:s1] =	stream.indirect.scatter.add.f32 [tilespmem:s30], [sflag:$0x4], $0x80, s29, s26, $0xb8;
	[tilespmem:$0x1FB80] =	vst v63  }
0xb5: {  	_ =	swait.ge [sflag:s5], $0x4000  }
0xb6: {  	[sflag:s5] =	ssyncset.done $0x0  }
0xb7: {  	[sflag:s5] =	ssyncadd.s32 $0xFFFFC000  }
0xb8: {  	_ =	swait.ge [sflag:s9], $0x4000  }
0xb9: {  	[sflag:s9] =	ssyncset.done $0x0  }
0xba: {  	[sflag:s9] =	ssyncadd.s32 $0xFFFFC000  }
0xbb: {  	[spmem:s1] =	stream.indirect.scatter.add.f32 [tilespmem:s2], [sflag:$0x4], $0x80, s0, s26, $0xb8;
	[tilespmem:$0x1FB80] =	vst v63  }
0xbc: {  	_ =	swait.ge [sflag:s5], $0x4000  }
0xbd: {  	[sflag:s5] =	ssyncset.done $0x0  }
0xbe: {  	s13 =	simm.s32 @!p0 $0x0;
	s14 =	rddreg [dreg:$0x9];
	[sflag:s5] =	ssyncadd.s32 $0xFFFFC000  }
0xbf: {  	[tilespmem:s13], [sflag:$0x4] =	stream.linear.gather @!p0 [hbm4b:s14+s13], $0x80, $0x38;
	[tilespmem:$0x1FB80] =	vst v63  }
0xc0: {  	s14 =	simm.s32 @!p0 $0x4  }
0xc1: {  	_ =	swait.ge @!p0 [sflag:s14], $0x80  }
0xc2: {  	[sflag:s14] =	ssyncset.done @!p0 $0x0  }
0xc3: {  	s19 =	simm.s32 @!p0 $0x180;
	s21 =	rddreg [dreg:$0xa];
	[sflag:s14] =	ssyncadd.s32 @!p0 $0xFFFFFF80  }
0xc4: {  	[tilespmem:s19], [sflag:$0x4] =	stream.linear.gather @!p0 [hbm4b:s21+s13], $0x80, $0x38;
	[tilespmem:$0x1FB80] =	vst v63  }
0xc5: {  	_ =	swait.ge @!p0 [sflag:s14], $0x80  }
0xc6: {  	[sflag:s14] =	ssyncset.done @!p0 $0x0  }
0xc7: {  	s24 =	simm.s32 @!p0 $0x300;
	s21 =	simm.s32 @!p0 $0x80;
	[sflag:s14] =	ssyncadd.s32 @!p0 $0xFFFFFF80  }
0xc8: {  	[tilespmem:s24], [sflag:$0x1] =	stream.indirect.gather @!p0 [hbm4b:s4+s21], $0x80, s13, s21, $0xb8;
	[tilespmem:$0x1FB80] =	vst v63  }
0xc9: {  	s13 =	simm.s32 @!p0 $0x1  }
0xca: {  	_ =	swait.ge @!p0 [sflag:s13], $0x4000  }
0xcb: {  	[sflag:s13] =	ssyncset.done @!p0 $0x0  }
0xcc: {  	[sflag:s13] =	ssyncadd.s32 @!p0 $0xFFFFC000  }
0xcd: {  	[spmem:s1] =	stream.indirect.scatter.add.f32 @!p0 [tilespmem:s24], [sflag:$0x4], $0x80, s19, s21, $0xb8;
	[tilespmem:$0x1FB80] =	vst v63  }
0xce: {  	_ =	swait.ge @!p0 [sflag:s14], $0x4000  }
0xcf: {  	[sflag:s14] =	ssyncset.done @!p0 $0x0  }
0xd0: {  	[sflag:s14] =	ssyncadd.s32 @!p0 $0xFFFFC000  }
.Ltmp3:
0xd1: {  	[bflag:$0x0] =	sbarrier.arrive $0xFFFF;
	(pc) =	sbr.rel @!p1 .LBB2_7-.Ltmp3, $4  }
0xd2: {  	s14 =	rddreg [dreg:$0xd]  }
0xd3: {  	[hbm:s14], [sflag:s11] =	dma.local [spmem:s12], $0xC80  }
0xd4: {  	_ =	swait.ge [sflag:s5], $0xC80  }
0xd5: {  	s13 =	sadd.s32 $0x64000, s20;
	s12 =	sadd.s32 $0xFFFFFFFF, s6;
	[sflag:s5] =	ssyncset.done $0x0  }
.LBB2_6:
0xd6: {  	s19 =	sshrl.u32 s13, $0x3  }
0xd7: {  	[sflag:s5] =	ssyncadd.s32 $0xFFFFF380;
	s14 =	sadd.s32 $0xC800, s14;
	p1 =	sne.s32 s12, $0x1  }
0xd8: {  	[hbm:s14], [sflag:s11] =	dma.local [spmem:s19], $0xC80  }
.Ltmp4:
0xd9: {  	_ = 	snop;
	(pc) =	sbr.rel @p1 .LBB2_6-.Ltmp4, $4  }
0xda: {  	_ = 	snop  }
0xdb: {  	s12 =	sadd.s32 $0xFFFFFFFF, s12  }
0xdc: {  	_ =	swait.ge [sflag:s5], $0xC80  }
0xdd: {  	s13 =	sadd.s32 $0x64000, s13;
	[sflag:s5] =	ssyncset.done $0x0  }
.LBB2_7:
0xde: {  	s10 =	sadd.s32 $0x1, s10;
	s11 =	rddreg [dreg:$0xb]  }
0xdf: {  	p1 =	sne.s32 s10, s11  }
.Ltmp5:
0xe0: {  	_ = 	snop;
	(pc) =	sbr.rel @p1 .LBB2_1-.Ltmp5, $2  }
0xe1: {  	_ =	sdelay $0x2  }
0xe2: {  	[sflag:s5] =	ssyncadd.s32 $0xFFFFF380  }
0xe3: {  	_ =	sfence.sel $0x180000  }
0xe4: {  	[bflag:$0x0] =	sbarrier.arrive $0xFFFF  }
0xe5: {  	_ =	strace $0x9000004A  }
0xe6: {  	s0 =	stileid.u32;
	[bflag:$0x2] =	sbarrier.arrive $0xFFFF  }
0xe7: {  	p0 =	sne.s32 s0, $0x0;
	s0 =	rddreg [dreg:$0x2]  }
0xe8: {  	s0 =	sadd.s32 @!p0 $0x100000, s0  }
0xe9: {  	[sflag:s0] =	ssyncadd.tile.s32 @!p0 $0x1;
	_ =	shalt  }
.Lfunc_end2:
_tile_overlayer_lowered:
.L_overlay_start_2:
0xea: {  	(tag) =	ssettag $0x2  }
0xeb: {  	s0 =	rddreg [dreg:$0x0];
	s2 =	stileid.u32  }
0xec: {  	s1 =	rddreg [dreg:$0x1];
	p0 =	sne.s32 s2, $0x0  }
0xed: {  	s3 =	rddreg [dreg:$0x2];
	[bflag:$0x3] =	sbarrier.arrive $0xFFFF;
	s2 =	simm.s32 @!p0 $0x1C04  }
0xee: {  	[timem:s3], [sflag:s2] =	dma.local @!p0 [hbm:s0], s1  }
0xef: {  	s0 =	simm.s32 @!p0 $0x4  }
0xf0: {  	_ =	swait.ge @!p0 [sflag:s0], s1  }
0xf1: {  	s1 =	ssub.s32 @!p0 $0x0, s1;
	[sflag:s0] =	ssyncset.done @!p0 $0x0  }
0xf2: {  	[sflag:s0] =	ssyncadd.s32 @!p0 s1  }
0xf3: {  	[bflag:$0x3] =	sbarrier.arrive $0xFFFF  }
0xf4: {  	_ =	shalt  }

// kernel: kernel.16.cloned.1.call-start
scs
__scs_entry_jumppad:
0x0: {  	(pc) =	sbr.rel $0x88, $3  }
0x1: {  	(tag) =	ssettag $0x0;
	lr =	simm.s32 $0x1  }
0x2: {  	[smem:$0x3F8C] =	sst lr;
	_ =	strace $0xD0000000  }
0x3: {  	_ = 	snop  }
0x4: {  	_ = 	snop  }
0x5: {  	_ = 	snop  }
0x6: {  	_ = 	snop  }
0x7: {  	_ = 	snop  }
__scs_overlays_trampoline_lowered:
0x8: {  	[smem:$0x3F9B] =	sst s0  }
0x9: {  	[smem:$0x3F9C] =	sst s1  }
0xa: {  	[smem:$0x3F9D] =	sst s2  }
0xb: {  	[smem:$0x3F9E] =	sst s3  }
0xc: {  	[smem:$0x3F9F] =	sst s4  }
0xd: {  	[smem:$0x3FA0] =	sst s5  }
0xe: {  	[smem:$0x3FA1] =	sst s6  }
0xf: {  	[smem:$0x3FA2] =	sst s7  }
0x10: {  	[smem:$0x3FA3] =	sst s8  }
0x11: {  	[smem:$0x3FA4] =	sst s9;
	s0 =	simm.s32 @!p0 $0x0  }
0x12: {  	s1 =	sld [smem:$0x3F8A];
	s0 =	simm.s32 @p0 $0x1  }
0x13: {  	[smem:$0x3FA5] =	sst s0;
	s0 =	simm.s32 @!p1 $0x0  }
0x14: {  	s2 =	sld [smem:$0x3F89];
	s0 =	simm.s32 @p1 $0x1  }
0x15: {  	[smem:$0x3FA6] =	sst s0;
	s0 =	simm.s32 @!p2 $0x0  }
0x16: {  	s3 =	sld [smem:$0x3FDB];
	s0 =	simm.s32 @p2 $0x1  }
0x17: {  	s4 =	simm.s32 $0x1BF5;
	[smem:$0x3FA8] =	sst s0  }
0x18: {  	s0 =	sld [smem:$0x3F8B];
	_ =	swait.ge [sflag:s4], $0x0  }
0x19: {  	s7 =	sld [smem:$0x3F8C]  }
0x1a: {  	s8 =	sadd.s32 $0xFFFFE003, lr  }
0x1b: {  	s9 =	sadd.s32 $0xFFFFFEF7, lr;
	s5 =	simm.s32 $0xFFFFFFFF;
	p2 =	slt.u32 s8, $0xFFFFF086  }
0x1c: {  	p1 =	slt.u32 s9, $0xF7A;
	s5 =	simm.s32 @!p2 $0x0  }
0x1d: {  	s5 =	simm.s32 @p1 $0x1;
	p0 =	seq.s32 s7, s2  }
0x1e: {  	s7 =	smul.u32 @!p0 $0xF7A, s2;
	p2 =	seq.s32 @!p0 s5, $0x0  }
0x1f: {  	s9 =	smul.u32 $0xF7A, s1;
	s8 =	simm.s32 @!p0 $0x1BF5;
	p2 =	por !p2, p0  }
0x20: {  	[sflag:s8] =	ssyncset.s32 @!p0 $0xFFFFF086;
	s6 =	sadd.s32 @!p0 s3, s7;
	s7 =	simm.s32 @!p0 $0x108  }
0x21: {  	s3 =	sadd.s32 s3, s9;
	s6 =	sadd.s32 @!p0 $0x88, s6;
	s7 =	simm.s32 @p2 $0x1082  }
0x22: {  	[simem:s7], [sflag:s8] =	dma.local @!p0 [hbm:s6], $0xF7A  }
0x23: {  	s9 =	sor.u32 $0xD0000000, s2;
	s6 =	simm.s32 $0x108;
	_ =	swait.ge @!p0 [sflag:s8], $0x0  }
0x24: {  	s3 =	sadd.s32 $0x88, s3;
	s6 =	simm.s32 @!p1 $0x1082;
	[sflag:s4] =	ssyncset.s32 $0xFFFFF086  }
0x25: {  	[simem:s6], [sflag:s4] =	dma.local [hbm:s3], $0xF7A  }
0x26: {  	[smem:$0x3F8C] =	sst s1;
	(tag) =	ssettag s2;
	_ =	strace s9  }
0x27: {  	s1 =	sld [smem:$0x3F9C]  }
0x28: {  	s2 =	sld [smem:$0x3F9D]  }
0x29: {  	s4 =	sld [smem:$0x3F9F]  }
0x2a: {  	p0 =	seq.s32 s5, $0x0;
	s5 =	sld [smem:$0x3FA0]  }
0x2b: {  	s6 =	sld [smem:$0x3FA1]  }
0x2c: {  	s7 =	sld [smem:$0x3FA2]  }
0x2d: {  	s3 =	simm.s32 $0x108;
	s8 =	sld [smem:$0x3FA3]  }
0x2e: {  	s3 =	simm.s32 @!p0 $0x1082;
	s9 =	sld [smem:$0x3FA4]  }
0x2f: {  	lr =	sadd.s32 s0, s3;
	s0 =	sld [smem:$0x3F9B]  }
0x30: {  	s3 =	sld [smem:$0x3F9E]  }
0x31: {  	[smem:$0x3FA7] =	sst s10  }
0x32: {  	s10 =	sld [smem:$0x3FA5];
	_ =	sdelay $0x3  }
0x33: {  	p0 =	seq.s32 s10, $0x1;
	s10 =	sld [smem:$0x3FA7];
	_ =	sdelay $0x3  }
0x34: {  	[smem:$0x3FA7] =	sst s10  }
0x35: {  	s10 =	sld [smem:$0x3FA6];
	_ =	sdelay $0x3  }
0x36: {  	p1 =	seq.s32 s10, $0x1;
	s10 =	sld [smem:$0x3FA7];
	_ =	sdelay $0x3  }
0x37: {  	[smem:$0x3FA7] =	sst s10  }
0x38: {  	s10 =	sld [smem:$0x3FA8]  }
0x39: {  	_ = 	snop;
	(pc) =	sbr.ind lr, $3  }
0x3a: {  	_ = 	snop  }
0x3b: {  	_ = 	snop  }
0x3c: {  	p2 =	seq.s32 s10, $0x1;
	s10 =	sld [smem:$0x3FA7]  }
0x3d: {  	_ =	shalt  }
0x3e: {  	_ =	shalt  }
0x3f: {  	_ =	shalt  }
0x40: {  	_ =	shalt  }
0x41: {  	_ =	shalt  }
0x42: {  	_ =	shalt  }
0x43: {  	_ =	shalt  }
0x44: {  	_ =	shalt  }
0x45: {  	_ =	shalt  }
0x46: {  	_ =	shalt  }
0x47: {  	_ =	shalt  }
0x48: {  	_ =	shalt  }
0x49: {  	_ =	shalt  }
0x4a: {  	_ =	shalt  }
0x4b: {  	_ =	shalt  }
0x4c: {  	_ =	shalt  }
0x4d: {  	_ =	shalt  }
0x4e: {  	_ =	shalt  }
0x4f: {  	_ =	shalt  }
0x50: {  	_ =	shalt  }
0x51: {  	_ =	shalt  }
0x52: {  	_ =	shalt  }
0x53: {  	_ =	shalt  }
0x54: {  	_ =	shalt  }
0x55: {  	_ =	shalt  }
0x56: {  	_ =	shalt  }
0x57: {  	_ =	shalt  }
0x58: {  	_ =	shalt  }
0x59: {  	_ =	shalt  }
0x5a: {  	_ =	shalt  }
0x5b: {  	_ =	shalt  }
0x5c: {  	_ =	shalt  }
0x5d: {  	_ =	shalt  }
0x5e: {  	_ =	shalt  }
0x5f: {  	_ =	shalt  }
0x60: {  	_ =	shalt  }
0x61: {  	_ =	shalt  }
0x62: {  	_ =	shalt  }
0x63: {  	_ =	shalt  }
0x64: {  	_ =	shalt  }
0x65: {  	_ =	shalt  }
0x66: {  	_ =	shalt  }
0x67: {  	_ =	shalt  }
0x68: {  	_ =	shalt  }
0x69: {  	_ =	shalt  }
0x6a: {  	_ =	shalt  }
0x6b: {  	_ =	shalt  }
0x6c: {  	_ =	shalt  }
0x6d: {  	_ =	shalt  }
0x6e: {  	_ =	shalt  }
0x6f: {  	_ =	shalt  }
0x70: {  	_ =	shalt  }
0x71: {  	_ =	shalt  }
0x72: {  	_ =	shalt  }
0x73: {  	_ =	shalt  }
0x74: {  	_ =	shalt  }
0x75: {  	_ =	shalt  }
0x76: {  	_ =	shalt  }
0x77: {  	_ =	shalt  }
0x78: {  	_ =	shalt  }
0x79: {  	_ =	shalt  }
0x7a: {  	_ =	shalt  }
0x7b: {  	_ =	shalt  }
0x7c: {  	_ =	shalt  }
0x7d: {  	_ =	shalt  }
0x7e: {  	_ =	shalt  }
0x7f: {  	_ =	shalt  }
0x80: {  	_ =	shalt  }
0x81: {  	_ =	shalt  }
0x82: {  	_ =	shalt  }
0x83: {  	_ =	shalt  }
0x84: {  	_ =	shalt  }
0x85: {  	_ =	shalt  }
0x86: {  	_ =	shalt  }
0x87: {  	_ =	shalt  }
.Lfunc_end0:
.L_simem_size_0:
called_computation.2_lowered:
.L_overlay_start_0:
0x88: {  	s2 =	sld [smem:$0x3FD9]  }
0x89: {  	s3 =	sld [smem:$0x3FFE];
	_ =	sdelay $0x1  }
0x8a: {  	s1 =	srdreg.scid  }
0x8b: {  	s0 =	sand.u32 $0x1, s1  }
0x8c: {  	s16 =	sshll.u32 s0, $0xA;
	s2 =	sadd.s32 s3, s2  }
0x8d: {  	s2 =	sadd.s32 s2, s16  }
0x8e: {  	[smem:$0x3FB3] =	sst s2  }
0x8f: {  	_ = 	snop  }
0x90: {  	(tm) =	ssettm $0x1  }
0x91: {  	s17 =	sld [smem:$0x3FFB];
	_ =	sdelay $0x3  }
0x92: {  	_ =	strace s17  }
0x93: {  	s2 =	sld [smem:$0x3FFC];
	_ =	sdelay $0x3  }
0x94: {  	_ =	strace s2  }
0x95: {  	s2 =	sld [smem:$0x3FFD];
	_ =	sdelay $0x3  }
0x96: {  	_ =	strace s2  }
0x97: {  	_ =	strace $0x8FFFFFFF  }
0x98: {  	s18 =	sld [smem:$0x3FDB];
	_ =	sdelay $0x1  }
0x99: {  	s19 =	simm.s32 $_scs_section_size  }
0x9a: {  	s4 =	simm.s32 $_size__tile_overlayer_lowered;
	s5 =	simm.s32 $_tile_overlayer_lowered  }
0x9b: {  	s22 =	simm.s32 $0x1BFF;
	s21 =	sshll.u32 s5, $0x1;
	s2 =	sadd.s32 s19, s18  }
0x9c: {  	s6 =	simm.s32 $0x0;
	s20 =	sshll.u32 s4, $0x1;
	s4 =	sadd.s32 s21, s2  }
0x9d: {  	[timem:s6], [sflag:s22] =	dma.local [hbm:s4], s20  }
0x9e: {  	_ =	swait.ge [sflag:s22], s20  }
0x9f: {  	s3 =	ssub.s32 $0x0, s20;
	[sflag:s22] =	ssyncset.done $0x0  }
0xa0: {  	[sflag:s22] =	ssyncadd.s32 s3;
	_ =	sdelay $0x1  }
0xa1: {  	s23 =	simm.s32 $0x1B8B  }
0xa2: {  	_ =	swait.ge [sflag:s23], $0x1  }
0xa3: {  	[sflag:s23] =	ssyncset.done $0x0  }
0xa4: {  	s25 =	simm.s32 $0x1B8E;
	s24 =	sld [smem:$0x3FFE];
	[sflag:s23] =	ssyncadd.s32 $0xFFFFFFFF  }
0xa5: {  	s26 =	simm.s32 $execute0_lowered;
	[smem:$0x3FD2] =	sst s25  }
0xa6: {  	s4 =	sshll.u32 s26, $0x1;
	_ =	strace $0x8000004C;
	[dreg:$0x1] =	wrdreg $0xFFFFFFFF  }
0xa7: {  	s28 =	simm.s32 $_size_execute0_lowered;
	s2 =	sadd.s32 s2, s4;
	[dreg:$0x0] =	wrdreg $0x0  }
0xa8: {  	s4 =	sshll.u32 s28, $0x1;
	[dreg:$0x2] =	wrdreg s2  }
0xa9: {  	[dreg:$0x3] =	wrdreg s4  }
0xaa: {  	[dreg:$0x4] =	wrdreg $0xC0  }
0xab: {  	_ =	task [dreg:s6], $0x5FFFF  }
0xac: {  	[dreg:$0x1] =	wrdreg $0xFFFFFFFF  }
0xad: {  	[dreg:$0x0] =	wrdreg $0x60  }
0xae: {  	[dreg:$0x2] =	wrdreg s24  }
0xaf: {  	[dreg:$0x3] =	wrdreg $0xC3000  }
0xb0: {  	[dreg:$0x4] =	wrdreg $0x9  }
0xb1: {  	_ =	task.clear_ibuf [dreg:s6], $0x5FFFF;
	_ =	strace $0x9000004C  }
0xb2: {  	s29 =	simm.s32 $0x9;
	_ =	strace $0x8000004E  }
0xb3: {  	_ =	swait.ge [sflag:s29], $0x1  }
0xb4: {  	[sflag:s29] =	ssyncadd.s32 $0xFFFFFFFF  }
0xb5: {  	_ =	strace $0x9000004E  }
0xb6: {  	_ =	sfence  }
0xb7: {  	s30 =	sld [smem:$0x0];
	_ =	sdelay $0x2  }
0xb8: {  	s31 =	sshll.u32 s1, $0xD;
	s1 =	sshrl.u32 s1, $0x2  }
0xb9: {  	s3 =	sand.u32 $0x4000, s31;
	s1 =	sadd.s32 s1, s30  }
0xba: {  	s0 =	sor.u32 s3, s0;
	s1 =	sshll.u32 s1, $0x11  }
0xbb: {  	s0 =	sor.u32 s1, s0  }
0xbc: {  	s0 =	sadd.s32 $0x8F2B, s0  }
0xbd: {  	[sflag:s0] =	ssyncadd.remote.s32 $0x1  }
0xbe: {  	_ =	sfence.sel $0xFFFF  }
0xbf: {  	[dreg:$0x0] =	wrdreg $0xFFFFFFFF;
	(pc) =	sbr.abs _section_cstart, $3  }
0xc0: {  	[dreg:$0x1] =	wrdreg $0xFFFFFFFF  }
0xc1: {  	_ =	task.clear_ibuf [dreg:s6], $0x2FFFF;
	_ =	strace $0x9FFFFFFF  }
0xc2: {  	(tm) =	ssettm $0x7FFFFFFF  }
0xc3: {  	_ =	shalt  }
tec
execute0_lowered:
.L_overlay_start_1:
0x0: {  	(tag) =	ssettag $0x1  }
0x1: {  	s0 =	rddreg [dreg:$0x0]  }
0x2: {  	s1 =	rddreg [dreg:$0x1];
	s3 =	simm.s32 $0x0  }
0x3: {  	s2 =	srdreg.scid;
	s19 =	stileid.u32;
	s28 =	simm.s32 $0x300  }
0x4: {  	s29 =	simm.s32 $0x200;
	s30 =	simm.s32 $0x4300;
	s31 =	simm.s32 $0x100  }
0x5: {  	[smem:$0x7FF] =	sst s3;
	s2 =	sand.u32 $0x1, s2;
	s5 =	smul.u32 $0xC80, s19  }
0x6: {  	s4 =	sadd.s32 $0x3EC00, s0;
	s7 =	sadd.s32 $0x3E00, s0;
	s9 =	sadd.s32 $0xDC00, s0  }
0x7: {  	p0 =	slt.u32 s19, $0x2;
	s10 =	sshll.u32 s19, $0x5;
	s23 =	smul.u32 $0x19000, s19  }
0x8: {  	_ =	strace $0x8000004D;
	s6 =	ssub.s32 $0x2, s2;
	s11 =	sshll.u32 s2, $0x4  }
0x9: {  	s2 =	smul.u32 $0x27100, s2;
	s8 =	sshrl.u32 s6, $0x1;
	s0 =	sadd.s32 s5, s0  }
0xa: {  	s5 =	simm.s32 $0x4;
	s12 =	sor.u32 s11, s10;
	s26 =	sshrl.u32 s23, $0x2  }
0xb: {  	s8 =	ssub.s32 s6, s8;
	s6 =	simm.s32 $0x4;
	s13 =	sadd.s32 s7, s12  }
0xc: {  	s15 =	sor.u32 $0x200, s12;
	s14 =	sadd.s32 s9, s12;
	s17 =	sor.u32 $0x400, s12  }
0xd: {  	s20 =	sor.u32 $0x9C00, s12;
	s22 =	sor.u32 $0xA00, s12;
	s12 =	sor.u32 $0x800, s12  }
0xe: {  	s25 =	sadd.s32 $0x17A00, s0;
	s0 =	sadd.s32 s2, s0;
	[dreg:$0x3] =	wrdreg s13  }
0xf: {  	s2 =	simm.s32 $0x8300;
	s6 =	simm.s32 @!p0 $0x3;
	[dreg:$0x4] =	wrdreg s14  }
0x10: {  	s16 =	sadd.s32 s7, s15;
	s13 =	sadd.s32 s9, s15;
	[dreg:$0xc] =	wrdreg s25  }
0x11: {  	s18 =	sadd.s32 s7, s17;
	s14 =	sadd.s32 s9, s17;
	[dreg:$0x5] =	wrdreg s16  }
0x12: {  	s21 =	sadd.s32 s7, s20;
	s15 =	sadd.s32 s22, s7;
	[dreg:$0x6] =	wrdreg s13  }
0x13: {  	s17 =	sadd.s32 s12, s7;
	s7 =	sadd.s32 s10, s7;
	[dreg:$0x7] =	wrdreg s18  }
0x14: {  	s8 =	smax.u32 s8, $0x1;
	s0 =	sadd.s32 $0x65E00, s0;
	[dreg:$0x8] =	wrdreg s14  }
0x15: {  	s25 =	simm.s32 $0x180;
	p0 =	sgt.u32 s19, $0x1;
	[dreg:$0x9] =	wrdreg s21  }
0x16: {  	s13 =	sadd.s32 s9, s20;
	s16 =	sadd.s32 s22, s9;
	s18 =	sadd.s32 s12, s9  }
0x17: {  	s9 =	sadd.s32 s10, s9;
	[dreg:$0xb] =	wrdreg s8;
	s7 =	sadd.s32 s11, s7  }
0x18: {  	s20 =	sadd.s32 s26, s1;
	[dreg:$0xd] =	wrdreg s0;
	s26 =	simm.s32 $0x80  }
0x19: {  	s0 =	simm.s32 $0x280;
	s8 =	simm.s32 $0x2;
	s10 =	simm.s32 $0x0  }
0x1a: {  	[dreg:$0xa] =	wrdreg s13;
	s24 =	sadd.s32 s11, s9;
	s23 =	sadd.s32 $0x600, s7  }
0x1b: {  	s7 =	simm.s32 $0x1;
	s9 =	simm.s32 $0x3;
	s22 =	sadd.s32 $0x600, s24  }
.LBB2_1:
0x1c: {  	p1 =	sne.s32 s6, $0x1  }
.Ltmp0:
0x1d: {  	s11 =	stileid.u32;
	(pc) =	sbr.rel @!p1 .LBB2_3-.Ltmp0, $4  }
0x1e: {  	s12 =	sshrl.u32 s20, $0x3;
	s13 =	sshll.u32 s11, $0x6  }
0x1f: {  	s19 =	rddreg [dreg:$0xc];
	s14 =	sadd.s32 $0xFFFFFFFF, s6;
	s11 =	sor.u32 $0x1C04, s13  }
0x20: {  	[spmem:s12], [sflag:s11] =	dma.local [hbm:s19], $0xC80  }
0x21: {  	s21 =	smov.u32 s20;
	s19 =	sadd.s32 $0xC800, s19;
	_ =	swait.ge [sflag:s5], $0xC80  }
.LBB2_2:
0x22: {  	[sflag:s5] =	ssyncset.done $0x0  }
0x23: {  	s21 =	sadd.s32 $0x64000, s21;
	s11 =	sor.u32 $0x1C04, s13;
	p2 =	sne.s32 s14, $0x1  }
.Ltmp1:
0x24: {  	s24 =	sshrl.u32 s21, $0x3;
	[sflag:s5] =	ssyncadd.s32 $0xFFFFF380;
	(pc) =	sbr.rel @p2 .LBB2_2-.Ltmp1, $3  }
0x25: {  	[spmem:s24], [sflag:s11] =	dma.local [hbm:s19], $0xC80  }
0x26: {  	s14 =	sadd.s32 $0xFFFFFFFF, s14;
	_ =	sdelay $0x1  }
0x27: {  	s19 =	sadd.s32 $0xC800, s19;
	_ =	swait.ge [sflag:s5], $0xC80  }
.LBB2_3:
0x28: {  	[sflag:s5] =	ssyncset.done $0x0  }
0x29: {  	[sflag:s5] =	ssyncadd.s32 $0xFFFFF380  }
0x2a: {  	[bflag:$0x0] =	sbarrier.arrive $0xFFFF  }
0x2b: {  	s13 =	simm.s32 $0x0;
	s14 =	rddreg [dreg:$0x3]  }
0x2c: {  	[tilespmem:s13], [sflag:$0x4] =	stream.linear.gather [hbm4b:s14+s13], $0x80, $0x38;
	[tilespmem:$0x1FB80] =	vst v63  }
0x2d: {  	_ =	swait.ge [sflag:s5], $0x80  }
0x2e: {  	[sflag:s5] =	ssyncset.done $0x0  }
0x2f: {  	s24 =	rddreg [dreg:$0x4];
	[sflag:s5] =	ssyncadd.s32 $0xFFFFFF80  }
0x30: {  	[tilespmem:s25], [sflag:$0x4] =	stream.linear.gather [hbm4b:s24+s13], $0x80, $0x38;
	[tilespmem:$0x1FB80] =	vst v63  }
0x31: {  	_ =	swait.ge [sflag:s5], $0x80  }
0x32: {  	[sflag:s5] =	ssyncset.done $0x0  }
0x33: {  	[sflag:s5] =	ssyncadd.s32 $0xFFFFFF80  }
0x34: {  	[tilespmem:s28], [sflag:$0x1] =	stream.indirect.gather [hbm4b:s4+s26], $0x80, s13, s26, $0xb8;
	[tilespmem:$0x1FB80] =	vst v63  }
0x35: {  	s19 =	rddreg [dreg:$0x5]  }
0x36: {  	[tilespmem:s26], [sflag:$0x4] =	stream.linear.gather [hbm4b:s19+s13], $0x80, $0x38;
	[tilespmem:$0x1FB80] =	vst v63  }
0x37: {  	_ =	swait.ge [sflag:s5], $0x80  }
0x38: {  	[sflag:s5] =	ssyncset.done $0x0  }
0x39: {  	s21 =	rddreg [dreg:$0x6];
	[sflag:s5] =	ssyncadd.s32 $0xFFFFFF80  }
0x3a: {  	[tilespmem:s29], [sflag:$0x4] =	stream.linear.gather [hbm4b:s21+s13], $0x80, $0x38;
	[tilespmem:$0x1FB80] =	vst v63  }
0x3b: {  	_ =	swait.ge [sflag:s5], $0x80  }
0x3c: {  	[sflag:s5] =	ssyncset.done $0x0  }
0x3d: {  	[sflag:s5] =	ssyncadd.s32 $0xFFFFFF80  }
0x3e: {  	[tilespmem:s30], [sflag:$0x2] =	stream.indirect.gather [hbm4b:s4+s26], $0x80, s26, s26, $0xb8;
	[tilespmem:$0x1FB80] =	vst v63  }
0x3f: {  	s24 =	rddreg [dreg:$0x7]  }
0x40: {  	[tilespmem:s31], [sflag:$0x4] =	stream.linear.gather [hbm4b:s24+s13], $0x80, $0x38;
	[tilespmem:$0x1FB80] =	vst v63  }
0x41: {  	_ =	swait.ge [sflag:s5], $0x80  }
0x42: {  	[sflag:s5] =	ssyncset.done $0x0  }
0x43: {  	s19 =	rddreg [dreg:$0x8];
	[sflag:s5] =	ssyncadd.s32 $0xFFFFFF80  }
0x44: {  	[tilespmem:s0], [sflag:$0x4] =	stream.linear.gather [hbm4b:s19+s13], $0x80, $0x38;
	[tilespmem:$0x1FB80] =	vst v63  }
0x45: {  	_ =	swait.ge [sflag:s5], $0x80  }
0x46: {  	[sflag:s5] =	ssyncset.done $0x0  }
0x47: {  	[sflag:s5] =	ssyncadd.s32 $0xFFFFFF80  }
0x48: {  	[tilespmem:s2], [sflag:$0x3] =	stream.indirect.gather [hbm4b:s4+s26], $0x80, s31, s26, $0xb8;
	[tilespmem:$0x1FB80] =	vst v63  }
0x49: {  	_ =	swait.ge [sflag:s7], $0x4000  }
0x4a: {  	[sflag:s7] =	ssyncset.done $0x0  }
0x4b: {  	[sflag:s7] =	ssyncadd.s32 $0xFFFFC000  }
0x4c: {  	[spmem:s1] =	stream.indirect.scatter.add.f32 [tilespmem:s28], [sflag:$0x4], $0x80, s25, s26, $0xb8;
	[tilespmem:$0x1FB80] =	vst v63  }
0x4d: {  	_ =	swait.ge [sflag:s5], $0x4000  }
0x4e: {  	[sflag:s5] =	ssyncset.done $0x0  }
0x4f: {  	s21 =	sadd.s32 $0x0, s23;
	[sflag:s5] =	ssyncadd.s32 $0xFFFFC000  }
0x50: {  	[tilespmem:s3], [sflag:$0x4] =	stream.linear.gather [hbm4b:s21+s3], $0x80, $0x38;
	[tilespmem:$0x1FB80] =	vst v63  }
0x51: {  	_ =	swait.ge [sflag:s5], $0x80  }
0x52: {  	[sflag:s5] =	ssyncset.done $0x0  }
0x53: {  	s24 =	sadd.s32 $0x0, s22;
	[sflag:s5] =	ssyncadd.s32 $0xFFFFFF80  }
0x54: {  	[tilespmem:s25], [sflag:$0x4] =	stream.linear.gather [hbm4b:s24+s3], $0x80, $0x38;
	[tilespmem:$0x1FB80] =	vst v63  }
0x55: {  	_ =	swait.ge [sflag:s5], $0x80  }
0x56: {  	[sflag:s5] =	ssyncset.done $0x0  }
0x57: {  	[sflag:s5] =	ssyncadd.s32 $0xFFFFFF80  }
0x58: {  	[tilespmem:s28], [sflag:$0x1] =	stream.indirect.gather [hbm4b:s4+s26], $0x80, s3, s26, $0xb8;
	[tilespmem:$0x1FB80] =	vst v63  }
0x59: {  	_ =	swait.ge [sflag:s8], $0x4000  }
0x5a: {  	[sflag:s8] =	ssyncset.done $0x0  }
0x5b: {  	[sflag:s8] =	ssyncadd.s32 $0xFFFFC000  }
0x5c: {  	[spmem:s1] =	stream.indirect.scatter.add.f32 [tilespmem:s30], [sflag:$0x4], $0x80, s29, s26, $0xb8;
	[tilespmem:$0x1FB80] =	vst v63  }
0x5d: {  	_ =	swait.ge [sflag:s5], $0x4000  }
0x5e: {  	[sflag:s5] =	ssyncset.done $0x0  }
0x5f: {  	s14 =	sadd.s32 $0x0, s17;
	[sflag:s5] =	ssyncadd.s32 $0xFFFFC000  }
0x60: {  	[tilespmem:s26], [sflag:$0x4] =	stream.linear.gather [hbm4b:s14+s3], $0x80, $0x38;
	[tilespmem:$0x1FB80] =	vst v63  }
0x61: {  	_ =	swait.ge [sflag:s5], $0x80  }
0x62: {  	[sflag:s5] =	ssyncset.done $0x0  }
0x63: {  	s19 =	sadd.s32 $0x0, s18;
	[sflag:s5] =	ssyncadd.s32 $0xFFFFFF80  }
0x64: {  	[tilespmem:s29], [sflag:$0x4] =	stream.linear.gather [hbm4b:s19+s3], $0x80, $0x38;
	[tilespmem:$0x1FB80] =	vst v63  }
0x65: {  	_ =	swait.ge [sflag:s5], $0x80  }
0x66: {  	[sflag:s5] =	ssyncset.done $0x0  }
0x67: {  	[sflag:s5] =	ssyncadd.s32 $0xFFFFFF80  }
0x68: {  	[tilespmem:s30], [sflag:$0x2] =	stream.indirect.gather [hbm4b:s4+s26], $0x80, s26, s26, $0xb8;
	[tilespmem:$0x1FB80] =	vst v63  }
0x69: {  	_ =	swait.ge [sflag:s9], $0x4000  }
0x6a: {  	[sflag:s9] =	ssyncset.done $0x0  }
0x6b: {  	[sflag:s9] =	ssyncadd.s32 $0xFFFFC000  }
0x6c: {  	[spmem:s1] =	stream.indirect.scatter.add.f32 [tilespmem:s2], [sflag:$0x4], $0x80, s0, s26, $0xb8;
	[tilespmem:$0x1FB80] =	vst v63  }
0x6d: {  	_ =	swait.ge [sflag:s5], $0x4000  }
0x6e: {  	[sflag:s5] =	ssyncset.done $0x0  }
0x6f: {  	s21 =	sadd.s32 $0x0, s15;
	[sflag:s5] =	ssyncadd.s32 $0xFFFFC000  }
0x70: {  	[tilespmem:s31], [sflag:$0x4] =	stream.linear.gather [hbm4b:s21+s3], $0x80, $0x38;
	[tilespmem:$0x1FB80] =	vst v63  }
0x71: {  	_ =	swait.ge [sflag:s5], $0x80  }
0x72: {  	[sflag:s5] =	ssyncset.done $0x0  }
0x73: {  	s24 =	sadd.s32 $0x0, s16;
	[sflag:s5] =	ssyncadd.s32 $0xFFFFFF80  }
0x74: {  	[tilespmem:s0], [sflag:$0x4] =	stream.linear.gather [hbm4b:s24+s3], $0x80, $0x38;
	[tilespmem:$0x1FB80] =	vst v63  }
0x75: {  	_ =	swait.ge [sflag:s5], $0x80  }
0x76: {  	[sflag:s5] =	ssyncset.done $0x0  }
0x77: {  	s13 =	simm.s32 $0x600;
	[sflag:s5] =	ssyncadd.s32 $0xFFFFFF80  }
.LBB2_4:
0x78: {  	[tilespmem:s2], [sflag:$0x3] =	stream.indirect.gather [hbm4b:s4+s26], $0x80, s31, s26, $0xb8;
	[tilespmem:$0x1FB80] =	vst v63  }
0x79: {  	s14 =	smov.u32 s13  }
0x7a: {  	p2 =	sne.s32 s13, $0x9000;
	s13 =	sadd.s32 $0x600, s13;
	_ =	swait.ge [sflag:s7], $0x4000  }
0x7b: {  	[sflag:s7] =	ssyncset.done $0x0  }
0x7c: {  	[sflag:s7] =	ssyncadd.s32 $0xFFFFC000  }
0x7d: {  	[spmem:s1] =	stream.indirect.scatter.add.f32 [tilespmem:s28], [sflag:$0x4], $0x80, s25, s26, $0xb8;
	[tilespmem:$0x1FB80] =	vst v63  }
0x7e: {  	_ =	swait.ge [sflag:s5], $0x4000  }
0x7f: {  	[sflag:s5] =	ssyncset.done $0x0  }
0x80: {  	s19 =	sadd.s32 s14, s23;
	[sflag:s5] =	ssyncadd.s32 $0xFFFFC000  }
0x81: {  	[tilespmem:s3], [sflag:$0x4] =	stream.linear.gather [hbm4b:s19+s3], $0x80, $0x38;
	[tilespmem:$0x1FB80] =	vst v63  }
0x82: {  	_ =	swait.ge [sflag:s5], $0x80  }
0x83: {  	[sflag:s5] =	ssyncset.done $0x0  }
0x84: {  	s19 =	sadd.s32 s14, s22;
	[sflag:s5] =	ssyncadd.s32 $0xFFFFFF80  }
0x85: {  	[tilespmem:s25], [sflag:$0x4] =	stream.linear.gather [hbm4b:s19+s3], $0x80, $0x38;
	[tilespmem:$0x1FB80] =	vst v63  }
0x86: {  	_ =	swait.ge [sflag:s5], $0x80  }
0x87: {  	[sflag:s5] =	ssyncset.done $0x0  }
0x88: {  	[sflag:s5] =	ssyncadd.s32 $0xFFFFFF80  }
0x89: {  	[tilespmem:s28], [sflag:$0x1] =	stream.indirect.gather [hbm4b:s4+s26], $0x80, s3, s26, $0xb8;
	[tilespmem:$0x1FB80] =	vst v63  }
0x8a: {  	_ =	swait.ge [sflag:s8], $0x4000  }
0x8b: {  	[sflag:s8] =	ssyncset.done $0x0  }
0x8c: {  	[sflag:s8] =	ssyncadd.s32 $0xFFFFC000  }
0x8d: {  	[spmem:s1] =	stream.indirect.scatter.add.f32 [tilespmem:s30], [sflag:$0x4], $0x80, s29, s26, $0xb8;
	[tilespmem:$0x1FB80] =	vst v63  }
0x8e: {  	_ =	swait.ge [sflag:s5], $0x4000  }
0x8f: {  	[sflag:s5] =	ssyncset.done $0x0  }
0x90: {  	s19 =	sadd.s32 s14, s17;
	[sflag:s5] =	ssyncadd.s32 $0xFFFFC000  }
0x91: {  	[tilespmem:s26], [sflag:$0x4] =	stream.linear.gather [hbm4b:s19+s3], $0x80, $0x38;
	[tilespmem:$0x1FB80] =	vst v63  }
0x92: {  	_ =	swait.ge [sflag:s5], $0x80  }
0x93: {  	[sflag:s5] =	ssyncset.done $0x0  }
0x94: {  	s19 =	sadd.s32 s14, s18;
	[sflag:s5] =	ssyncadd.s32 $0xFFFFFF80  }
0x95: {  	[tilespmem:s29], [sflag:$0x4] =	stream.linear.gather [hbm4b:s19+s3], $0x80, $0x38;
	[tilespmem:$0x1FB80] =	vst v63  }
0x96: {  	_ =	swait.ge [sflag:s5], $0x80  }
0x97: {  	[sflag:s5] =	ssyncset.done $0x0  }
0x98: {  	[sflag:s5] =	ssyncadd.s32 $0xFFFFFF80  }
0x99: {  	[tilespmem:s30], [sflag:$0x2] =	stream.indirect.gather [hbm4b:s4+s26], $0x80, s26, s26, $0xb8;
	[tilespmem:$0x1FB80] =	vst v63  }
0x9a: {  	_ =	swait.ge [sflag:s9], $0x4000  }
0x9b: {  	[sflag:s9] =	ssyncset.done $0x0  }
0x9c: {  	[sflag:s9] =	ssyncadd.s32 $0xFFFFC000  }
0x9d: {  	[spmem:s1] =	stream.indirect.scatter.add.f32 [tilespmem:s2], [sflag:$0x4], $0x80, s0, s26, $0xb8;
	[tilespmem:$0x1FB80] =	vst v63  }
0x9e: {  	_ =	swait.ge [sflag:s5], $0x4000  }
0x9f: {  	[sflag:s5] =	ssyncset.done $0x0  }
0xa0: {  	s19 =	sadd.s32 s14, s15;
	[sflag:s5] =	ssyncadd.s32 $0xFFFFC000  }
0xa1: {  	[tilespmem:s31], [sflag:$0x4] =	stream.linear.gather [hbm4b:s19+s3], $0x80, $0x38;
	[tilespmem:$0x1FB80] =	vst v63  }
0xa2: {  	_ =	swait.ge [sflag:s5], $0x80  }
0xa3: {  	[sflag:s5] =	ssyncset.done $0x0  }
.Ltmp2:
0xa4: {  	s14 =	sadd.s32 s14, s16;
	[sflag:s5] =	ssyncadd.s32 $0xFFFFFF80;
	(pc) =	sbr.rel @p2 .LBB2_4-.Ltmp2, $4  }
0xa5: {  	[tilespmem:s0], [sflag:$0x4] =	stream.linear.gather [hbm4b:s14+s3], $0x80, $0x38;
	[tilespmem:$0x1FB80] =	vst v63  }
0xa6: {  	_ =	swait.ge [sflag:s5], $0x80  }
0xa7: {  	[sflag:s5] =	ssyncset.done $0x0  }
0xa8: {  	[sflag:s5] =	ssyncadd.s32 $0xFFFFFF80  }
0xa9: {  	[tilespmem:s2], [sflag:$0x3] =	stream.indirect.gather [hbm4b:s4+s26], $0x80, s31, s26, $0xb8;
	[tilespmem:$0x1FB80] =	vst v63  }
0xaa: {  	_ =	swait.ge [sflag:s7], $0x4000  }
0xab: {  	[sflag:s7] =	ssyncset.done $0x0  }
0xac: {  	[sflag:s7] =	ssyncadd.s32 $0xFFFFC000  }
0xad: {  	[spmem:s1] =	stream.indirect.scatter.add.f32 [tilespmem:s28], [sflag:$0x4], $0x80, s25, s26, $0xb8;
	[tilespmem:$0x1FB80] =	vst v63  }
0xae: {  	_ =	swait.ge [sflag:s5], $0x4000  }
0xaf: {  	[sflag:s5] =	ssyncset.done $0x0  }
0xb0: {  	[sflag:s5] =	ssyncadd.s32 $0xFFFFC000  }
0xb1: {  	_ =	swait.ge [sflag:s8], $0x4000  }
0xb2: {  	[sflag:s8] =	ssyncset.done $0x0  }
0xb3: {  	[sflag:s8] =	ssyncadd.s32 $0xFFFFC000  }
0xb4: {  	[spmem:s1] =	stream.indirect.scatter.add.f32 [tilespmem:s30], [sflag:$0x4], $0x80, s29, s26, $0xb8;
	[tilespmem:$0x1FB80] =	vst v63  }
0xb5: {  	_ =	swait.ge [sflag:s5], $0x4000  }
0xb6: {  	[sflag:s5] =	ssyncset.done $0x0  }
0xb7: {  	[sflag:s5] =	ssyncadd.s32 $0xFFFFC000  }
0xb8: {  	_ =	swait.ge [sflag:s9], $0x4000  }
0xb9: {  	[sflag:s9] =	ssyncset.done $0x0  }
0xba: {  	[sflag:s9] =	ssyncadd.s32 $0xFFFFC000  }
0xbb: {  	[spmem:s1] =	stream.indirect.scatter.add.f32 [tilespmem:s2], [sflag:$0x4], $0x80, s0, s26, $0xb8;
	[tilespmem:$0x1FB80] =	vst v63  }
0xbc: {  	_ =	swait.ge [sflag:s5], $0x4000  }
0xbd: {  	[sflag:s5] =	ssyncset.done $0x0  }
0xbe: {  	s13 =	simm.s32 @!p0 $0x0;
	s14 =	rddreg [dreg:$0x9];
	[sflag:s5] =	ssyncadd.s32 $0xFFFFC000  }
0xbf: {  	[tilespmem:s13], [sflag:$0x4] =	stream.linear.gather @!p0 [hbm4b:s14+s13], $0x80, $0x38;
	[tilespmem:$0x1FB80] =	vst v63  }
0xc0: {  	s14 =	simm.s32 @!p0 $0x4  }
0xc1: {  	_ =	swait.ge @!p0 [sflag:s14], $0x80  }
0xc2: {  	[sflag:s14] =	ssyncset.done @!p0 $0x0  }
0xc3: {  	s19 =	simm.s32 @!p0 $0x180;
	s21 =	rddreg [dreg:$0xa];
	[sflag:s14] =	ssyncadd.s32 @!p0 $0xFFFFFF80  }
0xc4: {  	[tilespmem:s19], [sflag:$0x4] =	stream.linear.gather @!p0 [hbm4b:s21+s13], $0x80, $0x38;
	[tilespmem:$0x1FB80] =	vst v63  }
0xc5: {  	_ =	swait.ge @!p0 [sflag:s14], $0x80  }
0xc6: {  	[sflag:s14] =	ssyncset.done @!p0 $0x0  }
0xc7: {  	s24 =	simm.s32 @!p0 $0x300;
	s21 =	simm.s32 @!p0 $0x80;
	[sflag:s14] =	ssyncadd.s32 @!p0 $0xFFFFFF80  }
0xc8: {  	[tilespmem:s24], [sflag:$0x1] =	stream.indirect.gather @!p0 [hbm4b:s4+s21], $0x80, s13, s21, $0xb8;
	[tilespmem:$0x1FB80] =	vst v63  }
0xc9: {  	s13 =	simm.s32 @!p0 $0x1  }
0xca: {  	_ =	swait.ge @!p0 [sflag:s13], $0x4000  }
0xcb: {  	[sflag:s13] =	ssyncset.done @!p0 $0x0  }
0xcc: {  	[sflag:s13] =	ssyncadd.s32 @!p0 $0xFFFFC000  }
0xcd: {  	[spmem:s1] =	stream.indirect.scatter.add.f32 @!p0 [tilespmem:s24], [sflag:$0x4], $0x80, s19, s21, $0xb8;
	[tilespmem:$0x1FB80] =	vst v63  }
0xce: {  	_ =	swait.ge @!p0 [sflag:s14], $0x4000  }
0xcf: {  	[sflag:s14] =	ssyncset.done @!p0 $0x0  }
0xd0: {  	[sflag:s14] =	ssyncadd.s32 @!p0 $0xFFFFC000  }
.Ltmp3:
0xd1: {  	[bflag:$0x0] =	sbarrier.arrive $0xFFFF;
	(pc) =	sbr.rel @!p1 .LBB2_7-.Ltmp3, $4  }
0xd2: {  	s14 =	rddreg [dreg:$0xd]  }
0xd3: {  	[hbm:s14], [sflag:s11] =	dma.local [spmem:s12], $0xC80  }
0xd4: {  	_ =	swait.ge [sflag:s5], $0xC80  }
0xd5: {  	s13 =	sadd.s32 $0x64000, s20;
	s12 =	sadd.s32 $0xFFFFFFFF, s6;
	[sflag:s5] =	ssyncset.done $0x0  }
.LBB2_6:
0xd6: {  	s19 =	sshrl.u32 s13, $0x3  }
0xd7: {  	[sflag:s5] =	ssyncadd.s32 $0xFFFFF380;
	s14 =	sadd.s32 $0xC800, s14;
	p1 =	sne.s32 s12, $0x1  }
0xd8: {  	[hbm:s14], [sflag:s11] =	dma.local [spmem:s19], $0xC80  }
.Ltmp4:
0xd9: {  	_ = 	snop;
	(pc) =	sbr.rel @p1 .LBB2_6-.Ltmp4, $4  }
0xda: {  	_ = 	snop  }
0xdb: {  	s12 =	sadd.s32 $0xFFFFFFFF, s12  }
0xdc: {  	_ =	swait.ge [sflag:s5], $0xC80  }
0xdd: {  	s13 =	sadd.s32 $0x64000, s13;
	[sflag:s5] =	ssyncset.done $0x0  }
.LBB2_7:
0xde: {  	s10 =	sadd.s32 $0x1, s10;
	s11 =	rddreg [dreg:$0xb]  }
0xdf: {  	p1 =	sne.s32 s10, s11  }
.Ltmp5:
0xe0: {  	_ = 	snop;
	(pc) =	sbr.rel @p1 .LBB2_1-.Ltmp5, $2  }
0xe1: {  	_ =	sdelay $0x2  }
0xe2: {  	[sflag:s5] =	ssyncadd.s32 $0xFFFFF380  }
0xe3: {  	_ =	sfence.sel $0x180000  }
0xe4: {  	[bflag:$0x0] =	sbarrier.arrive $0xFFFF  }
0xe5: {  	_ =	strace $0x9000004D  }
0xe6: {  	s0 =	stileid.u32;
	[bflag:$0x2] =	sbarrier.arrive $0xFFFF  }
0xe7: {  	p0 =	sne.s32 s0, $0x0;
	s0 =	rddreg [dreg:$0x2]  }
0xe8: {  	s0 =	sadd.s32 @!p0 $0x100000, s0  }
0xe9: {  	[sflag:s0] =	ssyncadd.tile.s32 @!p0 $0x1;
	_ =	shalt  }
.Lfunc_end2:
_tile_overlayer_lowered:
.L_overlay_start_2:
0xea: {  	(tag) =	ssettag $0x2  }
0xeb: {  	s0 =	rddreg [dreg:$0x0];
	s2 =	stileid.u32  }
0xec: {  	s1 =	rddreg [dreg:$0x1];
	p0 =	sne.s32 s2, $0x0  }
0xed: {  	s3 =	rddreg [dreg:$0x2];
	[bflag:$0x3] =	sbarrier.arrive $0xFFFF;
	s2 =	simm.s32 @!p0 $0x1C04  }
0xee: {  	[timem:s3], [sflag:s2] =	dma.local @!p0 [hbm:s0], s1  }
0xef: {  	s0 =	simm.s32 @!p0 $0x4  }
0xf0: {  	_ =	swait.ge @!p0 [sflag:s0], s1  }
0xf1: {  	s1 =	ssub.s32 @!p0 $0x0, s1;
	[sflag:s0] =	ssyncset.done @!p0 $0x0  }
0xf2: {  	[sflag:s0] =	ssyncadd.s32 @!p0 s1  }
0xf3: {  	[bflag:$0x3] =	sbarrier.arrive $0xFFFF  }
0xf4: {  	_ =	shalt  }

</sc_bundles>
